<compile_context>
chip_gen: v7x
topology: tpu7x:2x2x1
jax: 0.10.2.dev20260603
libtpu: 0.0.44.dev20260713+nightly
codegen_flags: <defaults>
</compile_context>

<pallas_src>
import functools

import jax
import jax.numpy as jnp
from jax import lax
from jax.experimental import pallas as pl
from jax.experimental.pallas import tpu as pltpu, tpu_sc as plsc

_C = 64


def _sc_gather_t(B: int, D: int, N: int):
    info = plsc.get_sparse_core_info()
    NC, NS = info.num_cores, info.num_subcores
    NW = NC * NS
    assert B % (8 * NW) == 0 and D == 64
    b_per_w = B // NW
    n_chunks = b_per_w // _C
    assert n_chunks * _C == b_per_w
    mesh = plsc.VectorSubcoreMesh(core_axis_name="c", subcore_axis_name="s")

    @functools.partial(
        pl.kernel,
        mesh=mesh,
        out_type=jax.ShapeDtypeStruct((8, 8, B), jnp.float32),
        compiler_params=pltpu.CompilerParams(needs_layout_passes=False),
        scratch_types=[
            pltpu.VMEM((b_per_w,), jnp.int32),
            pltpu.VMEM((8, 8, _C * 16), jnp.float32),
            pltpu.VMEM((8, 8, b_per_w), jnp.float32),
            pltpu.SemaphoreType.DMA,
        ],
    )
    def gather_kernel(idx_hbm, table_hbm, out_hbm, idx_v, st_v, ob_v, sem):
        wid = lax.axis_index("s") * NC + lax.axis_index("c")
        base = wid * b_per_w
        pltpu.sync_copy(idx_hbm.at[pl.ds(base, b_per_w)], idx_v)

        lane = lax.iota(jnp.int32, 16)

        def chunk_body(k):
            def fire(g):
                v = idx_v[pl.ds(k * _C + g * 16, 16)]
                vb = jax.lax.shift_right_logical(v, 4)
                for l in range(16):
                    pltpu.async_copy(
                        table_hbm.at[:, :, pl.ds(vb[l] * 16, 16)],
                        st_v.at[:, :, pl.ds((g * 16 + l) * 16, 16)],
                        sem,
                    )

            pl.loop(0, _C // 16)(fire)
            pltpu.make_async_copy(
                table_hbm.at[:, :, pl.ds(0, _C * 16)], st_v, sem
            ).wait()

            def extract(g):
                v = idx_v[pl.ds(k * _C + g * 16, 16)]
                src_lane = (lane + g * 16) * 16 + jax.lax.bitwise_and(v, 15)
                for tj in range(8):
                    for s in range(8):
                        val = plsc.load_gather(
                            st_v,
                            [jnp.full((16,), tj, jnp.int32),
                             jnp.full((16,), s, jnp.int32),
                             src_lane],
                        )
                        ob_v[tj, s, pl.ds(k * _C + g * 16, 16)] = val

            pl.loop(0, _C // 16)(extract)

        pl.loop(0, n_chunks)(chunk_body)
        pltpu.sync_copy(ob_v, out_hbm.at[:, :, pl.ds(base, b_per_w)])

    return gather_kernel


def kernel(batch_ids, latents):
    B = batch_ids.shape[0]
    N, D = latents.shape
    idx = batch_ids.astype(jnp.int32)
    table_t = latents.T.reshape(8, 8, N)
    out_t = _sc_gather_t(B, D, N)(idx, table_t)
    return out_t.reshape(D, B).T.reshape(B, 1, 1, D)

# --- scband reference (transcript-rebuilt; emitter-appended) ---
"""Pipeline reference for scband-latent-container-32418413150760 (READ-ONLY COPY).

The authoritative reference and input builder live on the scoring server;
editing this copy changes nothing except your own understanding.
"""

import jax, jax.numpy as jnp
import numpy as np

N_SAMPLES = 1000000
N_FEATURES = 64
BATCH = 16384
DIMS = 2  # number of singleton dims inserted between N and f


def setup_inputs(seed: int = 0) -> dict:
    key = jax.random.key(seed)
    k1, k2 = jax.random.split(key)
    batch_ids = jax.random.randint(k1, (BATCH,), 0, N_SAMPLES, dtype=jnp.int64 if jax.config.jax_enable_x64 else jnp.int32)
    # The torch module initializes latents to zeros; use small random values so
    # the output is non-trivial while remaining a faithful parameter tensor.
    latents = jax.random.normal(k2, (N_SAMPLES, N_FEATURES), dtype=jnp.float32) * 0.02
    return {"batch_ids": batch_ids, "latents": latents}


def reference(batch_ids, latents):
    # gather rows: latents[batch_ids] -> [B, f]
    gathered = jnp.take(latents, batch_ids, axis=0)
    # rearrange 'N f -> N 1 1 f' (dims=2, lumped=False)
    new_shape = (gathered.shape[0],) + (1,) * DIMS + (gathered.shape[1],)
    return gathered.reshape(new_shape)

if __name__ == "__main__":
    import jax
    _d = setup_inputs()
    print(jax.jit(kernel)(*tuple(_d.values())))

</pallas_src>

<mosaic_0001>
#map = affine_map<(d0, d1) -> (0)>
#map1 = affine_map<(d0, d1) -> (0, 0, 0)>
module attributes {stable_mosaic.version = 14 : i64} {
  func.func @gather_kernel(%arg0: i32, %arg1: i32, %arg2: memref<16384xi32, #tpu.memory_space<hbm>>, %arg3: memref<8x8x1000000xf32, #tpu.memory_space<hbm>>, %arg4: memref<8x8x16384xf32, #tpu.memory_space<hbm>>, %arg5: memref<512xi32, #tpu.memory_space<vmem>>, %arg6: memref<8x8x1024xf32, #tpu.memory_space<vmem>>, %arg7: memref<8x8x512xf32, #tpu.memory_space<vmem>>, %arg8: memref<!tpu.dma_semaphore, #tpu.memory_space<semaphore_mem>>) attributes {dimension_semantics = [#tpu.dimension_semantics<core_parallel>, #tpu.dimension_semantics<subcore_parallel>], iteration_bounds = array<i64: 2, 16>, scalar_prefetch = 0 : i64, scratch_operands = 4 : i64, tpu.core_type = #tpu.core_type<sc_vector_subcore>, window_params = [{transform_indices = #map}, {transform_indices = #map1}, {transform_indices = #map1}]} {
    %mul3A = arith.constant 2 : i32
    %mul3A_0 = arith.muli %arg1, %mul3A : i32
    %add3A = arith.addi %mul3A_0, %arg0 : i32
    %mul3A_1 = arith.constant 512 : i32
    %mul3A_2 = arith.muli %add3A, %mul3A_1 : i32
    "tpu.region"() ({
      %run_scoped3A = tpu.sem_alloc : memref<!tpu.dma_semaphore, #tpu.memory_space<semaphore_mem>>
      %dma_start3A = tpu.memref_slice %arg2[%mul3A_2] : memref<16384xi32, #tpu.memory_space<hbm>> -> memref<512xi32, #tpu.memory_space<hbm>>
      %dma_start3A_7 = tpu.memref_slice %arg2[%mul3A_2] : memref<16384xi32, #tpu.memory_space<hbm>> -> memref<512xi32, #tpu.memory_space<hbm>>
      tpu.enqueue_dma source(%dma_start3A_7 : memref<512xi32, #tpu.memory_space<hbm>>) target(%arg5 : memref<512xi32, #tpu.memory_space<vmem>>) target_semaphore(%run_scoped3A : memref<!tpu.dma_semaphore, #tpu.memory_space<semaphore_mem>>)
      %dma_wait3A = tpu.memref_slice %arg2[%mul3A_2] : memref<16384xi32, #tpu.memory_space<hbm>> -> memref<512xi32, #tpu.memory_space<hbm>>
      %dma_wait3A_8 = tpu.memref_slice %arg2[%mul3A_2] : memref<16384xi32, #tpu.memory_space<hbm>> -> memref<512xi32, #tpu.memory_space<hbm>>
      tpu.wait_dma2 semaphore(%run_scoped3A : memref<!tpu.dma_semaphore, #tpu.memory_space<semaphore_mem>>) src(%dma_wait3A_8 : memref<512xi32, #tpu.memory_space<hbm>>) dst(%arg5 : memref<512xi32, #tpu.memory_space<vmem>>)
      tpu.yield
    }) : () -> ()
    %iota3A = tpu.iota {dimensions = array<i32: 0>} : vector<16xi32>
    %scan3A = arith.constant 0 : i32
    %scan3A_3 = arith.constant 8 : i32
    %scan3A_4 = arith.addi %scan3A, %scan3A_3 : i32
    %scan3A_5 = arith.constant 1 : i32
    scf.for %scan3A_7 = %scan3A to %scan3A_4 step %scan3A_5  : i32 {
      %mul3A_8 = arith.constant 1 : i32
      %mul3A_9 = arith.muli %scan3A_7, %mul3A_8 : i32
      %add3A_10 = arith.constant 0 : i32
      %add3A_11 = arith.addi %add3A_10, %mul3A_9 : i32
      %scan3A_12 = arith.constant 0 : i32
      %scan3A_13 = arith.constant 4 : i32
      %scan3A_14 = arith.addi %scan3A_12, %scan3A_13 : i32
      %scan3A_15 = arith.constant 1 : i32
      scf.for %scan3A_29 = %scan3A_12 to %scan3A_14 step %scan3A_15  : i32 {
        %mul3A_30 = arith.constant 1 : i32
        %mul3A_31 = arith.muli %scan3A_29, %mul3A_30 : i32
        %add3A_32 = arith.constant 0 : i32
        %add3A_33 = arith.addi %add3A_32, %mul3A_31 : i32
        %mul3A_34 = arith.constant 64 : i32
        %mul3A_35 = arith.muli %add3A_11, %mul3A_34 : i32
        %mul3A_36 = arith.constant 16 : i32
        %mul3A_37 = arith.muli %add3A_33, %mul3A_36 : i32
        %add3A_38 = arith.addi %mul3A_35, %mul3A_37 : i32
        %get3A = arith.index_cast %add3A_38 : i32 to index
        %get3A_39 = tpu.vector_load %arg5[%get3A] {strides = array<i32>} : memref<512xi32, #tpu.memory_space<vmem>>, vector<16xi32>,
        %shift_right_logical3A = arith.constant 4 : i32
        %shift_right_logical3A_40 = vector.broadcast %shift_right_logical3A : i32 to vector<16xi32>
        %shift_right_logical3A_41 = arith.shrui %get3A_39, %shift_right_logical3A_40 : vector<16xi32>
        %slice3A = vector.extract_strided_slice %shift_right_logical3A_41 {offsets = [0], sizes = [1], strides = [1]} : vector<16xi32> to vector<1xi32>
        %squeeze3A = vector.extract %slice3A[0] : i32 from vector<1xi32>
        %mul3A_42 = arith.constant 16 : i32
        %mul3A_43 = arith.muli %squeeze3A, %mul3A_42 : i32
        %mul3A_44 = arith.constant 16 : i32
        %mul3A_45 = arith.muli %add3A_33, %mul3A_44 : i32
        %add3A_46 = arith.constant 0 : i32
        %add3A_47 = arith.addi %mul3A_45, %add3A_46 : i32
        %mul3A_48 = arith.constant 16 : i32
        %mul3A_49 = arith.muli %add3A_47, %mul3A_48 : i32
        %dma_start3A = arith.constant 0 : i32
        %dma_start3A_50 = arith.constant 0 : i32
        %dma_start3A_51 = tpu.memref_slice %arg6[%dma_start3A, %dma_start3A_50, %mul3A_49] : memref<8x8x1024xf32, #tpu.memory_space<vmem>> -> memref<8x8x16xf32, #tpu.memory_space<vmem>>
        %dma_start3A_52 = arith.constant 0 : i32
        %dma_start3A_53 = arith.constant 0 : i32
        %dma_start3A_54 = tpu.memref_slice %arg3[%dma_start3A_52, %dma_start3A_53, %mul3A_43] : memref<8x8x1000000xf32, #tpu.memory_space<hbm>> -> memref<8x8x16xf32, #tpu.memory_space<hbm>>
        %dma_start3A_55 = arith.constant 0 : i32
        %dma_start3A_56 = arith.constant 0 : i32
        %dma_start3A_57 = tpu.memref_slice %arg6[%dma_start3A_55, %dma_start3A_56, %mul3A_49] : memref<8x8x1024xf32, #tpu.memory_space<vmem>> -> memref<8x8x16xf32, #tpu.memory_space<vmem>>
        %dma_start3A_58 = arith.constant 0 : i32
        %dma_start3A_59 = arith.constant 0 : i32
        %dma_start3A_60 = tpu.memref_slice %arg3[%dma_start3A_58, %dma_start3A_59, %mul3A_43] : memref<8x8x1000000xf32, #tpu.memory_space<hbm>> -> memref<8x8x16xf32, #tpu.memory_space<hbm>>
        tpu.enqueue_dma source(%dma_start3A_60 : memref<8x8x16xf32, #tpu.memory_space<hbm>>) target(%dma_start3A_57 : memref<8x8x16xf32, #tpu.memory_space<vmem>>) target_semaphore(%arg8 : memref<!tpu.dma_semaphore, #tpu.memory_space<semaphore_mem>>)
        %slice3A_61 = vector.extract_strided_slice %shift_right_logical3A_41 {offsets = [1], sizes = [1], strides = [1]} : vector<16xi32> to vector<1xi32>
        %squeeze3A_62 = vector.extract %slice3A_61[0] : i32 from vector<1xi32>
        %mul3A_63 = arith.constant 16 : i32
        %mul3A_64 = arith.muli %squeeze3A_62, %mul3A_63 : i32
        %mul3A_65 = arith.constant 16 : i32
        %mul3A_66 = arith.muli %add3A_33, %mul3A_65 : i32
        %add3A_67 = arith.constant 1 : i32
        %add3A_68 = arith.addi %mul3A_66, %add3A_67 : i32
        %mul3A_69 = arith.constant 16 : i32
        %mul3A_70 = arith.muli %add3A_68, %mul3A_69 : i32
        %dma_start3A_71 = arith.constant 0 : i32
        %dma_start3A_72 = arith.constant 0 : i32
        %dma_start3A_73 = tpu.memref_slice %arg6[%dma_start3A_71, %dma_start3A_72, %mul3A_70] : memref<8x8x1024xf32, #tpu.memory_space<vmem>> -> memref<8x8x16xf32, #tpu.memory_space<vmem>>
        %dma_start3A_74 = arith.constant 0 : i32
        %dma_start3A_75 = arith.constant 0 : i32
        %dma_start3A_76 = tpu.memref_slice %arg3[%dma_start3A_74, %dma_start3A_75, %mul3A_64] : memref<8x8x1000000xf32, #tpu.memory_space<hbm>> -> memref<8x8x16xf32, #tpu.memory_space<hbm>>
        %dma_start3A_77 = arith.constant 0 : i32
        %dma_start3A_78 = arith.constant 0 : i32
        %dma_start3A_79 = tpu.memref_slice %arg6[%dma_start3A_77, %dma_start3A_78, %mul3A_70] : memref<8x8x1024xf32, #tpu.memory_space<vmem>> -> memref<8x8x16xf32, #tpu.memory_space<vmem>>
        %dma_start3A_80 = arith.constant 0 : i32
        %dma_start3A_81 = arith.constant 0 : i32
        %dma_start3A_82 = tpu.memref_slice %arg3[%dma_start3A_80, %dma_start3A_81, %mul3A_64] : memref<8x8x1000000xf32, #tpu.memory_space<hbm>> -> memref<8x8x16xf32, #tpu.memory_space<hbm>>
        tpu.enqueue_dma source(%dma_start3A_82 : memref<8x8x16xf32, #tpu.memory_space<hbm>>) target(%dma_start3A_79 : memref<8x8x16xf32, #tpu.memory_space<vmem>>) target_semaphore(%arg8 : memref<!tpu.dma_semaphore, #tpu.memory_space<semaphore_mem>>)
        %slice3A_83 = vector.extract_strided_slice %shift_right_logical3A_41 {offsets = [2], sizes = [1], strides = [1]} : vector<16xi32> to vector<1xi32>
        %squeeze3A_84 = vector.extract %slice3A_83[0] : i32 from vector<1xi32>
        %mul3A_85 = arith.constant 16 : i32
        %mul3A_86 = arith.muli %squeeze3A_84, %mul3A_85 : i32
        %mul3A_87 = arith.constant 16 : i32
        %mul3A_88 = arith.muli %add3A_33, %mul3A_87 : i32
        %add3A_89 = arith.constant 2 : i32
        %add3A_90 = arith.addi %mul3A_88, %add3A_89 : i32
        %mul3A_91 = arith.constant 16 : i32
        %mul3A_92 = arith.muli %add3A_90, %mul3A_91 : i32
        %dma_start3A_93 = arith.constant 0 : i32
        %dma_start3A_94 = arith.constant 0 : i32
        %dma_start3A_95 = tpu.memref_slice %arg6[%dma_start3A_93, %dma_start3A_94, %mul3A_92] : memref<8x8x1024xf32, #tpu.memory_space<vmem>> -> memref<8x8x16xf32, #tpu.memory_space<vmem>>
        %dma_start3A_96 = arith.constant 0 : i32
        %dma_start3A_97 = arith.constant 0 : i32
        %dma_start3A_98 = tpu.memref_slice %arg3[%dma_start3A_96, %dma_start3A_97, %mul3A_86] : memref<8x8x1000000xf32, #tpu.memory_space<hbm>> -> memref<8x8x16xf32, #tpu.memory_space<hbm>>
        %dma_start3A_99 = arith.constant 0 : i32
        %dma_start3A_100 = arith.constant 0 : i32
        %dma_start3A_101 = tpu.memref_slice %arg6[%dma_start3A_99, %dma_start3A_100, %mul3A_92] : memref<8x8x1024xf32, #tpu.memory_space<vmem>> -> memref<8x8x16xf32, #tpu.memory_space<vmem>>
        %dma_start3A_102 = arith.constant 0 : i32
        %dma_start3A_103 = arith.constant 0 : i32
        %dma_start3A_104 = tpu.memref_slice %arg3[%dma_start3A_102, %dma_start3A_103, %mul3A_86] : memref<8x8x1000000xf32, #tpu.memory_space<hbm>> -> memref<8x8x16xf32, #tpu.memory_space<hbm>>
        tpu.enqueue_dma source(%dma_start3A_104 : memref<8x8x16xf32, #tpu.memory_space<hbm>>) target(%dma_start3A_101 : memref<8x8x16xf32, #tpu.memory_space<vmem>>) target_semaphore(%arg8 : memref<!tpu.dma_semaphore, #tpu.memory_space<semaphore_mem>>)
        %slice3A_105 = vector.extract_strided_slice %shift_right_logical3A_41 {offsets = [3], sizes = [1], strides = [1]} : vector<16xi32> to vector<1xi32>
        %squeeze3A_106 = vector.extract %slice3A_105[0] : i32 from vector<1xi32>
        %mul3A_107 = arith.constant 16 : i32
        %mul3A_108 = arith.muli %squeeze3A_106, %mul3A_107 : i32
        %mul3A_109 = arith.constant 16 : i32
        %mul3A_110 = arith.muli %add3A_33, %mul3A_109 : i32
        %add3A_111 = arith.constant 3 : i32
        %add3A_112 = arith.addi %mul3A_110, %add3A_111 : i32
        %mul3A_113 = arith.constant 16 : i32
        %mul3A_114 = arith.muli %add3A_112, %mul3A_113 : i32
        %dma_start3A_115 = arith.constant 0 : i32
        %dma_start3A_116 = arith.constant 0 : i32
        %dma_start3A_117 = tpu.memref_slice %arg6[%dma_start3A_115, %dma_start3A_116, %mul3A_114] : memref<8x8x1024xf32, #tpu.memory_space<vmem>> -> memref<8x8x16xf32, #tpu.memory_space<vmem>>
        %dma_start3A_118 = arith.constant 0 : i32
        %dma_start3A_119 = arith.constant 0 : i32
        %dma_start3A_120 = tpu.memref_slice %arg3[%dma_start3A_118, %dma_start3A_119, %mul3A_108] : memref<8x8x1000000xf32, #tpu.memory_space<hbm>> -> memref<8x8x16xf32, #tpu.memory_space<hbm>>
        %dma_start3A_121 = arith.constant 0 : i32
        %dma_start3A_122 = arith.constant 0 : i32
        %dma_start3A_123 = tpu.memref_slice %arg6[%dma_start3A_121, %dma_start3A_122, %mul3A_114] : memref<8x8x1024xf32, #tpu.memory_space<vmem>> -> memref<8x8x16xf32, #tpu.memory_space<vmem>>
        %dma_start3A_124 = arith.constant 0 : i32
        %dma_start3A_125 = arith.constant 0 : i32
        %dma_start3A_126 = tpu.memref_slice %arg3[%dma_start3A_124, %dma_start3A_125, %mul3A_108] : memref<8x8x1000000xf32, #tpu.memory_space<hbm>> -> memref<8x8x16xf32, #tpu.memory_space<hbm>>
        tpu.enqueue_dma source(%dma_start3A_126 : memref<8x8x16xf32, #tpu.memory_space<hbm>>) target(%dma_start3A_123 : memref<8x8x16xf32, #tpu.memory_space<vmem>>) target_semaphore(%arg8 : memref<!tpu.dma_semaphore, #tpu.memory_space<semaphore_mem>>)
        %slice3A_127 = vector.extract_strided_slice %shift_right_logical3A_41 {offsets = [4], sizes = [1], strides = [1]} : vector<16xi32> to vector<1xi32>
        %squeeze3A_128 = vector.extract %slice3A_127[0] : i32 from vector<1xi32>
        %mul3A_129 = arith.constant 16 : i32
        %mul3A_130 = arith.muli %squeeze3A_128, %mul3A_129 : i32
        %mul3A_131 = arith.constant 16 : i32
        %mul3A_132 = arith.muli %add3A_33, %mul3A_131 : i32
        %add3A_133 = arith.constant 4 : i32
        %add3A_134 = arith.addi %mul3A_132, %add3A_133 : i32
        %mul3A_135 = arith.constant 16 : i32
        %mul3A_136 = arith.muli %add3A_134, %mul3A_135 : i32
        %dma_start3A_137 = arith.constant 0 : i32
        %dma_start3A_138 = arith.constant 0 : i32
        %dma_start3A_139 = tpu.memref_slice %arg6[%dma_start3A_137, %dma_start3A_138, %mul3A_136] : memref<8x8x1024xf32, #tpu.memory_space<vmem>> -> memref<8x8x16xf32, #tpu.memory_space<vmem>>
        %dma_start3A_140 = arith.constant 0 : i32
        %dma_start3A_141 = arith.constant 0 : i32
        %dma_start3A_142 = tpu.memref_slice %arg3[%dma_start3A_140, %dma_start3A_141, %mul3A_130] : memref<8x8x1000000xf32, #tpu.memory_space<hbm>> -> memref<8x8x16xf32, #tpu.memory_space<hbm>>
        %dma_start3A_143 = arith.constant 0 : i32
        %dma_start3A_144 = arith.constant 0 : i32
        %dma_start3A_145 = tpu.memref_slice %arg6[%dma_start3A_143, %dma_start3A_144, %mul3A_136] : memref<8x8x1024xf32, #tpu.memory_space<vmem>> -> memref<8x8x16xf32, #tpu.memory_space<vmem>>
        %dma_start3A_146 = arith.constant 0 : i32
        %dma_start3A_147 = arith.constant 0 : i32
        %dma_start3A_148 = tpu.memref_slice %arg3[%dma_start3A_146, %dma_start3A_147, %mul3A_130] : memref<8x8x1000000xf32, #tpu.memory_space<hbm>> -> memref<8x8x16xf32, #tpu.memory_space<hbm>>
        tpu.enqueue_dma source(%dma_start3A_148 : memref<8x8x16xf32, #tpu.memory_space<hbm>>) target(%dma_start3A_145 : memref<8x8x16xf32, #tpu.memory_space<vmem>>) target_semaphore(%arg8 : memref<!tpu.dma_semaphore, #tpu.memory_space<semaphore_mem>>)
        %slice3A_149 = vector.extract_strided_slice %shift_right_logical3A_41 {offsets = [5], sizes = [1], strides = [1]} : vector<16xi32> to vector<1xi32>
        %squeeze3A_150 = vector.extract %slice3A_149[0] : i32 from vector<1xi32>
        %mul3A_151 = arith.constant 16 : i32
        %mul3A_152 = arith.muli %squeeze3A_150, %mul3A_151 : i32
        %mul3A_153 = arith.constant 16 : i32
        %mul3A_154 = arith.muli %add3A_33, %mul3A_153 : i32
        %add3A_155 = arith.constant 5 : i32
        %add3A_156 = arith.addi %mul3A_154, %add3A_155 : i32
        %mul3A_157 = arith.constant 16 : i32
        %mul3A_158 = arith.muli %add3A_156, %mul3A_157 : i32
        %dma_start3A_159 = arith.constant 0 : i32
        %dma_start3A_160 = arith.constant 0 : i32
        %dma_start3A_161 = tpu.memref_slice %arg6[%dma_start3A_159, %dma_start3A_160, %mul3A_158] : memref<8x8x1024xf32, #tpu.memory_space<vmem>> -> memref<8x8x16xf32, #tpu.memory_space<vmem>>
        %dma_start3A_162 = arith.constant 0 : i32
        %dma_start3A_163 = arith.constant 0 : i32
        %dma_start3A_164 = tpu.memref_slice %arg3[%dma_start3A_162, %dma_start3A_163, %mul3A_152] : memref<8x8x1000000xf32, #tpu.memory_space<hbm>> -> memref<8x8x16xf32, #tpu.memory_space<hbm>>
        %dma_start3A_165 = arith.constant 0 : i32
        %dma_start3A_166 = arith.constant 0 : i32
        %dma_start3A_167 = tpu.memref_slice %arg6[%dma_start3A_165, %dma_start3A_166, %mul3A_158] : memref<8x8x1024xf32, #tpu.memory_space<vmem>> -> memref<8x8x16xf32, #tpu.memory_space<vmem>>
        %dma_start3A_168 = arith.constant 0 : i32
        %dma_start3A_169 = arith.constant 0 : i32
        %dma_start3A_170 = tpu.memref_slice %arg3[%dma_start3A_168, %dma_start3A_169, %mul3A_152] : memref<8x8x1000000xf32, #tpu.memory_space<hbm>> -> memref<8x8x16xf32, #tpu.memory_space<hbm>>
        tpu.enqueue_dma source(%dma_start3A_170 : memref<8x8x16xf32, #tpu.memory_space<hbm>>) target(%dma_start3A_167 : memref<8x8x16xf32, #tpu.memory_space<vmem>>) target_semaphore(%arg8 : memref<!tpu.dma_semaphore, #tpu.memory_space<semaphore_mem>>)
        %slice3A_171 = vector.extract_strided_slice %shift_right_logical3A_41 {offsets = [6], sizes = [1], strides = [1]} : vector<16xi32> to vector<1xi32>
        %squeeze3A_172 = vector.extract %slice3A_171[0] : i32 from vector<1xi32>
        %mul3A_173 = arith.constant 16 : i32
        %mul3A_174 = arith.muli %squeeze3A_172, %mul3A_173 : i32
        %mul3A_175 = arith.constant 16 : i32
        %mul3A_176 = arith.muli %add3A_33, %mul3A_175 : i32
        %add3A_177 = arith.constant 6 : i32
        %add3A_178 = arith.addi %mul3A_176, %add3A_177 : i32
        %mul3A_179 = arith.constant 16 : i32
        %mul3A_180 = arith.muli %add3A_178, %mul3A_179 : i32
        %dma_start3A_181 = arith.constant 0 : i32
        %dma_start3A_182 = arith.constant 0 : i32
        %dma_start3A_183 = tpu.memref_slice %arg6[%dma_start3A_181, %dma_start3A_182, %mul3A_180] : memref<8x8x1024xf32, #tpu.memory_space<vmem>> -> memref<8x8x16xf32, #tpu.memory_space<vmem>>
        %dma_start3A_184 = arith.constant 0 : i32
        %dma_start3A_185 = arith.constant 0 : i32
        %dma_start3A_186 = tpu.memref_slice %arg3[%dma_start3A_184, %dma_start3A_185, %mul3A_174] : memref<8x8x1000000xf32, #tpu.memory_space<hbm>> -> memref<8x8x16xf32, #tpu.memory_space<hbm>>
        %dma_start3A_187 = arith.constant 0 : i32
        %dma_start3A_188 = arith.constant 0 : i32
        %dma_start3A_189 = tpu.memref_slice %arg6[%dma_start3A_187, %dma_start3A_188, %mul3A_180] : memref<8x8x1024xf32, #tpu.memory_space<vmem>> -> memref<8x8x16xf32, #tpu.memory_space<vmem>>
        %dma_start3A_190 = arith.constant 0 : i32
        %dma_start3A_191 = arith.constant 0 : i32
        %dma_start3A_192 = tpu.memref_slice %arg3[%dma_start3A_190, %dma_start3A_191, %mul3A_174] : memref<8x8x1000000xf32, #tpu.memory_space<hbm>> -> memref<8x8x16xf32, #tpu.memory_space<hbm>>
        tpu.enqueue_dma source(%dma_start3A_192 : memref<8x8x16xf32, #tpu.memory_space<hbm>>) target(%dma_start3A_189 : memref<8x8x16xf32, #tpu.memory_space<vmem>>) target_semaphore(%arg8 : memref<!tpu.dma_semaphore, #tpu.memory_space<semaphore_mem>>)
        %slice3A_193 = vector.extract_strided_slice %shift_right_logical3A_41 {offsets = [7], sizes = [1], strides = [1]} : vector<16xi32> to vector<1xi32>
        %squeeze3A_194 = vector.extract %slice3A_193[0] : i32 from vector<1xi32>
        %mul3A_195 = arith.constant 16 : i32
        %mul3A_196 = arith.muli %squeeze3A_194, %mul3A_195 : i32
        %mul3A_197 = arith.constant 16 : i32
        %mul3A_198 = arith.muli %add3A_33, %mul3A_197 : i32
        %add3A_199 = arith.constant 7 : i32
        %add3A_200 = arith.addi %mul3A_198, %add3A_199 : i32
        %mul3A_201 = arith.constant 16 : i32
        %mul3A_202 = arith.muli %add3A_200, %mul3A_201 : i32
        %dma_start3A_203 = arith.constant 0 : i32
        %dma_start3A_204 = arith.constant 0 : i32
        %dma_start3A_205 = tpu.memref_slice %arg6[%dma_start3A_203, %dma_start3A_204, %mul3A_202] : memref<8x8x1024xf32, #tpu.memory_space<vmem>> -> memref<8x8x16xf32, #tpu.memory_space<vmem>>
        %dma_start3A_206 = arith.constant 0 : i32
        %dma_start3A_207 = arith.constant 0 : i32
        %dma_start3A_208 = tpu.memref_slice %arg3[%dma_start3A_206, %dma_start3A_207, %mul3A_196] : memref<8x8x1000000xf32, #tpu.memory_space<hbm>> -> memref<8x8x16xf32, #tpu.memory_space<hbm>>
        %dma_start3A_209 = arith.constant 0 : i32
        %dma_start3A_210 = arith.constant 0 : i32
        %dma_start3A_211 = tpu.memref_slice %arg6[%dma_start3A_209, %dma_start3A_210, %mul3A_202] : memref<8x8x1024xf32, #tpu.memory_space<vmem>> -> memref<8x8x16xf32, #tpu.memory_space<vmem>>
        %dma_start3A_212 = arith.constant 0 : i32
        %dma_start3A_213 = arith.constant 0 : i32
        %dma_start3A_214 = tpu.memref_slice %arg3[%dma_start3A_212, %dma_start3A_213, %mul3A_196] : memref<8x8x1000000xf32, #tpu.memory_space<hbm>> -> memref<8x8x16xf32, #tpu.memory_space<hbm>>
        tpu.enqueue_dma source(%dma_start3A_214 : memref<8x8x16xf32, #tpu.memory_space<hbm>>) target(%dma_start3A_211 : memref<8x8x16xf32, #tpu.memory_space<vmem>>) target_semaphore(%arg8 : memref<!tpu.dma_semaphore, #tpu.memory_space<semaphore_mem>>)
        %slice3A_215 = vector.extract_strided_slice %shift_right_logical3A_41 {offsets = [8], sizes = [1], strides = [1]} : vector<16xi32> to vector<1xi32>
        %squeeze3A_216 = vector.extract %slice3A_215[0] : i32 from vector<1xi32>
        %mul3A_217 = arith.constant 16 : i32
        %mul3A_218 = arith.muli %squeeze3A_216, %mul3A_217 : i32
        %mul3A_219 = arith.constant 16 : i32
        %mul3A_220 = arith.muli %add3A_33, %mul3A_219 : i32
        %add3A_221 = arith.constant 8 : i32
        %add3A_222 = arith.addi %mul3A_220, %add3A_221 : i32
        %mul3A_223 = arith.constant 16 : i32
        %mul3A_224 = arith.muli %add3A_222, %mul3A_223 : i32
        %dma_start3A_225 = arith.constant 0 : i32
        %dma_start3A_226 = arith.constant 0 : i32
        %dma_start3A_227 = tpu.memref_slice %arg6[%dma_start3A_225, %dma_start3A_226, %mul3A_224] : memref<8x8x1024xf32, #tpu.memory_space<vmem>> -> memref<8x8x16xf32, #tpu.memory_space<vmem>>
        %dma_start3A_228 = arith.constant 0 : i32
        %dma_start3A_229 = arith.constant 0 : i32
        %dma_start3A_230 = tpu.memref_slice %arg3[%dma_start3A_228, %dma_start3A_229, %mul3A_218] : memref<8x8x1000000xf32, #tpu.memory_space<hbm>> -> memref<8x8x16xf32, #tpu.memory_space<hbm>>
        %dma_start3A_231 = arith.constant 0 : i32
        %dma_start3A_232 = arith.constant 0 : i32
        %dma_start3A_233 = tpu.memref_slice %arg6[%dma_start3A_231, %dma_start3A_232, %mul3A_224] : memref<8x8x1024xf32, #tpu.memory_space<vmem>> -> memref<8x8x16xf32, #tpu.memory_space<vmem>>
        %dma_start3A_234 = arith.constant 0 : i32
        %dma_start3A_235 = arith.constant 0 : i32
        %dma_start3A_236 = tpu.memref_slice %arg3[%dma_start3A_234, %dma_start3A_235, %mul3A_218] : memref<8x8x1000000xf32, #tpu.memory_space<hbm>> -> memref<8x8x16xf32, #tpu.memory_space<hbm>>
        tpu.enqueue_dma source(%dma_start3A_236 : memref<8x8x16xf32, #tpu.memory_space<hbm>>) target(%dma_start3A_233 : memref<8x8x16xf32, #tpu.memory_space<vmem>>) target_semaphore(%arg8 : memref<!tpu.dma_semaphore, #tpu.memory_space<semaphore_mem>>)
        %slice3A_237 = vector.extract_strided_slice %shift_right_logical3A_41 {offsets = [9], sizes = [1], strides = [1]} : vector<16xi32> to vector<1xi32>
        %squeeze3A_238 = vector.extract %slice3A_237[0] : i32 from vector<1xi32>
        %mul3A_239 = arith.constant 16 : i32
        %mul3A_240 = arith.muli %squeeze3A_238, %mul3A_239 : i32
        %mul3A_241 = arith.constant 16 : i32
        %mul3A_242 = arith.muli %add3A_33, %mul3A_241 : i32
        %add3A_243 = arith.constant 9 : i32
        %add3A_244 = arith.addi %mul3A_242, %add3A_243 : i32
        %mul3A_245 = arith.constant 16 : i32
        %mul3A_246 = arith.muli %add3A_244, %mul3A_245 : i32
        %dma_start3A_247 = arith.constant 0 : i32
        %dma_start3A_248 = arith.constant 0 : i32
        %dma_start3A_249 = tpu.memref_slice %arg6[%dma_start3A_247, %dma_start3A_248, %mul3A_246] : memref<8x8x1024xf32, #tpu.memory_space<vmem>> -> memref<8x8x16xf32, #tpu.memory_space<vmem>>
        %dma_start3A_250 = arith.constant 0 : i32
        %dma_start3A_251 = arith.constant 0 : i32
        %dma_start3A_252 = tpu.memref_slice %arg3[%dma_start3A_250, %dma_start3A_251, %mul3A_240] : memref<8x8x1000000xf32, #tpu.memory_space<hbm>> -> memref<8x8x16xf32, #tpu.memory_space<hbm>>
        %dma_start3A_253 = arith.constant 0 : i32
        %dma_start3A_254 = arith.constant 0 : i32
        %dma_start3A_255 = tpu.memref_slice %arg6[%dma_start3A_253, %dma_start3A_254, %mul3A_246] : memref<8x8x1024xf32, #tpu.memory_space<vmem>> -> memref<8x8x16xf32, #tpu.memory_space<vmem>>
        %dma_start3A_256 = arith.constant 0 : i32
        %dma_start3A_257 = arith.constant 0 : i32
        %dma_start3A_258 = tpu.memref_slice %arg3[%dma_start3A_256, %dma_start3A_257, %mul3A_240] : memref<8x8x1000000xf32, #tpu.memory_space<hbm>> -> memref<8x8x16xf32, #tpu.memory_space<hbm>>
        tpu.enqueue_dma source(%dma_start3A_258 : memref<8x8x16xf32, #tpu.memory_space<hbm>>) target(%dma_start3A_255 : memref<8x8x16xf32, #tpu.memory_space<vmem>>) target_semaphore(%arg8 : memref<!tpu.dma_semaphore, #tpu.memory_space<semaphore_mem>>)
        %slice3A_259 = vector.extract_strided_slice %shift_right_logical3A_41 {offsets = [10], sizes = [1], strides = [1]} : vector<16xi32> to vector<1xi32>
        %squeeze3A_260 = vector.extract %slice3A_259[0] : i32 from vector<1xi32>
        %mul3A_261 = arith.constant 16 : i32
        %mul3A_262 = arith.muli %squeeze3A_260, %mul3A_261 : i32
        %mul3A_263 = arith.constant 16 : i32
        %mul3A_264 = arith.muli %add3A_33, %mul3A_263 : i32
        %add3A_265 = arith.constant 10 : i32
        %add3A_266 = arith.addi %mul3A_264, %add3A_265 : i32
        %mul3A_267 = arith.constant 16 : i32
        %mul3A_268 = arith.muli %add3A_266, %mul3A_267 : i32
        %dma_start3A_269 = arith.constant 0 : i32
        %dma_start3A_270 = arith.constant 0 : i32
        %dma_start3A_271 = tpu.memref_slice %arg6[%dma_start3A_269, %dma_start3A_270, %mul3A_268] : memref<8x8x1024xf32, #tpu.memory_space<vmem>> -> memref<8x8x16xf32, #tpu.memory_space<vmem>>
        %dma_start3A_272 = arith.constant 0 : i32
        %dma_start3A_273 = arith.constant 0 : i32
        %dma_start3A_274 = tpu.memref_slice %arg3[%dma_start3A_272, %dma_start3A_273, %mul3A_262] : memref<8x8x1000000xf32, #tpu.memory_space<hbm>> -> memref<8x8x16xf32, #tpu.memory_space<hbm>>
        %dma_start3A_275 = arith.constant 0 : i32
        %dma_start3A_276 = arith.constant 0 : i32
        %dma_start3A_277 = tpu.memref_slice %arg6[%dma_start3A_275, %dma_start3A_276, %mul3A_268] : memref<8x8x1024xf32, #tpu.memory_space<vmem>> -> memref<8x8x16xf32, #tpu.memory_space<vmem>>
        %dma_start3A_278 = arith.constant 0 : i32
        %dma_start3A_279 = arith.constant 0 : i32
        %dma_start3A_280 = tpu.memref_slice %arg3[%dma_start3A_278, %dma_start3A_279, %mul3A_262] : memref<8x8x1000000xf32, #tpu.memory_space<hbm>> -> memref<8x8x16xf32, #tpu.memory_space<hbm>>
        tpu.enqueue_dma source(%dma_start3A_280 : memref<8x8x16xf32, #tpu.memory_space<hbm>>) target(%dma_start3A_277 : memref<8x8x16xf32, #tpu.memory_space<vmem>>) target_semaphore(%arg8 : memref<!tpu.dma_semaphore, #tpu.memory_space<semaphore_mem>>)
        %slice3A_281 = vector.extract_strided_slice %shift_right_logical3A_41 {offsets = [11], sizes = [1], strides = [1]} : vector<16xi32> to vector<1xi32>
        %squeeze3A_282 = vector.extract %slice3A_281[0] : i32 from vector<1xi32>
        %mul3A_283 = arith.constant 16 : i32
        %mul3A_284 = arith.muli %squeeze3A_282, %mul3A_283 : i32
        %mul3A_285 = arith.constant 16 : i32
        %mul3A_286 = arith.muli %add3A_33, %mul3A_285 : i32
        %add3A_287 = arith.constant 11 : i32
        %add3A_288 = arith.addi %mul3A_286, %add3A_287 : i32
        %mul3A_289 = arith.constant 16 : i32
        %mul3A_290 = arith.muli %add3A_288, %mul3A_289 : i32
        %dma_start3A_291 = arith.constant 0 : i32
        %dma_start3A_292 = arith.constant 0 : i32
        %dma_start3A_293 = tpu.memref_slice %arg6[%dma_start3A_291, %dma_start3A_292, %mul3A_290] : memref<8x8x1024xf32, #tpu.memory_space<vmem>> -> memref<8x8x16xf32, #tpu.memory_space<vmem>>
        %dma_start3A_294 = arith.constant 0 : i32
        %dma_start3A_295 = arith.constant 0 : i32
        %dma_start3A_296 = tpu.memref_slice %arg3[%dma_start3A_294, %dma_start3A_295, %mul3A_284] : memref<8x8x1000000xf32, #tpu.memory_space<hbm>> -> memref<8x8x16xf32, #tpu.memory_space<hbm>>
        %dma_start3A_297 = arith.constant 0 : i32
        %dma_start3A_298 = arith.constant 0 : i32
        %dma_start3A_299 = tpu.memref_slice %arg6[%dma_start3A_297, %dma_start3A_298, %mul3A_290] : memref<8x8x1024xf32, #tpu.memory_space<vmem>> -> memref<8x8x16xf32, #tpu.memory_space<vmem>>
        %dma_start3A_300 = arith.constant 0 : i32
        %dma_start3A_301 = arith.constant 0 : i32
        %dma_start3A_302 = tpu.memref_slice %arg3[%dma_start3A_300, %dma_start3A_301, %mul3A_284] : memref<8x8x1000000xf32, #tpu.memory_space<hbm>> -> memref<8x8x16xf32, #tpu.memory_space<hbm>>
        tpu.enqueue_dma source(%dma_start3A_302 : memref<8x8x16xf32, #tpu.memory_space<hbm>>) target(%dma_start3A_299 : memref<8x8x16xf32, #tpu.memory_space<vmem>>) target_semaphore(%arg8 : memref<!tpu.dma_semaphore, #tpu.memory_space<semaphore_mem>>)
        %slice3A_303 = vector.extract_strided_slice %shift_right_logical3A_41 {offsets = [12], sizes = [1], strides = [1]} : vector<16xi32> to vector<1xi32>
        %squeeze3A_304 = vector.extract %slice3A_303[0] : i32 from vector<1xi32>
        %mul3A_305 = arith.constant 16 : i32
        %mul3A_306 = arith.muli %squeeze3A_304, %mul3A_305 : i32
        %mul3A_307 = arith.constant 16 : i32
        %mul3A_308 = arith.muli %add3A_33, %mul3A_307 : i32
        %add3A_309 = arith.constant 12 : i32
        %add3A_310 = arith.addi %mul3A_308, %add3A_309 : i32
        %mul3A_311 = arith.constant 16 : i32
        %mul3A_312 = arith.muli %add3A_310, %mul3A_311 : i32
        %dma_start3A_313 = arith.constant 0 : i32
        %dma_start3A_314 = arith.constant 0 : i32
        %dma_start3A_315 = tpu.memref_slice %arg6[%dma_start3A_313, %dma_start3A_314, %mul3A_312] : memref<8x8x1024xf32, #tpu.memory_space<vmem>> -> memref<8x8x16xf32, #tpu.memory_space<vmem>>
        %dma_start3A_316 = arith.constant 0 : i32
        %dma_start3A_317 = arith.constant 0 : i32
        %dma_start3A_318 = tpu.memref_slice %arg3[%dma_start3A_316, %dma_start3A_317, %mul3A_306] : memref<8x8x1000000xf32, #tpu.memory_space<hbm>> -> memref<8x8x16xf32, #tpu.memory_space<hbm>>
        %dma_start3A_319 = arith.constant 0 : i32
        %dma_start3A_320 = arith.constant 0 : i32
        %dma_start3A_321 = tpu.memref_slice %arg6[%dma_start3A_319, %dma_start3A_320, %mul3A_312] : memref<8x8x1024xf32, #tpu.memory_space<vmem>> -> memref<8x8x16xf32, #tpu.memory_space<vmem>>
        %dma_start3A_322 = arith.constant 0 : i32
        %dma_start3A_323 = arith.constant 0 : i32
        %dma_start3A_324 = tpu.memref_slice %arg3[%dma_start3A_322, %dma_start3A_323, %mul3A_306] : memref<8x8x1000000xf32, #tpu.memory_space<hbm>> -> memref<8x8x16xf32, #tpu.memory_space<hbm>>
        tpu.enqueue_dma source(%dma_start3A_324 : memref<8x8x16xf32, #tpu.memory_space<hbm>>) target(%dma_start3A_321 : memref<8x8x16xf32, #tpu.memory_space<vmem>>) target_semaphore(%arg8 : memref<!tpu.dma_semaphore, #tpu.memory_space<semaphore_mem>>)
        %slice3A_325 = vector.extract_strided_slice %shift_right_logical3A_41 {offsets = [13], sizes = [1], strides = [1]} : vector<16xi32> to vector<1xi32>
        %squeeze3A_326 = vector.extract %slice3A_325[0] : i32 from vector<1xi32>
        %mul3A_327 = arith.constant 16 : i32
        %mul3A_328 = arith.muli %squeeze3A_326, %mul3A_327 : i32
        %mul3A_329 = arith.constant 16 : i32
        %mul3A_330 = arith.muli %add3A_33, %mul3A_329 : i32
        %add3A_331 = arith.constant 13 : i32
        %add3A_332 = arith.addi %mul3A_330, %add3A_331 : i32
        %mul3A_333 = arith.constant 16 : i32
        %mul3A_334 = arith.muli %add3A_332, %mul3A_333 : i32
        %dma_start3A_335 = arith.constant 0 : i32
        %dma_start3A_336 = arith.constant 0 : i32
        %dma_start3A_337 = tpu.memref_slice %arg6[%dma_start3A_335, %dma_start3A_336, %mul3A_334] : memref<8x8x1024xf32, #tpu.memory_space<vmem>> -> memref<8x8x16xf32, #tpu.memory_space<vmem>>
        %dma_start3A_338 = arith.constant 0 : i32
        %dma_start3A_339 = arith.constant 0 : i32
        %dma_start3A_340 = tpu.memref_slice %arg3[%dma_start3A_338, %dma_start3A_339, %mul3A_328] : memref<8x8x1000000xf32, #tpu.memory_space<hbm>> -> memref<8x8x16xf32, #tpu.memory_space<hbm>>
        %dma_start3A_341 = arith.constant 0 : i32
        %dma_start3A_342 = arith.constant 0 : i32
        %dma_start3A_343 = tpu.memref_slice %arg6[%dma_start3A_341, %dma_start3A_342, %mul3A_334] : memref<8x8x1024xf32, #tpu.memory_space<vmem>> -> memref<8x8x16xf32, #tpu.memory_space<vmem>>
        %dma_start3A_344 = arith.constant 0 : i32
        %dma_start3A_345 = arith.constant 0 : i32
        %dma_start3A_346 = tpu.memref_slice %arg3[%dma_start3A_344, %dma_start3A_345, %mul3A_328] : memref<8x8x1000000xf32, #tpu.memory_space<hbm>> -> memref<8x8x16xf32, #tpu.memory_space<hbm>>
        tpu.enqueue_dma source(%dma_start3A_346 : memref<8x8x16xf32, #tpu.memory_space<hbm>>) target(%dma_start3A_343 : memref<8x8x16xf32, #tpu.memory_space<vmem>>) target_semaphore(%arg8 : memref<!tpu.dma_semaphore, #tpu.memory_space<semaphore_mem>>)
        %slice3A_347 = vector.extract_strided_slice %shift_right_logical3A_41 {offsets = [14], sizes = [1], strides = [1]} : vector<16xi32> to vector<1xi32>
        %squeeze3A_348 = vector.extract %slice3A_347[0] : i32 from vector<1xi32>
        %mul3A_349 = arith.constant 16 : i32
        %mul3A_350 = arith.muli %squeeze3A_348, %mul3A_349 : i32
        %mul3A_351 = arith.constant 16 : i32
        %mul3A_352 = arith.muli %add3A_33, %mul3A_351 : i32
        %add3A_353 = arith.constant 14 : i32
        %add3A_354 = arith.addi %mul3A_352, %add3A_353 : i32
        %mul3A_355 = arith.constant 16 : i32
        %mul3A_356 = arith.muli %add3A_354, %mul3A_355 : i32
        %dma_start3A_357 = arith.constant 0 : i32
        %dma_start3A_358 = arith.constant 0 : i32
        %dma_start3A_359 = tpu.memref_slice %arg6[%dma_start3A_357, %dma_start3A_358, %mul3A_356] : memref<8x8x1024xf32, #tpu.memory_space<vmem>> -> memref<8x8x16xf32, #tpu.memory_space<vmem>>
        %dma_start3A_360 = arith.constant 0 : i32
        %dma_start3A_361 = arith.constant 0 : i32
        %dma_start3A_362 = tpu.memref_slice %arg3[%dma_start3A_360, %dma_start3A_361, %mul3A_350] : memref<8x8x1000000xf32, #tpu.memory_space<hbm>> -> memref<8x8x16xf32, #tpu.memory_space<hbm>>
        %dma_start3A_363 = arith.constant 0 : i32
        %dma_start3A_364 = arith.constant 0 : i32
        %dma_start3A_365 = tpu.memref_slice %arg6[%dma_start3A_363, %dma_start3A_364, %mul3A_356] : memref<8x8x1024xf32, #tpu.memory_space<vmem>> -> memref<8x8x16xf32, #tpu.memory_space<vmem>>
        %dma_start3A_366 = arith.constant 0 : i32
        %dma_start3A_367 = arith.constant 0 : i32
        %dma_start3A_368 = tpu.memref_slice %arg3[%dma_start3A_366, %dma_start3A_367, %mul3A_350] : memref<8x8x1000000xf32, #tpu.memory_space<hbm>> -> memref<8x8x16xf32, #tpu.memory_space<hbm>>
        tpu.enqueue_dma source(%dma_start3A_368 : memref<8x8x16xf32, #tpu.memory_space<hbm>>) target(%dma_start3A_365 : memref<8x8x16xf32, #tpu.memory_space<vmem>>) target_semaphore(%arg8 : memref<!tpu.dma_semaphore, #tpu.memory_space<semaphore_mem>>)
        %slice3A_369 = vector.extract_strided_slice %shift_right_logical3A_41 {offsets = [15], sizes = [1], strides = [1]} : vector<16xi32> to vector<1xi32>
        %squeeze3A_370 = vector.extract %slice3A_369[0] : i32 from vector<1xi32>
        %mul3A_371 = arith.constant 16 : i32
        %mul3A_372 = arith.muli %squeeze3A_370, %mul3A_371 : i32
        %mul3A_373 = arith.constant 16 : i32
        %mul3A_374 = arith.muli %add3A_33, %mul3A_373 : i32
        %add3A_375 = arith.constant 15 : i32
        %add3A_376 = arith.addi %mul3A_374, %add3A_375 : i32
        %mul3A_377 = arith.constant 16 : i32
        %mul3A_378 = arith.muli %add3A_376, %mul3A_377 : i32
        %dma_start3A_379 = arith.constant 0 : i32
        %dma_start3A_380 = arith.constant 0 : i32
        %dma_start3A_381 = tpu.memref_slice %arg6[%dma_start3A_379, %dma_start3A_380, %mul3A_378] : memref<8x8x1024xf32, #tpu.memory_space<vmem>> -> memref<8x8x16xf32, #tpu.memory_space<vmem>>
        %dma_start3A_382 = arith.constant 0 : i32
        %dma_start3A_383 = arith.constant 0 : i32
        %dma_start3A_384 = tpu.memref_slice %arg3[%dma_start3A_382, %dma_start3A_383, %mul3A_372] : memref<8x8x1000000xf32, #tpu.memory_space<hbm>> -> memref<8x8x16xf32, #tpu.memory_space<hbm>>
        %dma_start3A_385 = arith.constant 0 : i32
        %dma_start3A_386 = arith.constant 0 : i32
        %dma_start3A_387 = tpu.memref_slice %arg6[%dma_start3A_385, %dma_start3A_386, %mul3A_378] : memref<8x8x1024xf32, #tpu.memory_space<vmem>> -> memref<8x8x16xf32, #tpu.memory_space<vmem>>
        %dma_start3A_388 = arith.constant 0 : i32
        %dma_start3A_389 = arith.constant 0 : i32
        %dma_start3A_390 = tpu.memref_slice %arg3[%dma_start3A_388, %dma_start3A_389, %mul3A_372] : memref<8x8x1000000xf32, #tpu.memory_space<hbm>> -> memref<8x8x16xf32, #tpu.memory_space<hbm>>
        tpu.enqueue_dma source(%dma_start3A_390 : memref<8x8x16xf32, #tpu.memory_space<hbm>>) target(%dma_start3A_387 : memref<8x8x16xf32, #tpu.memory_space<vmem>>) target_semaphore(%arg8 : memref<!tpu.dma_semaphore, #tpu.memory_space<semaphore_mem>>)
      }
      %scan3A_16 = arith.constant 4 : i32
      %dma_wait3A = arith.constant 0 : i32
      %dma_wait3A_17 = arith.constant 0 : i32
      %dma_wait3A_18 = arith.constant 0 : i32
      %dma_wait3A_19 = tpu.memref_slice %arg3[%dma_wait3A, %dma_wait3A_17, %dma_wait3A_18] : memref<8x8x1000000xf32, #tpu.memory_space<hbm>> -> memref<8x8x1024xf32, #tpu.memory_space<hbm>>
      %dma_wait3A_20 = arith.constant 0 : i32
      %dma_wait3A_21 = arith.constant 0 : i32
      %dma_wait3A_22 = arith.constant 0 : i32
      %dma_wait3A_23 = tpu.memref_slice %arg3[%dma_wait3A_20, %dma_wait3A_21, %dma_wait3A_22] : memref<8x8x1000000xf32, #tpu.memory_space<hbm>> -> memref<8x8x1024xf32, #tpu.memory_space<hbm>>
      tpu.wait_dma2 semaphore(%arg8 : memref<!tpu.dma_semaphore, #tpu.memory_space<semaphore_mem>>) src(%dma_wait3A_23 : memref<8x8x1024xf32, #tpu.memory_space<hbm>>) dst(%arg6 : memref<8x8x1024xf32, #tpu.memory_space<vmem>>)
      %scan3A_24 = arith.constant 0 : i32
      %scan3A_25 = arith.constant 4 : i32
      %scan3A_26 = arith.addi %scan3A_24, %scan3A_25 : i32
      %scan3A_27 = arith.constant 1 : i32
      scf.for %scan3A_29 = %scan3A_24 to %scan3A_26 step %scan3A_27  : i32 {
        %mul3A_30 = arith.constant 1 : i32
        %mul3A_31 = arith.muli %scan3A_29, %mul3A_30 : i32
        %add3A_32 = arith.constant 0 : i32
        %add3A_33 = arith.addi %add3A_32, %mul3A_31 : i32
        %mul3A_34 = arith.constant 64 : i32
        %mul3A_35 = arith.muli %add3A_11, %mul3A_34 : i32
        %mul3A_36 = arith.constant 16 : i32
        %mul3A_37 = arith.muli %add3A_33, %mul3A_36 : i32
        %add3A_38 = arith.addi %mul3A_35, %mul3A_37 : i32
        %get3A = arith.index_cast %add3A_38 : i32 to index
        %get3A_39 = tpu.vector_load %arg5[%get3A] {strides = array<i32>} : memref<512xi32, #tpu.memory_space<vmem>>, vector<16xi32>,
        %mul3A_40 = arith.constant 16 : i32
        %mul3A_41 = arith.muli %add3A_33, %mul3A_40 : i32
        %add3A_42 = vector.broadcast %mul3A_41 : i32 to vector<16xi32>
        %add3A_43 = arith.addi %iota3A, %add3A_42 : vector<16xi32>
        %mul3A_44 = arith.constant 16 : i32
        %mul3A_45 = vector.broadcast %mul3A_44 : i32 to vector<16xi32>
        %mul3A_46 = arith.muli %add3A_43, %mul3A_45 : vector<16xi32>
        %and3A = arith.constant 15 : i32
        %and3A_47 = vector.broadcast %and3A : i32 to vector<16xi32>
        %and3A_48 = arith.andi %get3A_39, %and3A_47 : vector<16xi32>
        %add3A_49 = arith.addi %mul3A_46, %and3A_48 : vector<16xi32>
        %broadcast_in_dim3A = arith.constant 0 : i32
        %broadcast_in_dim3A_50 = vector.broadcast %broadcast_in_dim3A : i32 to vector<16xi32>
        %broadcast_in_dim3A_51 = arith.constant 0 : i32
        %broadcast_in_dim3A_52 = vector.broadcast %broadcast_in_dim3A_51 : i32 to vector<16xi32>
        %gather3A = tpu.vector_load_idx %arg6[%broadcast_in_dim3A_50, %broadcast_in_dim3A_52, %add3A_49] : memref<8x8x1024xf32, #tpu.memory_space<vmem>>[vector<16xi32>, vector<16xi32>, vector<16xi32>], vector<16xf32>,
        %mul3A_53 = arith.constant 64 : i32
        %mul3A_54 = arith.muli %add3A_11, %mul3A_53 : i32
        %mul3A_55 = arith.constant 16 : i32
        %mul3A_56 = arith.muli %add3A_33, %mul3A_55 : i32
        %add3A_57 = arith.addi %mul3A_54, %mul3A_56 : i32
        %swap3A = arith.constant 0 : i32
        %swap3A_58 = arith.constant 0 : i32
        %swap3A_59 = arith.index_cast %swap3A : i32 to index
        %swap3A_60 = arith.index_cast %swap3A_58 : i32 to index
        %swap3A_61 = arith.index_cast %add3A_57 : i32 to index
        %swap3A_62 = tpu.vector_load %arg7[%swap3A_59, %swap3A_60, %swap3A_61] {strides = array<i32>} : memref<8x8x512xf32, #tpu.memory_space<vmem>>, vector<16xf32>,
        tpu.vector_store %arg7[%swap3A_59, %swap3A_60, %swap3A_61], %gather3A {strides = array<i32>} : memref<8x8x512xf32, #tpu.memory_space<vmem>>, vector<16xf32>,
        %broadcast_in_dim3A_63 = arith.constant 0 : i32
        %broadcast_in_dim3A_64 = vector.broadcast %broadcast_in_dim3A_63 : i32 to vector<16xi32>
        %broadcast_in_dim3A_65 = arith.constant 1 : i32
        %broadcast_in_dim3A_66 = vector.broadcast %broadcast_in_dim3A_65 : i32 to vector<16xi32>
        %gather3A_67 = tpu.vector_load_idx %arg6[%broadcast_in_dim3A_64, %broadcast_in_dim3A_66, %add3A_49] : memref<8x8x1024xf32, #tpu.memory_space<vmem>>[vector<16xi32>, vector<16xi32>, vector<16xi32>], vector<16xf32>,
        %mul3A_68 = arith.constant 64 : i32
        %mul3A_69 = arith.muli %add3A_11, %mul3A_68 : i32
        %mul3A_70 = arith.constant 16 : i32
        %mul3A_71 = arith.muli %add3A_33, %mul3A_70 : i32
        %add3A_72 = arith.addi %mul3A_69, %mul3A_71 : i32
        %swap3A_73 = arith.constant 0 : i32
        %swap3A_74 = arith.constant 1 : i32
        %swap3A_75 = arith.index_cast %swap3A_73 : i32 to index
        %swap3A_76 = arith.index_cast %swap3A_74 : i32 to index
        %swap3A_77 = arith.index_cast %add3A_72 : i32 to index
        %swap3A_78 = tpu.vector_load %arg7[%swap3A_75, %swap3A_76, %swap3A_77] {strides = array<i32>} : memref<8x8x512xf32, #tpu.memory_space<vmem>>, vector<16xf32>,
        tpu.vector_store %arg7[%swap3A_75, %swap3A_76, %swap3A_77], %gather3A_67 {strides = array<i32>} : memref<8x8x512xf32, #tpu.memory_space<vmem>>, vector<16xf32>,
        %broadcast_in_dim3A_79 = arith.constant 0 : i32
        %broadcast_in_dim3A_80 = vector.broadcast %broadcast_in_dim3A_79 : i32 to vector<16xi32>
        %broadcast_in_dim3A_81 = arith.constant 2 : i32
        %broadcast_in_dim3A_82 = vector.broadcast %broadcast_in_dim3A_81 : i32 to vector<16xi32>
        %gather3A_83 = tpu.vector_load_idx %arg6[%broadcast_in_dim3A_80, %broadcast_in_dim3A_82, %add3A_49] : memref<8x8x1024xf32, #tpu.memory_space<vmem>>[vector<16xi32>, vector<16xi32>, vector<16xi32>], vector<16xf32>,
        %mul3A_84 = arith.constant 64 : i32
        %mul3A_85 = arith.muli %add3A_11, %mul3A_84 : i32
        %mul3A_86 = arith.constant 16 : i32
        %mul3A_87 = arith.muli %add3A_33, %mul3A_86 : i32
        %add3A_88 = arith.addi %mul3A_85, %mul3A_87 : i32
        %swap3A_89 = arith.constant 0 : i32
        %swap3A_90 = arith.constant 2 : i32
        %swap3A_91 = arith.index_cast %swap3A_89 : i32 to index
        %swap3A_92 = arith.index_cast %swap3A_90 : i32 to index
        %swap3A_93 = arith.index_cast %add3A_88 : i32 to index
        %swap3A_94 = tpu.vector_load %arg7[%swap3A_91, %swap3A_92, %swap3A_93] {strides = array<i32>} : memref<8x8x512xf32, #tpu.memory_space<vmem>>, vector<16xf32>,
        tpu.vector_store %arg7[%swap3A_91, %swap3A_92, %swap3A_93], %gather3A_83 {strides = array<i32>} : memref<8x8x512xf32, #tpu.memory_space<vmem>>, vector<16xf32>,
        %broadcast_in_dim3A_95 = arith.constant 0 : i32
        %broadcast_in_dim3A_96 = vector.broadcast %broadcast_in_dim3A_95 : i32 to vector<16xi32>
        %broadcast_in_dim3A_97 = arith.constant 3 : i32
        %broadcast_in_dim3A_98 = vector.broadcast %broadcast_in_dim3A_97 : i32 to vector<16xi32>
        %gather3A_99 = tpu.vector_load_idx %arg6[%broadcast_in_dim3A_96, %broadcast_in_dim3A_98, %add3A_49] : memref<8x8x1024xf32, #tpu.memory_space<vmem>>[vector<16xi32>, vector<16xi32>, vector<16xi32>], vector<16xf32>,
        %mul3A_100 = arith.constant 64 : i32
        %mul3A_101 = arith.muli %add3A_11, %mul3A_100 : i32
        %mul3A_102 = arith.constant 16 : i32
        %mul3A_103 = arith.muli %add3A_33, %mul3A_102 : i32
        %add3A_104 = arith.addi %mul3A_101, %mul3A_103 : i32
        %swap3A_105 = arith.constant 0 : i32
        %swap3A_106 = arith.constant 3 : i32
        %swap3A_107 = arith.index_cast %swap3A_105 : i32 to index
        %swap3A_108 = arith.index_cast %swap3A_106 : i32 to index
        %swap3A_109 = arith.index_cast %add3A_104 : i32 to index
        %swap3A_110 = tpu.vector_load %arg7[%swap3A_107, %swap3A_108, %swap3A_109] {strides = array<i32>} : memref<8x8x512xf32, #tpu.memory_space<vmem>>, vector<16xf32>,
        tpu.vector_store %arg7[%swap3A_107, %swap3A_108, %swap3A_109], %gather3A_99 {strides = array<i32>} : memref<8x8x512xf32, #tpu.memory_space<vmem>>, vector<16xf32>,
        %broadcast_in_dim3A_111 = arith.constant 0 : i32
        %broadcast_in_dim3A_112 = vector.broadcast %broadcast_in_dim3A_111 : i32 to vector<16xi32>
        %broadcast_in_dim3A_113 = arith.constant 4 : i32
        %broadcast_in_dim3A_114 = vector.broadcast %broadcast_in_dim3A_113 : i32 to vector<16xi32>
        %gather3A_115 = tpu.vector_load_idx %arg6[%broadcast_in_dim3A_112, %broadcast_in_dim3A_114, %add3A_49] : memref<8x8x1024xf32, #tpu.memory_space<vmem>>[vector<16xi32>, vector<16xi32>, vector<16xi32>], vector<16xf32>,
        %mul3A_116 = arith.constant 64 : i32
        %mul3A_117 = arith.muli %add3A_11, %mul3A_116 : i32
        %mul3A_118 = arith.constant 16 : i32
        %mul3A_119 = arith.muli %add3A_33, %mul3A_118 : i32
        %add3A_120 = arith.addi %mul3A_117, %mul3A_119 : i32
        %swap3A_121 = arith.constant 0 : i32
        %swap3A_122 = arith.constant 4 : i32
        %swap3A_123 = arith.index_cast %swap3A_121 : i32 to index
        %swap3A_124 = arith.index_cast %swap3A_122 : i32 to index
        %swap3A_125 = arith.index_cast %add3A_120 : i32 to index
        %swap3A_126 = tpu.vector_load %arg7[%swap3A_123, %swap3A_124, %swap3A_125] {strides = array<i32>} : memref<8x8x512xf32, #tpu.memory_space<vmem>>, vector<16xf32>,
        tpu.vector_store %arg7[%swap3A_123, %swap3A_124, %swap3A_125], %gather3A_115 {strides = array<i32>} : memref<8x8x512xf32, #tpu.memory_space<vmem>>, vector<16xf32>,
        %broadcast_in_dim3A_127 = arith.constant 0 : i32
        %broadcast_in_dim3A_128 = vector.broadcast %broadcast_in_dim3A_127 : i32 to vector<16xi32>
        %broadcast_in_dim3A_129 = arith.constant 5 : i32
        %broadcast_in_dim3A_130 = vector.broadcast %broadcast_in_dim3A_129 : i32 to vector<16xi32>
        %gather3A_131 = tpu.vector_load_idx %arg6[%broadcast_in_dim3A_128, %broadcast_in_dim3A_130, %add3A_49] : memref<8x8x1024xf32, #tpu.memory_space<vmem>>[vector<16xi32>, vector<16xi32>, vector<16xi32>], vector<16xf32>,
        %mul3A_132 = arith.constant 64 : i32
        %mul3A_133 = arith.muli %add3A_11, %mul3A_132 : i32
        %mul3A_134 = arith.constant 16 : i32
        %mul3A_135 = arith.muli %add3A_33, %mul3A_134 : i32
        %add3A_136 = arith.addi %mul3A_133, %mul3A_135 : i32
        %swap3A_137 = arith.constant 0 : i32
        %swap3A_138 = arith.constant 5 : i32
        %swap3A_139 = arith.index_cast %swap3A_137 : i32 to index
        %swap3A_140 = arith.index_cast %swap3A_138 : i32 to index
        %swap3A_141 = arith.index_cast %add3A_136 : i32 to index
        %swap3A_142 = tpu.vector_load %arg7[%swap3A_139, %swap3A_140, %swap3A_141] {strides = array<i32>} : memref<8x8x512xf32, #tpu.memory_space<vmem>>, vector<16xf32>,
        tpu.vector_store %arg7[%swap3A_139, %swap3A_140, %swap3A_141], %gather3A_131 {strides = array<i32>} : memref<8x8x512xf32, #tpu.memory_space<vmem>>, vector<16xf32>,
        %broadcast_in_dim3A_143 = arith.constant 0 : i32
        %broadcast_in_dim3A_144 = vector.broadcast %broadcast_in_dim3A_143 : i32 to vector<16xi32>
        %broadcast_in_dim3A_145 = arith.constant 6 : i32
        %broadcast_in_dim3A_146 = vector.broadcast %broadcast_in_dim3A_145 : i32 to vector<16xi32>
        %gather3A_147 = tpu.vector_load_idx %arg6[%broadcast_in_dim3A_144, %broadcast_in_dim3A_146, %add3A_49] : memref<8x8x1024xf32, #tpu.memory_space<vmem>>[vector<16xi32>, vector<16xi32>, vector<16xi32>], vector<16xf32>,
        %mul3A_148 = arith.constant 64 : i32
        %mul3A_149 = arith.muli %add3A_11, %mul3A_148 : i32
        %mul3A_150 = arith.constant 16 : i32
        %mul3A_151 = arith.muli %add3A_33, %mul3A_150 : i32
        %add3A_152 = arith.addi %mul3A_149, %mul3A_151 : i32
        %swap3A_153 = arith.constant 0 : i32
        %swap3A_154 = arith.constant 6 : i32
        %swap3A_155 = arith.index_cast %swap3A_153 : i32 to index
        %swap3A_156 = arith.index_cast %swap3A_154 : i32 to index
        %swap3A_157 = arith.index_cast %add3A_152 : i32 to index
        %swap3A_158 = tpu.vector_load %arg7[%swap3A_155, %swap3A_156, %swap3A_157] {strides = array<i32>} : memref<8x8x512xf32, #tpu.memory_space<vmem>>, vector<16xf32>,
        tpu.vector_store %arg7[%swap3A_155, %swap3A_156, %swap3A_157], %gather3A_147 {strides = array<i32>} : memref<8x8x512xf32, #tpu.memory_space<vmem>>, vector<16xf32>,
        %broadcast_in_dim3A_159 = arith.constant 0 : i32
        %broadcast_in_dim3A_160 = vector.broadcast %broadcast_in_dim3A_159 : i32 to vector<16xi32>
        %broadcast_in_dim3A_161 = arith.constant 7 : i32
        %broadcast_in_dim3A_162 = vector.broadcast %broadcast_in_dim3A_161 : i32 to vector<16xi32>
        %gather3A_163 = tpu.vector_load_idx %arg6[%broadcast_in_dim3A_160, %broadcast_in_dim3A_162, %add3A_49] : memref<8x8x1024xf32, #tpu.memory_space<vmem>>[vector<16xi32>, vector<16xi32>, vector<16xi32>], vector<16xf32>,
        %mul3A_164 = arith.constant 64 : i32
        %mul3A_165 = arith.muli %add3A_11, %mul3A_164 : i32
        %mul3A_166 = arith.constant 16 : i32
        %mul3A_167 = arith.muli %add3A_33, %mul3A_166 : i32
        %add3A_168 = arith.addi %mul3A_165, %mul3A_167 : i32
        %swap3A_169 = arith.constant 0 : i32
        %swap3A_170 = arith.constant 7 : i32
        %swap3A_171 = arith.index_cast %swap3A_169 : i32 to index
        %swap3A_172 = arith.index_cast %swap3A_170 : i32 to index
        %swap3A_173 = arith.index_cast %add3A_168 : i32 to index
        %swap3A_174 = tpu.vector_load %arg7[%swap3A_171, %swap3A_172, %swap3A_173] {strides = array<i32>} : memref<8x8x512xf32, #tpu.memory_space<vmem>>, vector<16xf32>,
        tpu.vector_store %arg7[%swap3A_171, %swap3A_172, %swap3A_173], %gather3A_163 {strides = array<i32>} : memref<8x8x512xf32, #tpu.memory_space<vmem>>, vector<16xf32>,
        %broadcast_in_dim3A_175 = arith.constant 1 : i32
        %broadcast_in_dim3A_176 = vector.broadcast %broadcast_in_dim3A_175 : i32 to vector<16xi32>
        %broadcast_in_dim3A_177 = arith.constant 0 : i32
        %broadcast_in_dim3A_178 = vector.broadcast %broadcast_in_dim3A_177 : i32 to vector<16xi32>
        %gather3A_179 = tpu.vector_load_idx %arg6[%broadcast_in_dim3A_176, %broadcast_in_dim3A_178, %add3A_49] : memref<8x8x1024xf32, #tpu.memory_space<vmem>>[vector<16xi32>, vector<16xi32>, vector<16xi32>], vector<16xf32>,
        %mul3A_180 = arith.constant 64 : i32
        %mul3A_181 = arith.muli %add3A_11, %mul3A_180 : i32
        %mul3A_182 = arith.constant 16 : i32
        %mul3A_183 = arith.muli %add3A_33, %mul3A_182 : i32
        %add3A_184 = arith.addi %mul3A_181, %mul3A_183 : i32
        %swap3A_185 = arith.constant 1 : i32
        %swap3A_186 = arith.constant 0 : i32
        %swap3A_187 = arith.index_cast %swap3A_185 : i32 to index
        %swap3A_188 = arith.index_cast %swap3A_186 : i32 to index
        %swap3A_189 = arith.index_cast %add3A_184 : i32 to index
        %swap3A_190 = tpu.vector_load %arg7[%swap3A_187, %swap3A_188, %swap3A_189] {strides = array<i32>} : memref<8x8x512xf32, #tpu.memory_space<vmem>>, vector<16xf32>,
        tpu.vector_store %arg7[%swap3A_187, %swap3A_188, %swap3A_189], %gather3A_179 {strides = array<i32>} : memref<8x8x512xf32, #tpu.memory_space<vmem>>, vector<16xf32>,
        %broadcast_in_dim3A_191 = arith.constant 1 : i32
        %broadcast_in_dim3A_192 = vector.broadcast %broadcast_in_dim3A_191 : i32 to vector<16xi32>
        %broadcast_in_dim3A_193 = arith.constant 1 : i32
        %broadcast_in_dim3A_194 = vector.broadcast %broadcast_in_dim3A_193 : i32 to vector<16xi32>
        %gather3A_195 = tpu.vector_load_idx %arg6[%broadcast_in_dim3A_192, %broadcast_in_dim3A_194, %add3A_49] : memref<8x8x1024xf32, #tpu.memory_space<vmem>>[vector<16xi32>, vector<16xi32>, vector<16xi32>], vector<16xf32>,
        %mul3A_196 = arith.constant 64 : i32
        %mul3A_197 = arith.muli %add3A_11, %mul3A_196 : i32
        %mul3A_198 = arith.constant 16 : i32
        %mul3A_199 = arith.muli %add3A_33, %mul3A_198 : i32
        %add3A_200 = arith.addi %mul3A_197, %mul3A_199 : i32
        %swap3A_201 = arith.constant 1 : i32
        %swap3A_202 = arith.constant 1 : i32
        %swap3A_203 = arith.index_cast %swap3A_201 : i32 to index
        %swap3A_204 = arith.index_cast %swap3A_202 : i32 to index
        %swap3A_205 = arith.index_cast %add3A_200 : i32 to index
        %swap3A_206 = tpu.vector_load %arg7[%swap3A_203, %swap3A_204, %swap3A_205] {strides = array<i32>} : memref<8x8x512xf32, #tpu.memory_space<vmem>>, vector<16xf32>,
        tpu.vector_store %arg7[%swap3A_203, %swap3A_204, %swap3A_205], %gather3A_195 {strides = array<i32>} : memref<8x8x512xf32, #tpu.memory_space<vmem>>, vector<16xf32>,
        %broadcast_in_dim3A_207 = arith.constant 1 : i32
        %broadcast_in_dim3A_208 = vector.broadcast %broadcast_in_dim3A_207 : i32 to vector<16xi32>
        %broadcast_in_dim3A_209 = arith.constant 2 : i32
        %broadcast_in_dim3A_210 = vector.broadcast %broadcast_in_dim3A_209 : i32 to vector<16xi32>
        %gather3A_211 = tpu.vector_load_idx %arg6[%broadcast_in_dim3A_208, %broadcast_in_dim3A_210, %add3A_49] : memref<8x8x1024xf32, #tpu.memory_space<vmem>>[vector<16xi32>, vector<16xi32>, vector<16xi32>], vector<16xf32>,
        %mul3A_212 = arith.constant 64 : i32
        %mul3A_213 = arith.muli %add3A_11, %mul3A_212 : i32
        %mul3A_214 = arith.constant 16 : i32
        %mul3A_215 = arith.muli %add3A_33, %mul3A_214 : i32
        %add3A_216 = arith.addi %mul3A_213, %mul3A_215 : i32
        %swap3A_217 = arith.constant 1 : i32
        %swap3A_218 = arith.constant 2 : i32
        %swap3A_219 = arith.index_cast %swap3A_217 : i32 to index
        %swap3A_220 = arith.index_cast %swap3A_218 : i32 to index
        %swap3A_221 = arith.index_cast %add3A_216 : i32 to index
        %swap3A_222 = tpu.vector_load %arg7[%swap3A_219, %swap3A_220, %swap3A_221] {strides = array<i32>} : memref<8x8x512xf32, #tpu.memory_space<vmem>>, vector<16xf32>,
        tpu.vector_store %arg7[%swap3A_219, %swap3A_220, %swap3A_221], %gather3A_211 {strides = array<i32>} : memref<8x8x512xf32, #tpu.memory_space<vmem>>, vector<16xf32>,
        %broadcast_in_dim3A_223 = arith.constant 1 : i32
        %broadcast_in_dim3A_224 = vector.broadcast %broadcast_in_dim3A_223 : i32 to vector<16xi32>
        %broadcast_in_dim3A_225 = arith.constant 3 : i32
        %broadcast_in_dim3A_226 = vector.broadcast %broadcast_in_dim3A_225 : i32 to vector<16xi32>
        %gather3A_227 = tpu.vector_load_idx %arg6[%broadcast_in_dim3A_224, %broadcast_in_dim3A_226, %add3A_49] : memref<8x8x1024xf32, #tpu.memory_space<vmem>>[vector<16xi32>, vector<16xi32>, vector<16xi32>], vector<16xf32>,
        %mul3A_228 = arith.constant 64 : i32
        %mul3A_229 = arith.muli %add3A_11, %mul3A_228 : i32
        %mul3A_230 = arith.constant 16 : i32
        %mul3A_231 = arith.muli %add3A_33, %mul3A_230 : i32
        %add3A_232 = arith.addi %mul3A_229, %mul3A_231 : i32
        %swap3A_233 = arith.constant 1 : i32
        %swap3A_234 = arith.constant 3 : i32
        %swap3A_235 = arith.index_cast %swap3A_233 : i32 to index
        %swap3A_236 = arith.index_cast %swap3A_234 : i32 to index
        %swap3A_237 = arith.index_cast %add3A_232 : i32 to index
        %swap3A_238 = tpu.vector_load %arg7[%swap3A_235, %swap3A_236, %swap3A_237] {strides = array<i32>} : memref<8x8x512xf32, #tpu.memory_space<vmem>>, vector<16xf32>,
        tpu.vector_store %arg7[%swap3A_235, %swap3A_236, %swap3A_237], %gather3A_227 {strides = array<i32>} : memref<8x8x512xf32, #tpu.memory_space<vmem>>, vector<16xf32>,
        %broadcast_in_dim3A_239 = arith.constant 1 : i32
        %broadcast_in_dim3A_240 = vector.broadcast %broadcast_in_dim3A_239 : i32 to vector<16xi32>
        %broadcast_in_dim3A_241 = arith.constant 4 : i32
        %broadcast_in_dim3A_242 = vector.broadcast %broadcast_in_dim3A_241 : i32 to vector<16xi32>
        %gather3A_243 = tpu.vector_load_idx %arg6[%broadcast_in_dim3A_240, %broadcast_in_dim3A_242, %add3A_49] : memref<8x8x1024xf32, #tpu.memory_space<vmem>>[vector<16xi32>, vector<16xi32>, vector<16xi32>], vector<16xf32>,
        %mul3A_244 = arith.constant 64 : i32
        %mul3A_245 = arith.muli %add3A_11, %mul3A_244 : i32
        %mul3A_246 = arith.constant 16 : i32
        %mul3A_247 = arith.muli %add3A_33, %mul3A_246 : i32
        %add3A_248 = arith.addi %mul3A_245, %mul3A_247 : i32
        %swap3A_249 = arith.constant 1 : i32
        %swap3A_250 = arith.constant 4 : i32
        %swap3A_251 = arith.index_cast %swap3A_249 : i32 to index
        %swap3A_252 = arith.index_cast %swap3A_250 : i32 to index
        %swap3A_253 = arith.index_cast %add3A_248 : i32 to index
        %swap3A_254 = tpu.vector_load %arg7[%swap3A_251, %swap3A_252, %swap3A_253] {strides = array<i32>} : memref<8x8x512xf32, #tpu.memory_space<vmem>>, vector<16xf32>,
        tpu.vector_store %arg7[%swap3A_251, %swap3A_252, %swap3A_253], %gather3A_243 {strides = array<i32>} : memref<8x8x512xf32, #tpu.memory_space<vmem>>, vector<16xf32>,
        %broadcast_in_dim3A_255 = arith.constant 1 : i32
        %broadcast_in_dim3A_256 = vector.broadcast %broadcast_in_dim3A_255 : i32 to vector<16xi32>
        %broadcast_in_dim3A_257 = arith.constant 5 : i32
        %broadcast_in_dim3A_258 = vector.broadcast %broadcast_in_dim3A_257 : i32 to vector<16xi32>
        %gather3A_259 = tpu.vector_load_idx %arg6[%broadcast_in_dim3A_256, %broadcast_in_dim3A_258, %add3A_49] : memref<8x8x1024xf32, #tpu.memory_space<vmem>>[vector<16xi32>, vector<16xi32>, vector<16xi32>], vector<16xf32>,
        %mul3A_260 = arith.constant 64 : i32
        %mul3A_261 = arith.muli %add3A_11, %mul3A_260 : i32
        %mul3A_262 = arith.constant 16 : i32
        %mul3A_263 = arith.muli %add3A_33, %mul3A_262 : i32
        %add3A_264 = arith.addi %mul3A_261, %mul3A_263 : i32
        %swap3A_265 = arith.constant 1 : i32
        %swap3A_266 = arith.constant 5 : i32
        %swap3A_267 = arith.index_cast %swap3A_265 : i32 to index
        %swap3A_268 = arith.index_cast %swap3A_266 : i32 to index
        %swap3A_269 = arith.index_cast %add3A_264 : i32 to index
        %swap3A_270 = tpu.vector_load %arg7[%swap3A_267, %swap3A_268, %swap3A_269] {strides = array<i32>} : memref<8x8x512xf32, #tpu.memory_space<vmem>>, vector<16xf32>,
        tpu.vector_store %arg7[%swap3A_267, %swap3A_268, %swap3A_269], %gather3A_259 {strides = array<i32>} : memref<8x8x512xf32, #tpu.memory_space<vmem>>, vector<16xf32>,
        %broadcast_in_dim3A_271 = arith.constant 1 : i32
        %broadcast_in_dim3A_272 = vector.broadcast %broadcast_in_dim3A_271 : i32 to vector<16xi32>
        %broadcast_in_dim3A_273 = arith.constant 6 : i32
        %broadcast_in_dim3A_274 = vector.broadcast %broadcast_in_dim3A_273 : i32 to vector<16xi32>
        %gather3A_275 = tpu.vector_load_idx %arg6[%broadcast_in_dim3A_272, %broadcast_in_dim3A_274, %add3A_49] : memref<8x8x1024xf32, #tpu.memory_space<vmem>>[vector<16xi32>, vector<16xi32>, vector<16xi32>], vector<16xf32>,
        %mul3A_276 = arith.constant 64 : i32
        %mul3A_277 = arith.muli %add3A_11, %mul3A_276 : i32
        %mul3A_278 = arith.constant 16 : i32
        %mul3A_279 = arith.muli %add3A_33, %mul3A_278 : i32
        %add3A_280 = arith.addi %mul3A_277, %mul3A_279 : i32
        %swap3A_281 = arith.constant 1 : i32
        %swap3A_282 = arith.constant 6 : i32
        %swap3A_283 = arith.index_cast %swap3A_281 : i32 to index
        %swap3A_284 = arith.index_cast %swap3A_282 : i32 to index
        %swap3A_285 = arith.index_cast %add3A_280 : i32 to index
        %swap3A_286 = tpu.vector_load %arg7[%swap3A_283, %swap3A_284, %swap3A_285] {strides = array<i32>} : memref<8x8x512xf32, #tpu.memory_space<vmem>>, vector<16xf32>,
        tpu.vector_store %arg7[%swap3A_283, %swap3A_284, %swap3A_285], %gather3A_275 {strides = array<i32>} : memref<8x8x512xf32, #tpu.memory_space<vmem>>, vector<16xf32>,
        %broadcast_in_dim3A_287 = arith.constant 1 : i32
        %broadcast_in_dim3A_288 = vector.broadcast %broadcast_in_dim3A_287 : i32 to vector<16xi32>
        %broadcast_in_dim3A_289 = arith.constant 7 : i32
        %broadcast_in_dim3A_290 = vector.broadcast %broadcast_in_dim3A_289 : i32 to vector<16xi32>
        %gather3A_291 = tpu.vector_load_idx %arg6[%broadcast_in_dim3A_288, %broadcast_in_dim3A_290, %add3A_49] : memref<8x8x1024xf32, #tpu.memory_space<vmem>>[vector<16xi32>, vector<16xi32>, vector<16xi32>], vector<16xf32>,
        %mul3A_292 = arith.constant 64 : i32
        %mul3A_293 = arith.muli %add3A_11, %mul3A_292 : i32
        %mul3A_294 = arith.constant 16 : i32
        %mul3A_295 = arith.muli %add3A_33, %mul3A_294 : i32
        %add3A_296 = arith.addi %mul3A_293, %mul3A_295 : i32
        %swap3A_297 = arith.constant 1 : i32
        %swap3A_298 = arith.constant 7 : i32
        %swap3A_299 = arith.index_cast %swap3A_297 : i32 to index
        %swap3A_300 = arith.index_cast %swap3A_298 : i32 to index
        %swap3A_301 = arith.index_cast %add3A_296 : i32 to index
        %swap3A_302 = tpu.vector_load %arg7[%swap3A_299, %swap3A_300, %swap3A_301] {strides = array<i32>} : memref<8x8x512xf32, #tpu.memory_space<vmem>>, vector<16xf32>,
        tpu.vector_store %arg7[%swap3A_299, %swap3A_300, %swap3A_301], %gather3A_291 {strides = array<i32>} : memref<8x8x512xf32, #tpu.memory_space<vmem>>, vector<16xf32>,
        %broadcast_in_dim3A_303 = arith.constant 2 : i32
        %broadcast_in_dim3A_304 = vector.broadcast %broadcast_in_dim3A_303 : i32 to vector<16xi32>
        %broadcast_in_dim3A_305 = arith.constant 0 : i32
        %broadcast_in_dim3A_306 = vector.broadcast %broadcast_in_dim3A_305 : i32 to vector<16xi32>
        %gather3A_307 = tpu.vector_load_idx %arg6[%broadcast_in_dim3A_304, %broadcast_in_dim3A_306, %add3A_49] : memref<8x8x1024xf32, #tpu.memory_space<vmem>>[vector<16xi32>, vector<16xi32>, vector<16xi32>], vector<16xf32>,
        %mul3A_308 = arith.constant 64 : i32
        %mul3A_309 = arith.muli %add3A_11, %mul3A_308 : i32
        %mul3A_310 = arith.constant 16 : i32
        %mul3A_311 = arith.muli %add3A_33, %mul3A_310 : i32
        %add3A_312 = arith.addi %mul3A_309, %mul3A_311 : i32
        %swap3A_313 = arith.constant 2 : i32
        %swap3A_314 = arith.constant 0 : i32
        %swap3A_315 = arith.index_cast %swap3A_313 : i32 to index
        %swap3A_316 = arith.index_cast %swap3A_314 : i32 to index
        %swap3A_317 = arith.index_cast %add3A_312 : i32 to index
        %swap3A_318 = tpu.vector_load %arg7[%swap3A_315, %swap3A_316, %swap3A_317] {strides = array<i32>} : memref<8x8x512xf32, #tpu.memory_space<vmem>>, vector<16xf32>,
        tpu.vector_store %arg7[%swap3A_315, %swap3A_316, %swap3A_317], %gather3A_307 {strides = array<i32>} : memref<8x8x512xf32, #tpu.memory_space<vmem>>, vector<16xf32>,
        %broadcast_in_dim3A_319 = arith.constant 2 : i32
        %broadcast_in_dim3A_320 = vector.broadcast %broadcast_in_dim3A_319 : i32 to vector<16xi32>
        %broadcast_in_dim3A_321 = arith.constant 1 : i32
        %broadcast_in_dim3A_322 = vector.broadcast %broadcast_in_dim3A_321 : i32 to vector<16xi32>
        %gather3A_323 = tpu.vector_load_idx %arg6[%broadcast_in_dim3A_320, %broadcast_in_dim3A_322, %add3A_49] : memref<8x8x1024xf32, #tpu.memory_space<vmem>>[vector<16xi32>, vector<16xi32>, vector<16xi32>], vector<16xf32>,
        %mul3A_324 = arith.constant 64 : i32
        %mul3A_325 = arith.muli %add3A_11, %mul3A_324 : i32
        %mul3A_326 = arith.constant 16 : i32
        %mul3A_327 = arith.muli %add3A_33, %mul3A_326 : i32
        %add3A_328 = arith.addi %mul3A_325, %mul3A_327 : i32
        %swap3A_329 = arith.constant 2 : i32
        %swap3A_330 = arith.constant 1 : i32
        %swap3A_331 = arith.index_cast %swap3A_329 : i32 to index
        %swap3A_332 = arith.index_cast %swap3A_330 : i32 to index
        %swap3A_333 = arith.index_cast %add3A_328 : i32 to index
        %swap3A_334 = tpu.vector_load %arg7[%swap3A_331, %swap3A_332, %swap3A_333] {strides = array<i32>} : memref<8x8x512xf32, #tpu.memory_space<vmem>>, vector<16xf32>,
        tpu.vector_store %arg7[%swap3A_331, %swap3A_332, %swap3A_333], %gather3A_323 {strides = array<i32>} : memref<8x8x512xf32, #tpu.memory_space<vmem>>, vector<16xf32>,
        %broadcast_in_dim3A_335 = arith.constant 2 : i32
        %broadcast_in_dim3A_336 = vector.broadcast %broadcast_in_dim3A_335 : i32 to vector<16xi32>
        %broadcast_in_dim3A_337 = arith.constant 2 : i32
        %broadcast_in_dim3A_338 = vector.broadcast %broadcast_in_dim3A_337 : i32 to vector<16xi32>
        %gather3A_339 = tpu.vector_load_idx %arg6[%broadcast_in_dim3A_336, %broadcast_in_dim3A_338, %add3A_49] : memref<8x8x1024xf32, #tpu.memory_space<vmem>>[vector<16xi32>, vector<16xi32>, vector<16xi32>], vector<16xf32>,
        %mul3A_340 = arith.constant 64 : i32
        %mul3A_341 = arith.muli %add3A_11, %mul3A_340 : i32
        %mul3A_342 = arith.constant 16 : i32
        %mul3A_343 = arith.muli %add3A_33, %mul3A_342 : i32
        %add3A_344 = arith.addi %mul3A_341, %mul3A_343 : i32
        %swap3A_345 = arith.constant 2 : i32
        %swap3A_346 = arith.constant 2 : i32
        %swap3A_347 = arith.index_cast %swap3A_345 : i32 to index
        %swap3A_348 = arith.index_cast %swap3A_346 : i32 to index
        %swap3A_349 = arith.index_cast %add3A_344 : i32 to index
        %swap3A_350 = tpu.vector_load %arg7[%swap3A_347, %swap3A_348, %swap3A_349] {strides = array<i32>} : memref<8x8x512xf32, #tpu.memory_space<vmem>>, vector<16xf32>,
        tpu.vector_store %arg7[%swap3A_347, %swap3A_348, %swap3A_349], %gather3A_339 {strides = array<i32>} : memref<8x8x512xf32, #tpu.memory_space<vmem>>, vector<16xf32>,
        %broadcast_in_dim3A_351 = arith.constant 2 : i32
        %broadcast_in_dim3A_352 = vector.broadcast %broadcast_in_dim3A_351 : i32 to vector<16xi32>
        %broadcast_in_dim3A_353 = arith.constant 3 : i32
        %broadcast_in_dim3A_354 = vector.broadcast %broadcast_in_dim3A_353 : i32 to vector<16xi32>
        %gather3A_355 = tpu.vector_load_idx %arg6[%broadcast_in_dim3A_352, %broadcast_in_dim3A_354, %add3A_49] : memref<8x8x1024xf32, #tpu.memory_space<vmem>>[vector<16xi32>, vector<16xi32>, vector<16xi32>], vector<16xf32>,
        %mul3A_356 = arith.constant 64 : i32
        %mul3A_357 = arith.muli %add3A_11, %mul3A_356 : i32
        %mul3A_358 = arith.constant 16 : i32
        %mul3A_359 = arith.muli %add3A_33, %mul3A_358 : i32
        %add3A_360 = arith.addi %mul3A_357, %mul3A_359 : i32
        %swap3A_361 = arith.constant 2 : i32
        %swap3A_362 = arith.constant 3 : i32
        %swap3A_363 = arith.index_cast %swap3A_361 : i32 to index
        %swap3A_364 = arith.index_cast %swap3A_362 : i32 to index
        %swap3A_365 = arith.index_cast %add3A_360 : i32 to index
        %swap3A_366 = tpu.vector_load %arg7[%swap3A_363, %swap3A_364, %swap3A_365] {strides = array<i32>} : memref<8x8x512xf32, #tpu.memory_space<vmem>>, vector<16xf32>,
        tpu.vector_store %arg7[%swap3A_363, %swap3A_364, %swap3A_365], %gather3A_355 {strides = array<i32>} : memref<8x8x512xf32, #tpu.memory_space<vmem>>, vector<16xf32>,
        %broadcast_in_dim3A_367 = arith.constant 2 : i32
        %broadcast_in_dim3A_368 = vector.broadcast %broadcast_in_dim3A_367 : i32 to vector<16xi32>
        %broadcast_in_dim3A_369 = arith.constant 4 : i32
        %broadcast_in_dim3A_370 = vector.broadcast %broadcast_in_dim3A_369 : i32 to vector<16xi32>
        %gather3A_371 = tpu.vector_load_idx %arg6[%broadcast_in_dim3A_368, %broadcast_in_dim3A_370, %add3A_49] : memref<8x8x1024xf32, #tpu.memory_space<vmem>>[vector<16xi32>, vector<16xi32>, vector<16xi32>], vector<16xf32>,
        %mul3A_372 = arith.constant 64 : i32
        %mul3A_373 = arith.muli %add3A_11, %mul3A_372 : i32
        %mul3A_374 = arith.constant 16 : i32
        %mul3A_375 = arith.muli %add3A_33, %mul3A_374 : i32
        %add3A_376 = arith.addi %mul3A_373, %mul3A_375 : i32
        %swap3A_377 = arith.constant 2 : i32
        %swap3A_378 = arith.constant 4 : i32
        %swap3A_379 = arith.index_cast %swap3A_377 : i32 to index
        %swap3A_380 = arith.index_cast %swap3A_378 : i32 to index
        %swap3A_381 = arith.index_cast %add3A_376 : i32 to index
        %swap3A_382 = tpu.vector_load %arg7[%swap3A_379, %swap3A_380, %swap3A_381] {strides = array<i32>} : memref<8x8x512xf32, #tpu.memory_space<vmem>>, vector<16xf32>,
        tpu.vector_store %arg7[%swap3A_379, %swap3A_380, %swap3A_381], %gather3A_371 {strides = array<i32>} : memref<8x8x512xf32, #tpu.memory_space<vmem>>, vector<16xf32>,
        %broadcast_in_dim3A_383 = arith.constant 2 : i32
        %broadcast_in_dim3A_384 = vector.broadcast %broadcast_in_dim3A_383 : i32 to vector<16xi32>
        %broadcast_in_dim3A_385 = arith.constant 5 : i32
        %broadcast_in_dim3A_386 = vector.broadcast %broadcast_in_dim3A_385 : i32 to vector<16xi32>
        %gather3A_387 = tpu.vector_load_idx %arg6[%broadcast_in_dim3A_384, %broadcast_in_dim3A_386, %add3A_49] : memref<8x8x1024xf32, #tpu.memory_space<vmem>>[vector<16xi32>, vector<16xi32>, vector<16xi32>], vector<16xf32>,
        %mul3A_388 = arith.constant 64 : i32
        %mul3A_389 = arith.muli %add3A_11, %mul3A_388 : i32
        %mul3A_390 = arith.constant 16 : i32
        %mul3A_391 = arith.muli %add3A_33, %mul3A_390 : i32
        %add3A_392 = arith.addi %mul3A_389, %mul3A_391 : i32
        %swap3A_393 = arith.constant 2 : i32
        %swap3A_394 = arith.constant 5 : i32
        %swap3A_395 = arith.index_cast %swap3A_393 : i32 to index
        %swap3A_396 = arith.index_cast %swap3A_394 : i32 to index
        %swap3A_397 = arith.index_cast %add3A_392 : i32 to index
        %swap3A_398 = tpu.vector_load %arg7[%swap3A_395, %swap3A_396, %swap3A_397] {strides = array<i32>} : memref<8x8x512xf32, #tpu.memory_space<vmem>>, vector<16xf32>,
        tpu.vector_store %arg7[%swap3A_395, %swap3A_396, %swap3A_397], %gather3A_387 {strides = array<i32>} : memref<8x8x512xf32, #tpu.memory_space<vmem>>, vector<16xf32>,
        %broadcast_in_dim3A_399 = arith.constant 2 : i32
        %broadcast_in_dim3A_400 = vector.broadcast %broadcast_in_dim3A_399 : i32 to vector<16xi32>
        %broadcast_in_dim3A_401 = arith.constant 6 : i32
        %broadcast_in_dim3A_402 = vector.broadcast %broadcast_in_dim3A_401 : i32 to vector<16xi32>
        %gather3A_403 = tpu.vector_load_idx %arg6[%broadcast_in_dim3A_400, %broadcast_in_dim3A_402, %add3A_49] : memref<8x8x1024xf32, #tpu.memory_space<vmem>>[vector<16xi32>, vector<16xi32>, vector<16xi32>], vector<16xf32>,
        %mul3A_404 = arith.constant 64 : i32
        %mul3A_405 = arith.muli %add3A_11, %mul3A_404 : i32
        %mul3A_406 = arith.constant 16 : i32
        %mul3A_407 = arith.muli %add3A_33, %mul3A_406 : i32
        %add3A_408 = arith.addi %mul3A_405, %mul3A_407 : i32
        %swap3A_409 = arith.constant 2 : i32
        %swap3A_410 = arith.constant 6 : i32
        %swap3A_411 = arith.index_cast %swap3A_409 : i32 to index
        %swap3A_412 = arith.index_cast %swap3A_410 : i32 to index
        %swap3A_413 = arith.index_cast %add3A_408 : i32 to index
        %swap3A_414 = tpu.vector_load %arg7[%swap3A_411, %swap3A_412, %swap3A_413] {strides = array<i32>} : memref<8x8x512xf32, #tpu.memory_space<vmem>>, vector<16xf32>,
        tpu.vector_store %arg7[%swap3A_411, %swap3A_412, %swap3A_413], %gather3A_403 {strides = array<i32>} : memref<8x8x512xf32, #tpu.memory_space<vmem>>, vector<16xf32>,
        %broadcast_in_dim3A_415 = arith.constant 2 : i32
        %broadcast_in_dim3A_416 = vector.broadcast %broadcast_in_dim3A_415 : i32 to vector<16xi32>
        %broadcast_in_dim3A_417 = arith.constant 7 : i32
        %broadcast_in_dim3A_418 = vector.broadcast %broadcast_in_dim3A_417 : i32 to vector<16xi32>
        %gather3A_419 = tpu.vector_load_idx %arg6[%broadcast_in_dim3A_416, %broadcast_in_dim3A_418, %add3A_49] : memref<8x8x1024xf32, #tpu.memory_space<vmem>>[vector<16xi32>, vector<16xi32>, vector<16xi32>], vector<16xf32>,
        %mul3A_420 = arith.constant 64 : i32
        %mul3A_421 = arith.muli %add3A_11, %mul3A_420 : i32
        %mul3A_422 = arith.constant 16 : i32
        %mul3A_423 = arith.muli %add3A_33, %mul3A_422 : i32
        %add3A_424 = arith.addi %mul3A_421, %mul3A_423 : i32
        %swap3A_425 = arith.constant 2 : i32
        %swap3A_426 = arith.constant 7 : i32
        %swap3A_427 = arith.index_cast %swap3A_425 : i32 to index
        %swap3A_428 = arith.index_cast %swap3A_426 : i32 to index
        %swap3A_429 = arith.index_cast %add3A_424 : i32 to index
        %swap3A_430 = tpu.vector_load %arg7[%swap3A_427, %swap3A_428, %swap3A_429] {strides = array<i32>} : memref<8x8x512xf32, #tpu.memory_space<vmem>>, vector<16xf32>,
        tpu.vector_store %arg7[%swap3A_427, %swap3A_428, %swap3A_429], %gather3A_419 {strides = array<i32>} : memref<8x8x512xf32, #tpu.memory_space<vmem>>, vector<16xf32>,
        %broadcast_in_dim3A_431 = arith.constant 3 : i32
        %broadcast_in_dim3A_432 = vector.broadcast %broadcast_in_dim3A_431 : i32 to vector<16xi32>
        %broadcast_in_dim3A_433 = arith.constant 0 : i32
        %broadcast_in_dim3A_434 = vector.broadcast %broadcast_in_dim3A_433 : i32 to vector<16xi32>
        %gather3A_435 = tpu.vector_load_idx %arg6[%broadcast_in_dim3A_432, %broadcast_in_dim3A_434, %add3A_49] : memref<8x8x1024xf32, #tpu.memory_space<vmem>>[vector<16xi32>, vector<16xi32>, vector<16xi32>], vector<16xf32>,
        %mul3A_436 = arith.constant 64 : i32
        %mul3A_437 = arith.muli %add3A_11, %mul3A_436 : i32
        %mul3A_438 = arith.constant 16 : i32
        %mul3A_439 = arith.muli %add3A_33, %mul3A_438 : i32
        %add3A_440 = arith.addi %mul3A_437, %mul3A_439 : i32
        %swap3A_441 = arith.constant 3 : i32
        %swap3A_442 = arith.constant 0 : i32
        %swap3A_443 = arith.index_cast %swap3A_441 : i32 to index
        %swap3A_444 = arith.index_cast %swap3A_442 : i32 to index
        %swap3A_445 = arith.index_cast %add3A_440 : i32 to index
        %swap3A_446 = tpu.vector_load %arg7[%swap3A_443, %swap3A_444, %swap3A_445] {strides = array<i32>} : memref<8x8x512xf32, #tpu.memory_space<vmem>>, vector<16xf32>,
        tpu.vector_store %arg7[%swap3A_443, %swap3A_444, %swap3A_445], %gather3A_435 {strides = array<i32>} : memref<8x8x512xf32, #tpu.memory_space<vmem>>, vector<16xf32>,
        %broadcast_in_dim3A_447 = arith.constant 3 : i32
        %broadcast_in_dim3A_448 = vector.broadcast %broadcast_in_dim3A_447 : i32 to vector<16xi32>
        %broadcast_in_dim3A_449 = arith.constant 1 : i32
        %broadcast_in_dim3A_450 = vector.broadcast %broadcast_in_dim3A_449 : i32 to vector<16xi32>
        %gather3A_451 = tpu.vector_load_idx %arg6[%broadcast_in_dim3A_448, %broadcast_in_dim3A_450, %add3A_49] : memref<8x8x1024xf32, #tpu.memory_space<vmem>>[vector<16xi32>, vector<16xi32>, vector<16xi32>], vector<16xf32>,
        %mul3A_452 = arith.constant 64 : i32
        %mul3A_453 = arith.muli %add3A_11, %mul3A_452 : i32
        %mul3A_454 = arith.constant 16 : i32
        %mul3A_455 = arith.muli %add3A_33, %mul3A_454 : i32
        %add3A_456 = arith.addi %mul3A_453, %mul3A_455 : i32
        %swap3A_457 = arith.constant 3 : i32
        %swap3A_458 = arith.constant 1 : i32
        %swap3A_459 = arith.index_cast %swap3A_457 : i32 to index
        %swap3A_460 = arith.index_cast %swap3A_458 : i32 to index
        %swap3A_461 = arith.index_cast %add3A_456 : i32 to index
        %swap3A_462 = tpu.vector_load %arg7[%swap3A_459, %swap3A_460, %swap3A_461] {strides = array<i32>} : memref<8x8x512xf32, #tpu.memory_space<vmem>>, vector<16xf32>,
        tpu.vector_store %arg7[%swap3A_459, %swap3A_460, %swap3A_461], %gather3A_451 {strides = array<i32>} : memref<8x8x512xf32, #tpu.memory_space<vmem>>, vector<16xf32>,
        %broadcast_in_dim3A_463 = arith.constant 3 : i32
        %broadcast_in_dim3A_464 = vector.broadcast %broadcast_in_dim3A_463 : i32 to vector<16xi32>
        %broadcast_in_dim3A_465 = arith.constant 2 : i32
        %broadcast_in_dim3A_466 = vector.broadcast %broadcast_in_dim3A_465 : i32 to vector<16xi32>
        %gather3A_467 = tpu.vector_load_idx %arg6[%broadcast_in_dim3A_464, %broadcast_in_dim3A_466, %add3A_49] : memref<8x8x1024xf32, #tpu.memory_space<vmem>>[vector<16xi32>, vector<16xi32>, vector<16xi32>], vector<16xf32>,
        %mul3A_468 = arith.constant 64 : i32
        %mul3A_469 = arith.muli %add3A_11, %mul3A_468 : i32
        %mul3A_470 = arith.constant 16 : i32
        %mul3A_471 = arith.muli %add3A_33, %mul3A_470 : i32
        %add3A_472 = arith.addi %mul3A_469, %mul3A_471 : i32
        %swap3A_473 = arith.constant 3 : i32
        %swap3A_474 = arith.constant 2 : i32
        %swap3A_475 = arith.index_cast %swap3A_473 : i32 to index
        %swap3A_476 = arith.index_cast %swap3A_474 : i32 to index
        %swap3A_477 = arith.index_cast %add3A_472 : i32 to index
        %swap3A_478 = tpu.vector_load %arg7[%swap3A_475, %swap3A_476, %swap3A_477] {strides = array<i32>} : memref<8x8x512xf32, #tpu.memory_space<vmem>>, vector<16xf32>,
        tpu.vector_store %arg7[%swap3A_475, %swap3A_476, %swap3A_477], %gather3A_467 {strides = array<i32>} : memref<8x8x512xf32, #tpu.memory_space<vmem>>, vector<16xf32>,
        %broadcast_in_dim3A_479 = arith.constant 3 : i32
        %broadcast_in_dim3A_480 = vector.broadcast %broadcast_in_dim3A_479 : i32 to vector<16xi32>
        %broadcast_in_dim3A_481 = arith.constant 3 : i32
        %broadcast_in_dim3A_482 = vector.broadcast %broadcast_in_dim3A_481 : i32 to vector<16xi32>
        %gather3A_483 = tpu.vector_load_idx %arg6[%broadcast_in_dim3A_480, %broadcast_in_dim3A_482, %add3A_49] : memref<8x8x1024xf32, #tpu.memory_space<vmem>>[vector<16xi32>, vector<16xi32>, vector<16xi32>], vector<16xf32>,
        %mul3A_484 = arith.constant 64 : i32
        %mul3A_485 = arith.muli %add3A_11, %mul3A_484 : i32
        %mul3A_486 = arith.constant 16 : i32
        %mul3A_487 = arith.muli %add3A_33, %mul3A_486 : i32
        %add3A_488 = arith.addi %mul3A_485, %mul3A_487 : i32
        %swap3A_489 = arith.constant 3 : i32
        %swap3A_490 = arith.constant 3 : i32
        %swap3A_491 = arith.index_cast %swap3A_489 : i32 to index
        %swap3A_492 = arith.index_cast %swap3A_490 : i32 to index
        %swap3A_493 = arith.index_cast %add3A_488 : i32 to index
        %swap3A_494 = tpu.vector_load %arg7[%swap3A_491, %swap3A_492, %swap3A_493] {strides = array<i32>} : memref<8x8x512xf32, #tpu.memory_space<vmem>>, vector<16xf32>,
        tpu.vector_store %arg7[%swap3A_491, %swap3A_492, %swap3A_493], %gather3A_483 {strides = array<i32>} : memref<8x8x512xf32, #tpu.memory_space<vmem>>, vector<16xf32>,
        %broadcast_in_dim3A_495 = arith.constant 3 : i32
        %broadcast_in_dim3A_496 = vector.broadcast %broadcast_in_dim3A_495 : i32 to vector<16xi32>
        %broadcast_in_dim3A_497 = arith.constant 4 : i32
        %broadcast_in_dim3A_498 = vector.broadcast %broadcast_in_dim3A_497 : i32 to vector<16xi32>
        %gather3A_499 = tpu.vector_load_idx %arg6[%broadcast_in_dim3A_496, %broadcast_in_dim3A_498, %add3A_49] : memref<8x8x1024xf32, #tpu.memory_space<vmem>>[vector<16xi32>, vector<16xi32>, vector<16xi32>], vector<16xf32>,
        %mul3A_500 = arith.constant 64 : i32
        %mul3A_501 = arith.muli %add3A_11, %mul3A_500 : i32
        %mul3A_502 = arith.constant 16 : i32
        %mul3A_503 = arith.muli %add3A_33, %mul3A_502 : i32
        %add3A_504 = arith.addi %mul3A_501, %mul3A_503 : i32
        %swap3A_505 = arith.constant 3 : i32
        %swap3A_506 = arith.constant 4 : i32
        %swap3A_507 = arith.index_cast %swap3A_505 : i32 to index
        %swap3A_508 = arith.index_cast %swap3A_506 : i32 to index
        %swap3A_509 = arith.index_cast %add3A_504 : i32 to index
        %swap3A_510 = tpu.vector_load %arg7[%swap3A_507, %swap3A_508, %swap3A_509] {strides = array<i32>} : memref<8x8x512xf32, #tpu.memory_space<vmem>>, vector<16xf32>,
        tpu.vector_store %arg7[%swap3A_507, %swap3A_508, %swap3A_509], %gather3A_499 {strides = array<i32>} : memref<8x8x512xf32, #tpu.memory_space<vmem>>, vector<16xf32>,
        %broadcast_in_dim3A_511 = arith.constant 3 : i32
        %broadcast_in_dim3A_512 = vector.broadcast %broadcast_in_dim3A_511 : i32 to vector<16xi32>
        %broadcast_in_dim3A_513 = arith.constant 5 : i32
        %broadcast_in_dim3A_514 = vector.broadcast %broadcast_in_dim3A_513 : i32 to vector<16xi32>
        %gather3A_515 = tpu.vector_load_idx %arg6[%broadcast_in_dim3A_512, %broadcast_in_dim3A_514, %add3A_49] : memref<8x8x1024xf32, #tpu.memory_space<vmem>>[vector<16xi32>, vector<16xi32>, vector<16xi32>], vector<16xf32>,
        %mul3A_516 = arith.constant 64 : i32
        %mul3A_517 = arith.muli %add3A_11, %mul3A_516 : i32
        %mul3A_518 = arith.constant 16 : i32
        %mul3A_519 = arith.muli %add3A_33, %mul3A_518 : i32
        %add3A_520 = arith.addi %mul3A_517, %mul3A_519 : i32
        %swap3A_521 = arith.constant 3 : i32
        %swap3A_522 = arith.constant 5 : i32
        %swap3A_523 = arith.index_cast %swap3A_521 : i32 to index
        %swap3A_524 = arith.index_cast %swap3A_522 : i32 to index
        %swap3A_525 = arith.index_cast %add3A_520 : i32 to index
        %swap3A_526 = tpu.vector_load %arg7[%swap3A_523, %swap3A_524, %swap3A_525] {strides = array<i32>} : memref<8x8x512xf32, #tpu.memory_space<vmem>>, vector<16xf32>,
        tpu.vector_store %arg7[%swap3A_523, %swap3A_524, %swap3A_525], %gather3A_515 {strides = array<i32>} : memref<8x8x512xf32, #tpu.memory_space<vmem>>, vector<16xf32>,
        %broadcast_in_dim3A_527 = arith.constant 3 : i32
        %broadcast_in_dim3A_528 = vector.broadcast %broadcast_in_dim3A_527 : i32 to vector<16xi32>
        %broadcast_in_dim3A_529 = arith.constant 6 : i32
        %broadcast_in_dim3A_530 = vector.broadcast %broadcast_in_dim3A_529 : i32 to vector<16xi32>
        %gather3A_531 = tpu.vector_load_idx %arg6[%broadcast_in_dim3A_528, %broadcast_in_dim3A_530, %add3A_49] : memref<8x8x1024xf32, #tpu.memory_space<vmem>>[vector<16xi32>, vector<16xi32>, vector<16xi32>], vector<16xf32>,
        %mul3A_532 = arith.constant 64 : i32
        %mul3A_533 = arith.muli %add3A_11, %mul3A_532 : i32
        %mul3A_534 = arith.constant 16 : i32
        %mul3A_535 = arith.muli %add3A_33, %mul3A_534 : i32
        %add3A_536 = arith.addi %mul3A_533, %mul3A_535 : i32
        %swap3A_537 = arith.constant 3 : i32
        %swap3A_538 = arith.constant 6 : i32
        %swap3A_539 = arith.index_cast %swap3A_537 : i32 to index
        %swap3A_540 = arith.index_cast %swap3A_538 : i32 to index
        %swap3A_541 = arith.index_cast %add3A_536 : i32 to index
        %swap3A_542 = tpu.vector_load %arg7[%swap3A_539, %swap3A_540, %swap3A_541] {strides = array<i32>} : memref<8x8x512xf32, #tpu.memory_space<vmem>>, vector<16xf32>,
        tpu.vector_store %arg7[%swap3A_539, %swap3A_540, %swap3A_541], %gather3A_531 {strides = array<i32>} : memref<8x8x512xf32, #tpu.memory_space<vmem>>, vector<16xf32>,
        %broadcast_in_dim3A_543 = arith.constant 3 : i32
        %broadcast_in_dim3A_544 = vector.broadcast %broadcast_in_dim3A_543 : i32 to vector<16xi32>
        %broadcast_in_dim3A_545 = arith.constant 7 : i32
        %broadcast_in_dim3A_546 = vector.broadcast %broadcast_in_dim3A_545 : i32 to vector<16xi32>
        %gather3A_547 = tpu.vector_load_idx %arg6[%broadcast_in_dim3A_544, %broadcast_in_dim3A_546, %add3A_49] : memref<8x8x1024xf32, #tpu.memory_space<vmem>>[vector<16xi32>, vector<16xi32>, vector<16xi32>], vector<16xf32>,
        %mul3A_548 = arith.constant 64 : i32
        %mul3A_549 = arith.muli %add3A_11, %mul3A_548 : i32
        %mul3A_550 = arith.constant 16 : i32
        %mul3A_551 = arith.muli %add3A_33, %mul3A_550 : i32
        %add3A_552 = arith.addi %mul3A_549, %mul3A_551 : i32
        %swap3A_553 = arith.constant 3 : i32
        %swap3A_554 = arith.constant 7 : i32
        %swap3A_555 = arith.index_cast %swap3A_553 : i32 to index
        %swap3A_556 = arith.index_cast %swap3A_554 : i32 to index
        %swap3A_557 = arith.index_cast %add3A_552 : i32 to index
        %swap3A_558 = tpu.vector_load %arg7[%swap3A_555, %swap3A_556, %swap3A_557] {strides = array<i32>} : memref<8x8x512xf32, #tpu.memory_space<vmem>>, vector<16xf32>,
        tpu.vector_store %arg7[%swap3A_555, %swap3A_556, %swap3A_557], %gather3A_547 {strides = array<i32>} : memref<8x8x512xf32, #tpu.memory_space<vmem>>, vector<16xf32>,
        %broadcast_in_dim3A_559 = arith.constant 4 : i32
        %broadcast_in_dim3A_560 = vector.broadcast %broadcast_in_dim3A_559 : i32 to vector<16xi32>
        %broadcast_in_dim3A_561 = arith.constant 0 : i32
        %broadcast_in_dim3A_562 = vector.broadcast %broadcast_in_dim3A_561 : i32 to vector<16xi32>
        %gather3A_563 = tpu.vector_load_idx %arg6[%broadcast_in_dim3A_560, %broadcast_in_dim3A_562, %add3A_49] : memref<8x8x1024xf32, #tpu.memory_space<vmem>>[vector<16xi32>, vector<16xi32>, vector<16xi32>], vector<16xf32>,
        %mul3A_564 = arith.constant 64 : i32
        %mul3A_565 = arith.muli %add3A_11, %mul3A_564 : i32
        %mul3A_566 = arith.constant 16 : i32
        %mul3A_567 = arith.muli %add3A_33, %mul3A_566 : i32
        %add3A_568 = arith.addi %mul3A_565, %mul3A_567 : i32
        %swap3A_569 = arith.constant 4 : i32
        %swap3A_570 = arith.constant 0 : i32
        %swap3A_571 = arith.index_cast %swap3A_569 : i32 to index
        %swap3A_572 = arith.index_cast %swap3A_570 : i32 to index
        %swap3A_573 = arith.index_cast %add3A_568 : i32 to index
        %swap3A_574 = tpu.vector_load %arg7[%swap3A_571, %swap3A_572, %swap3A_573] {strides = array<i32>} : memref<8x8x512xf32, #tpu.memory_space<vmem>>, vector<16xf32>,
        tpu.vector_store %arg7[%swap3A_571, %swap3A_572, %swap3A_573], %gather3A_563 {strides = array<i32>} : memref<8x8x512xf32, #tpu.memory_space<vmem>>, vector<16xf32>,
        %broadcast_in_dim3A_575 = arith.constant 4 : i32
        %broadcast_in_dim3A_576 = vector.broadcast %broadcast_in_dim3A_575 : i32 to vector<16xi32>
        %broadcast_in_dim3A_577 = arith.constant 1 : i32
        %broadcast_in_dim3A_578 = vector.broadcast %broadcast_in_dim3A_577 : i32 to vector<16xi32>
        %gather3A_579 = tpu.vector_load_idx %arg6[%broadcast_in_dim3A_576, %broadcast_in_dim3A_578, %add3A_49] : memref<8x8x1024xf32, #tpu.memory_space<vmem>>[vector<16xi32>, vector<16xi32>, vector<16xi32>], vector<16xf32>,
        %mul3A_580 = arith.constant 64 : i32
        %mul3A_581 = arith.muli %add3A_11, %mul3A_580 : i32
        %mul3A_582 = arith.constant 16 : i32
        %mul3A_583 = arith.muli %add3A_33, %mul3A_582 : i32
        %add3A_584 = arith.addi %mul3A_581, %mul3A_583 : i32
        %swap3A_585 = arith.constant 4 : i32
        %swap3A_586 = arith.constant 1 : i32
        %swap3A_587 = arith.index_cast %swap3A_585 : i32 to index
        %swap3A_588 = arith.index_cast %swap3A_586 : i32 to index
        %swap3A_589 = arith.index_cast %add3A_584 : i32 to index
        %swap3A_590 = tpu.vector_load %arg7[%swap3A_587, %swap3A_588, %swap3A_589] {strides = array<i32>} : memref<8x8x512xf32, #tpu.memory_space<vmem>>, vector<16xf32>,
        tpu.vector_store %arg7[%swap3A_587, %swap3A_588, %swap3A_589], %gather3A_579 {strides = array<i32>} : memref<8x8x512xf32, #tpu.memory_space<vmem>>, vector<16xf32>,
        %broadcast_in_dim3A_591 = arith.constant 4 : i32
        %broadcast_in_dim3A_592 = vector.broadcast %broadcast_in_dim3A_591 : i32 to vector<16xi32>
        %broadcast_in_dim3A_593 = arith.constant 2 : i32
        %broadcast_in_dim3A_594 = vector.broadcast %broadcast_in_dim3A_593 : i32 to vector<16xi32>
        %gather3A_595 = tpu.vector_load_idx %arg6[%broadcast_in_dim3A_592, %broadcast_in_dim3A_594, %add3A_49] : memref<8x8x1024xf32, #tpu.memory_space<vmem>>[vector<16xi32>, vector<16xi32>, vector<16xi32>], vector<16xf32>,
        %mul3A_596 = arith.constant 64 : i32
        %mul3A_597 = arith.muli %add3A_11, %mul3A_596 : i32
        %mul3A_598 = arith.constant 16 : i32
        %mul3A_599 = arith.muli %add3A_33, %mul3A_598 : i32
        %add3A_600 = arith.addi %mul3A_597, %mul3A_599 : i32
        %swap3A_601 = arith.constant 4 : i32
        %swap3A_602 = arith.constant 2 : i32
        %swap3A_603 = arith.index_cast %swap3A_601 : i32 to index
        %swap3A_604 = arith.index_cast %swap3A_602 : i32 to index
        %swap3A_605 = arith.index_cast %add3A_600 : i32 to index
        %swap3A_606 = tpu.vector_load %arg7[%swap3A_603, %swap3A_604, %swap3A_605] {strides = array<i32>} : memref<8x8x512xf32, #tpu.memory_space<vmem>>, vector<16xf32>,
        tpu.vector_store %arg7[%swap3A_603, %swap3A_604, %swap3A_605], %gather3A_595 {strides = array<i32>} : memref<8x8x512xf32, #tpu.memory_space<vmem>>, vector<16xf32>,
        %broadcast_in_dim3A_607 = arith.constant 4 : i32
        %broadcast_in_dim3A_608 = vector.broadcast %broadcast_in_dim3A_607 : i32 to vector<16xi32>
        %broadcast_in_dim3A_609 = arith.constant 3 : i32
        %broadcast_in_dim3A_610 = vector.broadcast %broadcast_in_dim3A_609 : i32 to vector<16xi32>
        %gather3A_611 = tpu.vector_load_idx %arg6[%broadcast_in_dim3A_608, %broadcast_in_dim3A_610, %add3A_49] : memref<8x8x1024xf32, #tpu.memory_space<vmem>>[vector<16xi32>, vector<16xi32>, vector<16xi32>], vector<16xf32>,
        %mul3A_612 = arith.constant 64 : i32
        %mul3A_613 = arith.muli %add3A_11, %mul3A_612 : i32
        %mul3A_614 = arith.constant 16 : i32
        %mul3A_615 = arith.muli %add3A_33, %mul3A_614 : i32
        %add3A_616 = arith.addi %mul3A_613, %mul3A_615 : i32
        %swap3A_617 = arith.constant 4 : i32
        %swap3A_618 = arith.constant 3 : i32
        %swap3A_619 = arith.index_cast %swap3A_617 : i32 to index
        %swap3A_620 = arith.index_cast %swap3A_618 : i32 to index
        %swap3A_621 = arith.index_cast %add3A_616 : i32 to index
        %swap3A_622 = tpu.vector_load %arg7[%swap3A_619, %swap3A_620, %swap3A_621] {strides = array<i32>} : memref<8x8x512xf32, #tpu.memory_space<vmem>>, vector<16xf32>,
        tpu.vector_store %arg7[%swap3A_619, %swap3A_620, %swap3A_621], %gather3A_611 {strides = array<i32>} : memref<8x8x512xf32, #tpu.memory_space<vmem>>, vector<16xf32>,
        %broadcast_in_dim3A_623 = arith.constant 4 : i32
        %broadcast_in_dim3A_624 = vector.broadcast %broadcast_in_dim3A_623 : i32 to vector<16xi32>
        %broadcast_in_dim3A_625 = arith.constant 4 : i32
        %broadcast_in_dim3A_626 = vector.broadcast %broadcast_in_dim3A_625 : i32 to vector<16xi32>
        %gather3A_627 = tpu.vector_load_idx %arg6[%broadcast_in_dim3A_624, %broadcast_in_dim3A_626, %add3A_49] : memref<8x8x1024xf32, #tpu.memory_space<vmem>>[vector<16xi32>, vector<16xi32>, vector<16xi32>], vector<16xf32>,
        %mul3A_628 = arith.constant 64 : i32
        %mul3A_629 = arith.muli %add3A_11, %mul3A_628 : i32
        %mul3A_630 = arith.constant 16 : i32
        %mul3A_631 = arith.muli %add3A_33, %mul3A_630 : i32
        %add3A_632 = arith.addi %mul3A_629, %mul3A_631 : i32
        %swap3A_633 = arith.constant 4 : i32
        %swap3A_634 = arith.constant 4 : i32
        %swap3A_635 = arith.index_cast %swap3A_633 : i32 to index
        %swap3A_636 = arith.index_cast %swap3A_634 : i32 to index
        %swap3A_637 = arith.index_cast %add3A_632 : i32 to index
        %swap3A_638 = tpu.vector_load %arg7[%swap3A_635, %swap3A_636, %swap3A_637] {strides = array<i32>} : memref<8x8x512xf32, #tpu.memory_space<vmem>>, vector<16xf32>,
        tpu.vector_store %arg7[%swap3A_635, %swap3A_636, %swap3A_637], %gather3A_627 {strides = array<i32>} : memref<8x8x512xf32, #tpu.memory_space<vmem>>, vector<16xf32>,
        %broadcast_in_dim3A_639 = arith.constant 4 : i32
        %broadcast_in_dim3A_640 = vector.broadcast %broadcast_in_dim3A_639 : i32 to vector<16xi32>
        %broadcast_in_dim3A_641 = arith.constant 5 : i32
        %broadcast_in_dim3A_642 = vector.broadcast %broadcast_in_dim3A_641 : i32 to vector<16xi32>
        %gather3A_643 = tpu.vector_load_idx %arg6[%broadcast_in_dim3A_640, %broadcast_in_dim3A_642, %add3A_49] : memref<8x8x1024xf32, #tpu.memory_space<vmem>>[vector<16xi32>, vector<16xi32>, vector<16xi32>], vector<16xf32>,
        %mul3A_644 = arith.constant 64 : i32
        %mul3A_645 = arith.muli %add3A_11, %mul3A_644 : i32
        %mul3A_646 = arith.constant 16 : i32
        %mul3A_647 = arith.muli %add3A_33, %mul3A_646 : i32
        %add3A_648 = arith.addi %mul3A_645, %mul3A_647 : i32
        %swap3A_649 = arith.constant 4 : i32
        %swap3A_650 = arith.constant 5 : i32
        %swap3A_651 = arith.index_cast %swap3A_649 : i32 to index
        %swap3A_652 = arith.index_cast %swap3A_650 : i32 to index
        %swap3A_653 = arith.index_cast %add3A_648 : i32 to index
        %swap3A_654 = tpu.vector_load %arg7[%swap3A_651, %swap3A_652, %swap3A_653] {strides = array<i32>} : memref<8x8x512xf32, #tpu.memory_space<vmem>>, vector<16xf32>,
        tpu.vector_store %arg7[%swap3A_651, %swap3A_652, %swap3A_653], %gather3A_643 {strides = array<i32>} : memref<8x8x512xf32, #tpu.memory_space<vmem>>, vector<16xf32>,
        %broadcast_in_dim3A_655 = arith.constant 4 : i32
        %broadcast_in_dim3A_656 = vector.broadcast %broadcast_in_dim3A_655 : i32 to vector<16xi32>
        %broadcast_in_dim3A_657 = arith.constant 6 : i32
        %broadcast_in_dim3A_658 = vector.broadcast %broadcast_in_dim3A_657 : i32 to vector<16xi32>
        %gather3A_659 = tpu.vector_load_idx %arg6[%broadcast_in_dim3A_656, %broadcast_in_dim3A_658, %add3A_49] : memref<8x8x1024xf32, #tpu.memory_space<vmem>>[vector<16xi32>, vector<16xi32>, vector<16xi32>], vector<16xf32>,
        %mul3A_660 = arith.constant 64 : i32
        %mul3A_661 = arith.muli %add3A_11, %mul3A_660 : i32
        %mul3A_662 = arith.constant 16 : i32
        %mul3A_663 = arith.muli %add3A_33, %mul3A_662 : i32
        %add3A_664 = arith.addi %mul3A_661, %mul3A_663 : i32
        %swap3A_665 = arith.constant 4 : i32
        %swap3A_666 = arith.constant 6 : i32
        %swap3A_667 = arith.index_cast %swap3A_665 : i32 to index
        %swap3A_668 = arith.index_cast %swap3A_666 : i32 to index
        %swap3A_669 = arith.index_cast %add3A_664 : i32 to index
        %swap3A_670 = tpu.vector_load %arg7[%swap3A_667, %swap3A_668, %swap3A_669] {strides = array<i32>} : memref<8x8x512xf32, #tpu.memory_space<vmem>>, vector<16xf32>,
        tpu.vector_store %arg7[%swap3A_667, %swap3A_668, %swap3A_669], %gather3A_659 {strides = array<i32>} : memref<8x8x512xf32, #tpu.memory_space<vmem>>, vector<16xf32>,
        %broadcast_in_dim3A_671 = arith.constant 4 : i32
        %broadcast_in_dim3A_672 = vector.broadcast %broadcast_in_dim3A_671 : i32 to vector<16xi32>
        %broadcast_in_dim3A_673 = arith.constant 7 : i32
        %broadcast_in_dim3A_674 = vector.broadcast %broadcast_in_dim3A_673 : i32 to vector<16xi32>
        %gather3A_675 = tpu.vector_load_idx %arg6[%broadcast_in_dim3A_672, %broadcast_in_dim3A_674, %add3A_49] : memref<8x8x1024xf32, #tpu.memory_space<vmem>>[vector<16xi32>, vector<16xi32>, vector<16xi32>], vector<16xf32>,
        %mul3A_676 = arith.constant 64 : i32
        %mul3A_677 = arith.muli %add3A_11, %mul3A_676 : i32
        %mul3A_678 = arith.constant 16 : i32
        %mul3A_679 = arith.muli %add3A_33, %mul3A_678 : i32
        %add3A_680 = arith.addi %mul3A_677, %mul3A_679 : i32
        %swap3A_681 = arith.constant 4 : i32
        %swap3A_682 = arith.constant 7 : i32
        %swap3A_683 = arith.index_cast %swap3A_681 : i32 to index
        %swap3A_684 = arith.index_cast %swap3A_682 : i32 to index
        %swap3A_685 = arith.index_cast %add3A_680 : i32 to index
        %swap3A_686 = tpu.vector_load %arg7[%swap3A_683, %swap3A_684, %swap3A_685] {strides = array<i32>} : memref<8x8x512xf32, #tpu.memory_space<vmem>>, vector<16xf32>,
        tpu.vector_store %arg7[%swap3A_683, %swap3A_684, %swap3A_685], %gather3A_675 {strides = array<i32>} : memref<8x8x512xf32, #tpu.memory_space<vmem>>, vector<16xf32>,
        %broadcast_in_dim3A_687 = arith.constant 5 : i32
        %broadcast_in_dim3A_688 = vector.broadcast %broadcast_in_dim3A_687 : i32 to vector<16xi32>
        %broadcast_in_dim3A_689 = arith.constant 0 : i32
        %broadcast_in_dim3A_690 = vector.broadcast %broadcast_in_dim3A_689 : i32 to vector<16xi32>
        %gather3A_691 = tpu.vector_load_idx %arg6[%broadcast_in_dim3A_688, %broadcast_in_dim3A_690, %add3A_49] : memref<8x8x1024xf32, #tpu.memory_space<vmem>>[vector<16xi32>, vector<16xi32>, vector<16xi32>], vector<16xf32>,
        %mul3A_692 = arith.constant 64 : i32
        %mul3A_693 = arith.muli %add3A_11, %mul3A_692 : i32
        %mul3A_694 = arith.constant 16 : i32
        %mul3A_695 = arith.muli %add3A_33, %mul3A_694 : i32
        %add3A_696 = arith.addi %mul3A_693, %mul3A_695 : i32
        %swap3A_697 = arith.constant 5 : i32
        %swap3A_698 = arith.constant 0 : i32
        %swap3A_699 = arith.index_cast %swap3A_697 : i32 to index
        %swap3A_700 = arith.index_cast %swap3A_698 : i32 to index
        %swap3A_701 = arith.index_cast %add3A_696 : i32 to index
        %swap3A_702 = tpu.vector_load %arg7[%swap3A_699, %swap3A_700, %swap3A_701] {strides = array<i32>} : memref<8x8x512xf32, #tpu.memory_space<vmem>>, vector<16xf32>,
        tpu.vector_store %arg7[%swap3A_699, %swap3A_700, %swap3A_701], %gather3A_691 {strides = array<i32>} : memref<8x8x512xf32, #tpu.memory_space<vmem>>, vector<16xf32>,
        %broadcast_in_dim3A_703 = arith.constant 5 : i32
        %broadcast_in_dim3A_704 = vector.broadcast %broadcast_in_dim3A_703 : i32 to vector<16xi32>
        %broadcast_in_dim3A_705 = arith.constant 1 : i32
        %broadcast_in_dim3A_706 = vector.broadcast %broadcast_in_dim3A_705 : i32 to vector<16xi32>
        %gather3A_707 = tpu.vector_load_idx %arg6[%broadcast_in_dim3A_704, %broadcast_in_dim3A_706, %add3A_49] : memref<8x8x1024xf32, #tpu.memory_space<vmem>>[vector<16xi32>, vector<16xi32>, vector<16xi32>], vector<16xf32>,
        %mul3A_708 = arith.constant 64 : i32
        %mul3A_709 = arith.muli %add3A_11, %mul3A_708 : i32
        %mul3A_710 = arith.constant 16 : i32
        %mul3A_711 = arith.muli %add3A_33, %mul3A_710 : i32
        %add3A_712 = arith.addi %mul3A_709, %mul3A_711 : i32
        %swap3A_713 = arith.constant 5 : i32
        %swap3A_714 = arith.constant 1 : i32
        %swap3A_715 = arith.index_cast %swap3A_713 : i32 to index
        %swap3A_716 = arith.index_cast %swap3A_714 : i32 to index
        %swap3A_717 = arith.index_cast %add3A_712 : i32 to index
        %swap3A_718 = tpu.vector_load %arg7[%swap3A_715, %swap3A_716, %swap3A_717] {strides = array<i32>} : memref<8x8x512xf32, #tpu.memory_space<vmem>>, vector<16xf32>,
        tpu.vector_store %arg7[%swap3A_715, %swap3A_716, %swap3A_717], %gather3A_707 {strides = array<i32>} : memref<8x8x512xf32, #tpu.memory_space<vmem>>, vector<16xf32>,
        %broadcast_in_dim3A_719 = arith.constant 5 : i32
        %broadcast_in_dim3A_720 = vector.broadcast %broadcast_in_dim3A_719 : i32 to vector<16xi32>
        %broadcast_in_dim3A_721 = arith.constant 2 : i32
        %broadcast_in_dim3A_722 = vector.broadcast %broadcast_in_dim3A_721 : i32 to vector<16xi32>
        %gather3A_723 = tpu.vector_load_idx %arg6[%broadcast_in_dim3A_720, %broadcast_in_dim3A_722, %add3A_49] : memref<8x8x1024xf32, #tpu.memory_space<vmem>>[vector<16xi32>, vector<16xi32>, vector<16xi32>], vector<16xf32>,
        %mul3A_724 = arith.constant 64 : i32
        %mul3A_725 = arith.muli %add3A_11, %mul3A_724 : i32
        %mul3A_726 = arith.constant 16 : i32
        %mul3A_727 = arith.muli %add3A_33, %mul3A_726 : i32
        %add3A_728 = arith.addi %mul3A_725, %mul3A_727 : i32
        %swap3A_729 = arith.constant 5 : i32
        %swap3A_730 = arith.constant 2 : i32
        %swap3A_731 = arith.index_cast %swap3A_729 : i32 to index
        %swap3A_732 = arith.index_cast %swap3A_730 : i32 to index
        %swap3A_733 = arith.index_cast %add3A_728 : i32 to index
        %swap3A_734 = tpu.vector_load %arg7[%swap3A_731, %swap3A_732, %swap3A_733] {strides = array<i32>} : memref<8x8x512xf32, #tpu.memory_space<vmem>>, vector<16xf32>,
        tpu.vector_store %arg7[%swap3A_731, %swap3A_732, %swap3A_733], %gather3A_723 {strides = array<i32>} : memref<8x8x512xf32, #tpu.memory_space<vmem>>, vector<16xf32>,
        %broadcast_in_dim3A_735 = arith.constant 5 : i32
        %broadcast_in_dim3A_736 = vector.broadcast %broadcast_in_dim3A_735 : i32 to vector<16xi32>
        %broadcast_in_dim3A_737 = arith.constant 3 : i32
        %broadcast_in_dim3A_738 = vector.broadcast %broadcast_in_dim3A_737 : i32 to vector<16xi32>
        %gather3A_739 = tpu.vector_load_idx %arg6[%broadcast_in_dim3A_736, %broadcast_in_dim3A_738, %add3A_49] : memref<8x8x1024xf32, #tpu.memory_space<vmem>>[vector<16xi32>, vector<16xi32>, vector<16xi32>], vector<16xf32>,
        %mul3A_740 = arith.constant 64 : i32
        %mul3A_741 = arith.muli %add3A_11, %mul3A_740 : i32
        %mul3A_742 = arith.constant 16 : i32
        %mul3A_743 = arith.muli %add3A_33, %mul3A_742 : i32
        %add3A_744 = arith.addi %mul3A_741, %mul3A_743 : i32
        %swap3A_745 = arith.constant 5 : i32
        %swap3A_746 = arith.constant 3 : i32
        %swap3A_747 = arith.index_cast %swap3A_745 : i32 to index
        %swap3A_748 = arith.index_cast %swap3A_746 : i32 to index
        %swap3A_749 = arith.index_cast %add3A_744 : i32 to index
        %swap3A_750 = tpu.vector_load %arg7[%swap3A_747, %swap3A_748, %swap3A_749] {strides = array<i32>} : memref<8x8x512xf32, #tpu.memory_space<vmem>>, vector<16xf32>,
        tpu.vector_store %arg7[%swap3A_747, %swap3A_748, %swap3A_749], %gather3A_739 {strides = array<i32>} : memref<8x8x512xf32, #tpu.memory_space<vmem>>, vector<16xf32>,
        %broadcast_in_dim3A_751 = arith.constant 5 : i32
        %broadcast_in_dim3A_752 = vector.broadcast %broadcast_in_dim3A_751 : i32 to vector<16xi32>
        %broadcast_in_dim3A_753 = arith.constant 4 : i32
        %broadcast_in_dim3A_754 = vector.broadcast %broadcast_in_dim3A_753 : i32 to vector<16xi32>
        %gather3A_755 = tpu.vector_load_idx %arg6[%broadcast_in_dim3A_752, %broadcast_in_dim3A_754, %add3A_49] : memref<8x8x1024xf32, #tpu.memory_space<vmem>>[vector<16xi32>, vector<16xi32>, vector<16xi32>], vector<16xf32>,
        %mul3A_756 = arith.constant 64 : i32
        %mul3A_757 = arith.muli %add3A_11, %mul3A_756 : i32
        %mul3A_758 = arith.constant 16 : i32
        %mul3A_759 = arith.muli %add3A_33, %mul3A_758 : i32
        %add3A_760 = arith.addi %mul3A_757, %mul3A_759 : i32
        %swap3A_761 = arith.constant 5 : i32
        %swap3A_762 = arith.constant 4 : i32
        %swap3A_763 = arith.index_cast %swap3A_761 : i32 to index
        %swap3A_764 = arith.index_cast %swap3A_762 : i32 to index
        %swap3A_765 = arith.index_cast %add3A_760 : i32 to index
        %swap3A_766 = tpu.vector_load %arg7[%swap3A_763, %swap3A_764, %swap3A_765] {strides = array<i32>} : memref<8x8x512xf32, #tpu.memory_space<vmem>>, vector<16xf32>,
        tpu.vector_store %arg7[%swap3A_763, %swap3A_764, %swap3A_765], %gather3A_755 {strides = array<i32>} : memref<8x8x512xf32, #tpu.memory_space<vmem>>, vector<16xf32>,
        %broadcast_in_dim3A_767 = arith.constant 5 : i32
        %broadcast_in_dim3A_768 = vector.broadcast %broadcast_in_dim3A_767 : i32 to vector<16xi32>
        %broadcast_in_dim3A_769 = arith.constant 5 : i32
        %broadcast_in_dim3A_770 = vector.broadcast %broadcast_in_dim3A_769 : i32 to vector<16xi32>
        %gather3A_771 = tpu.vector_load_idx %arg6[%broadcast_in_dim3A_768, %broadcast_in_dim3A_770, %add3A_49] : memref<8x8x1024xf32, #tpu.memory_space<vmem>>[vector<16xi32>, vector<16xi32>, vector<16xi32>], vector<16xf32>,
        %mul3A_772 = arith.constant 64 : i32
        %mul3A_773 = arith.muli %add3A_11, %mul3A_772 : i32
        %mul3A_774 = arith.constant 16 : i32
        %mul3A_775 = arith.muli %add3A_33, %mul3A_774 : i32
        %add3A_776 = arith.addi %mul3A_773, %mul3A_775 : i32
        %swap3A_777 = arith.constant 5 : i32
        %swap3A_778 = arith.constant 5 : i32
        %swap3A_779 = arith.index_cast %swap3A_777 : i32 to index
        %swap3A_780 = arith.index_cast %swap3A_778 : i32 to index
        %swap3A_781 = arith.index_cast %add3A_776 : i32 to index
        %swap3A_782 = tpu.vector_load %arg7[%swap3A_779, %swap3A_780, %swap3A_781] {strides = array<i32>} : memref<8x8x512xf32, #tpu.memory_space<vmem>>, vector<16xf32>,
        tpu.vector_store %arg7[%swap3A_779, %swap3A_780, %swap3A_781], %gather3A_771 {strides = array<i32>} : memref<8x8x512xf32, #tpu.memory_space<vmem>>, vector<16xf32>,
        %broadcast_in_dim3A_783 = arith.constant 5 : i32
        %broadcast_in_dim3A_784 = vector.broadcast %broadcast_in_dim3A_783 : i32 to vector<16xi32>
        %broadcast_in_dim3A_785 = arith.constant 6 : i32
        %broadcast_in_dim3A_786 = vector.broadcast %broadcast_in_dim3A_785 : i32 to vector<16xi32>
        %gather3A_787 = tpu.vector_load_idx %arg6[%broadcast_in_dim3A_784, %broadcast_in_dim3A_786, %add3A_49] : memref<8x8x1024xf32, #tpu.memory_space<vmem>>[vector<16xi32>, vector<16xi32>, vector<16xi32>], vector<16xf32>,
        %mul3A_788 = arith.constant 64 : i32
        %mul3A_789 = arith.muli %add3A_11, %mul3A_788 : i32
        %mul3A_790 = arith.constant 16 : i32
        %mul3A_791 = arith.muli %add3A_33, %mul3A_790 : i32
        %add3A_792 = arith.addi %mul3A_789, %mul3A_791 : i32
        %swap3A_793 = arith.constant 5 : i32
        %swap3A_794 = arith.constant 6 : i32
        %swap3A_795 = arith.index_cast %swap3A_793 : i32 to index
        %swap3A_796 = arith.index_cast %swap3A_794 : i32 to index
        %swap3A_797 = arith.index_cast %add3A_792 : i32 to index
        %swap3A_798 = tpu.vector_load %arg7[%swap3A_795, %swap3A_796, %swap3A_797] {strides = array<i32>} : memref<8x8x512xf32, #tpu.memory_space<vmem>>, vector<16xf32>,
        tpu.vector_store %arg7[%swap3A_795, %swap3A_796, %swap3A_797], %gather3A_787 {strides = array<i32>} : memref<8x8x512xf32, #tpu.memory_space<vmem>>, vector<16xf32>,
        %broadcast_in_dim3A_799 = arith.constant 5 : i32
        %broadcast_in_dim3A_800 = vector.broadcast %broadcast_in_dim3A_799 : i32 to vector<16xi32>
        %broadcast_in_dim3A_801 = arith.constant 7 : i32
        %broadcast_in_dim3A_802 = vector.broadcast %broadcast_in_dim3A_801 : i32 to vector<16xi32>
        %gather3A_803 = tpu.vector_load_idx %arg6[%broadcast_in_dim3A_800, %broadcast_in_dim3A_802, %add3A_49] : memref<8x8x1024xf32, #tpu.memory_space<vmem>>[vector<16xi32>, vector<16xi32>, vector<16xi32>], vector<16xf32>,
        %mul3A_804 = arith.constant 64 : i32
        %mul3A_805 = arith.muli %add3A_11, %mul3A_804 : i32
        %mul3A_806 = arith.constant 16 : i32
        %mul3A_807 = arith.muli %add3A_33, %mul3A_806 : i32
        %add3A_808 = arith.addi %mul3A_805, %mul3A_807 : i32
        %swap3A_809 = arith.constant 5 : i32
        %swap3A_810 = arith.constant 7 : i32
        %swap3A_811 = arith.index_cast %swap3A_809 : i32 to index
        %swap3A_812 = arith.index_cast %swap3A_810 : i32 to index
        %swap3A_813 = arith.index_cast %add3A_808 : i32 to index
        %swap3A_814 = tpu.vector_load %arg7[%swap3A_811, %swap3A_812, %swap3A_813] {strides = array<i32>} : memref<8x8x512xf32, #tpu.memory_space<vmem>>, vector<16xf32>,
        tpu.vector_store %arg7[%swap3A_811, %swap3A_812, %swap3A_813], %gather3A_803 {strides = array<i32>} : memref<8x8x512xf32, #tpu.memory_space<vmem>>, vector<16xf32>,
        %broadcast_in_dim3A_815 = arith.constant 6 : i32
        %broadcast_in_dim3A_816 = vector.broadcast %broadcast_in_dim3A_815 : i32 to vector<16xi32>
        %broadcast_in_dim3A_817 = arith.constant 0 : i32
        %broadcast_in_dim3A_818 = vector.broadcast %broadcast_in_dim3A_817 : i32 to vector<16xi32>
        %gather3A_819 = tpu.vector_load_idx %arg6[%broadcast_in_dim3A_816, %broadcast_in_dim3A_818, %add3A_49] : memref<8x8x1024xf32, #tpu.memory_space<vmem>>[vector<16xi32>, vector<16xi32>, vector<16xi32>], vector<16xf32>,
        %mul3A_820 = arith.constant 64 : i32
        %mul3A_821 = arith.muli %add3A_11, %mul3A_820 : i32
        %mul3A_822 = arith.constant 16 : i32
        %mul3A_823 = arith.muli %add3A_33, %mul3A_822 : i32
        %add3A_824 = arith.addi %mul3A_821, %mul3A_823 : i32
        %swap3A_825 = arith.constant 6 : i32
        %swap3A_826 = arith.constant 0 : i32
        %swap3A_827 = arith.index_cast %swap3A_825 : i32 to index
        %swap3A_828 = arith.index_cast %swap3A_826 : i32 to index
        %swap3A_829 = arith.index_cast %add3A_824 : i32 to index
        %swap3A_830 = tpu.vector_load %arg7[%swap3A_827, %swap3A_828, %swap3A_829] {strides = array<i32>} : memref<8x8x512xf32, #tpu.memory_space<vmem>>, vector<16xf32>,
        tpu.vector_store %arg7[%swap3A_827, %swap3A_828, %swap3A_829], %gather3A_819 {strides = array<i32>} : memref<8x8x512xf32, #tpu.memory_space<vmem>>, vector<16xf32>,
        %broadcast_in_dim3A_831 = arith.constant 6 : i32
        %broadcast_in_dim3A_832 = vector.broadcast %broadcast_in_dim3A_831 : i32 to vector<16xi32>
        %broadcast_in_dim3A_833 = arith.constant 1 : i32
        %broadcast_in_dim3A_834 = vector.broadcast %broadcast_in_dim3A_833 : i32 to vector<16xi32>
        %gather3A_835 = tpu.vector_load_idx %arg6[%broadcast_in_dim3A_832, %broadcast_in_dim3A_834, %add3A_49] : memref<8x8x1024xf32, #tpu.memory_space<vmem>>[vector<16xi32>, vector<16xi32>, vector<16xi32>], vector<16xf32>,
        %mul3A_836 = arith.constant 64 : i32
        %mul3A_837 = arith.muli %add3A_11, %mul3A_836 : i32
        %mul3A_838 = arith.constant 16 : i32
        %mul3A_839 = arith.muli %add3A_33, %mul3A_838 : i32
        %add3A_840 = arith.addi %mul3A_837, %mul3A_839 : i32
        %swap3A_841 = arith.constant 6 : i32
        %swap3A_842 = arith.constant 1 : i32
        %swap3A_843 = arith.index_cast %swap3A_841 : i32 to index
        %swap3A_844 = arith.index_cast %swap3A_842 : i32 to index
        %swap3A_845 = arith.index_cast %add3A_840 : i32 to index
        %swap3A_846 = tpu.vector_load %arg7[%swap3A_843, %swap3A_844, %swap3A_845] {strides = array<i32>} : memref<8x8x512xf32, #tpu.memory_space<vmem>>, vector<16xf32>,
        tpu.vector_store %arg7[%swap3A_843, %swap3A_844, %swap3A_845], %gather3A_835 {strides = array<i32>} : memref<8x8x512xf32, #tpu.memory_space<vmem>>, vector<16xf32>,
        %broadcast_in_dim3A_847 = arith.constant 6 : i32
        %broadcast_in_dim3A_848 = vector.broadcast %broadcast_in_dim3A_847 : i32 to vector<16xi32>
        %broadcast_in_dim3A_849 = arith.constant 2 : i32
        %broadcast_in_dim3A_850 = vector.broadcast %broadcast_in_dim3A_849 : i32 to vector<16xi32>
        %gather3A_851 = tpu.vector_load_idx %arg6[%broadcast_in_dim3A_848, %broadcast_in_dim3A_850, %add3A_49] : memref<8x8x1024xf32, #tpu.memory_space<vmem>>[vector<16xi32>, vector<16xi32>, vector<16xi32>], vector<16xf32>,
        %mul3A_852 = arith.constant 64 : i32
        %mul3A_853 = arith.muli %add3A_11, %mul3A_852 : i32
        %mul3A_854 = arith.constant 16 : i32
        %mul3A_855 = arith.muli %add3A_33, %mul3A_854 : i32
        %add3A_856 = arith.addi %mul3A_853, %mul3A_855 : i32
        %swap3A_857 = arith.constant 6 : i32
        %swap3A_858 = arith.constant 2 : i32
        %swap3A_859 = arith.index_cast %swap3A_857 : i32 to index
        %swap3A_860 = arith.index_cast %swap3A_858 : i32 to index
        %swap3A_861 = arith.index_cast %add3A_856 : i32 to index
        %swap3A_862 = tpu.vector_load %arg7[%swap3A_859, %swap3A_860, %swap3A_861] {strides = array<i32>} : memref<8x8x512xf32, #tpu.memory_space<vmem>>, vector<16xf32>,
        tpu.vector_store %arg7[%swap3A_859, %swap3A_860, %swap3A_861], %gather3A_851 {strides = array<i32>} : memref<8x8x512xf32, #tpu.memory_space<vmem>>, vector<16xf32>,
        %broadcast_in_dim3A_863 = arith.constant 6 : i32
        %broadcast_in_dim3A_864 = vector.broadcast %broadcast_in_dim3A_863 : i32 to vector<16xi32>
        %broadcast_in_dim3A_865 = arith.constant 3 : i32
        %broadcast_in_dim3A_866 = vector.broadcast %broadcast_in_dim3A_865 : i32 to vector<16xi32>
        %gather3A_867 = tpu.vector_load_idx %arg6[%broadcast_in_dim3A_864, %broadcast_in_dim3A_866, %add3A_49] : memref<8x8x1024xf32, #tpu.memory_space<vmem>>[vector<16xi32>, vector<16xi32>, vector<16xi32>], vector<16xf32>,
        %mul3A_868 = arith.constant 64 : i32
        %mul3A_869 = arith.muli %add3A_11, %mul3A_868 : i32
        %mul3A_870 = arith.constant 16 : i32
        %mul3A_871 = arith.muli %add3A_33, %mul3A_870 : i32
        %add3A_872 = arith.addi %mul3A_869, %mul3A_871 : i32
        %swap3A_873 = arith.constant 6 : i32
        %swap3A_874 = arith.constant 3 : i32
        %swap3A_875 = arith.index_cast %swap3A_873 : i32 to index
        %swap3A_876 = arith.index_cast %swap3A_874 : i32 to index
        %swap3A_877 = arith.index_cast %add3A_872 : i32 to index
        %swap3A_878 = tpu.vector_load %arg7[%swap3A_875, %swap3A_876, %swap3A_877] {strides = array<i32>} : memref<8x8x512xf32, #tpu.memory_space<vmem>>, vector<16xf32>,
        tpu.vector_store %arg7[%swap3A_875, %swap3A_876, %swap3A_877], %gather3A_867 {strides = array<i32>} : memref<8x8x512xf32, #tpu.memory_space<vmem>>, vector<16xf32>,
        %broadcast_in_dim3A_879 = arith.constant 6 : i32
        %broadcast_in_dim3A_880 = vector.broadcast %broadcast_in_dim3A_879 : i32 to vector<16xi32>
        %broadcast_in_dim3A_881 = arith.constant 4 : i32
        %broadcast_in_dim3A_882 = vector.broadcast %broadcast_in_dim3A_881 : i32 to vector<16xi32>
        %gather3A_883 = tpu.vector_load_idx %arg6[%broadcast_in_dim3A_880, %broadcast_in_dim3A_882, %add3A_49] : memref<8x8x1024xf32, #tpu.memory_space<vmem>>[vector<16xi32>, vector<16xi32>, vector<16xi32>], vector<16xf32>,
        %mul3A_884 = arith.constant 64 : i32
        %mul3A_885 = arith.muli %add3A_11, %mul3A_884 : i32
        %mul3A_886 = arith.constant 16 : i32
        %mul3A_887 = arith.muli %add3A_33, %mul3A_886 : i32
        %add3A_888 = arith.addi %mul3A_885, %mul3A_887 : i32
        %swap3A_889 = arith.constant 6 : i32
        %swap3A_890 = arith.constant 4 : i32
        %swap3A_891 = arith.index_cast %swap3A_889 : i32 to index
        %swap3A_892 = arith.index_cast %swap3A_890 : i32 to index
        %swap3A_893 = arith.index_cast %add3A_888 : i32 to index
        %swap3A_894 = tpu.vector_load %arg7[%swap3A_891, %swap3A_892, %swap3A_893] {strides = array<i32>} : memref<8x8x512xf32, #tpu.memory_space<vmem>>, vector<16xf32>,
        tpu.vector_store %arg7[%swap3A_891, %swap3A_892, %swap3A_893], %gather3A_883 {strides = array<i32>} : memref<8x8x512xf32, #tpu.memory_space<vmem>>, vector<16xf32>,
        %broadcast_in_dim3A_895 = arith.constant 6 : i32
        %broadcast_in_dim3A_896 = vector.broadcast %broadcast_in_dim3A_895 : i32 to vector<16xi32>
        %broadcast_in_dim3A_897 = arith.constant 5 : i32
        %broadcast_in_dim3A_898 = vector.broadcast %broadcast_in_dim3A_897 : i32 to vector<16xi32>
        %gather3A_899 = tpu.vector_load_idx %arg6[%broadcast_in_dim3A_896, %broadcast_in_dim3A_898, %add3A_49] : memref<8x8x1024xf32, #tpu.memory_space<vmem>>[vector<16xi32>, vector<16xi32>, vector<16xi32>], vector<16xf32>,
        %mul3A_900 = arith.constant 64 : i32
        %mul3A_901 = arith.muli %add3A_11, %mul3A_900 : i32
        %mul3A_902 = arith.constant 16 : i32
        %mul3A_903 = arith.muli %add3A_33, %mul3A_902 : i32
        %add3A_904 = arith.addi %mul3A_901, %mul3A_903 : i32
        %swap3A_905 = arith.constant 6 : i32
        %swap3A_906 = arith.constant 5 : i32
        %swap3A_907 = arith.index_cast %swap3A_905 : i32 to index
        %swap3A_908 = arith.index_cast %swap3A_906 : i32 to index
        %swap3A_909 = arith.index_cast %add3A_904 : i32 to index
        %swap3A_910 = tpu.vector_load %arg7[%swap3A_907, %swap3A_908, %swap3A_909] {strides = array<i32>} : memref<8x8x512xf32, #tpu.memory_space<vmem>>, vector<16xf32>,
        tpu.vector_store %arg7[%swap3A_907, %swap3A_908, %swap3A_909], %gather3A_899 {strides = array<i32>} : memref<8x8x512xf32, #tpu.memory_space<vmem>>, vector<16xf32>,
        %broadcast_in_dim3A_911 = arith.constant 6 : i32
        %broadcast_in_dim3A_912 = vector.broadcast %broadcast_in_dim3A_911 : i32 to vector<16xi32>
        %broadcast_in_dim3A_913 = arith.constant 6 : i32
        %broadcast_in_dim3A_914 = vector.broadcast %broadcast_in_dim3A_913 : i32 to vector<16xi32>
        %gather3A_915 = tpu.vector_load_idx %arg6[%broadcast_in_dim3A_912, %broadcast_in_dim3A_914, %add3A_49] : memref<8x8x1024xf32, #tpu.memory_space<vmem>>[vector<16xi32>, vector<16xi32>, vector<16xi32>], vector<16xf32>,
        %mul3A_916 = arith.constant 64 : i32
        %mul3A_917 = arith.muli %add3A_11, %mul3A_916 : i32
        %mul3A_918 = arith.constant 16 : i32
        %mul3A_919 = arith.muli %add3A_33, %mul3A_918 : i32
        %add3A_920 = arith.addi %mul3A_917, %mul3A_919 : i32
        %swap3A_921 = arith.constant 6 : i32
        %swap3A_922 = arith.constant 6 : i32
        %swap3A_923 = arith.index_cast %swap3A_921 : i32 to index
        %swap3A_924 = arith.index_cast %swap3A_922 : i32 to index
        %swap3A_925 = arith.index_cast %add3A_920 : i32 to index
        %swap3A_926 = tpu.vector_load %arg7[%swap3A_923, %swap3A_924, %swap3A_925] {strides = array<i32>} : memref<8x8x512xf32, #tpu.memory_space<vmem>>, vector<16xf32>,
        tpu.vector_store %arg7[%swap3A_923, %swap3A_924, %swap3A_925], %gather3A_915 {strides = array<i32>} : memref<8x8x512xf32, #tpu.memory_space<vmem>>, vector<16xf32>,
        %broadcast_in_dim3A_927 = arith.constant 6 : i32
        %broadcast_in_dim3A_928 = vector.broadcast %broadcast_in_dim3A_927 : i32 to vector<16xi32>
        %broadcast_in_dim3A_929 = arith.constant 7 : i32
        %broadcast_in_dim3A_930 = vector.broadcast %broadcast_in_dim3A_929 : i32 to vector<16xi32>
        %gather3A_931 = tpu.vector_load_idx %arg6[%broadcast_in_dim3A_928, %broadcast_in_dim3A_930, %add3A_49] : memref<8x8x1024xf32, #tpu.memory_space<vmem>>[vector<16xi32>, vector<16xi32>, vector<16xi32>], vector<16xf32>,
        %mul3A_932 = arith.constant 64 : i32
        %mul3A_933 = arith.muli %add3A_11, %mul3A_932 : i32
        %mul3A_934 = arith.constant 16 : i32
        %mul3A_935 = arith.muli %add3A_33, %mul3A_934 : i32
        %add3A_936 = arith.addi %mul3A_933, %mul3A_935 : i32
        %swap3A_937 = arith.constant 6 : i32
        %swap3A_938 = arith.constant 7 : i32
        %swap3A_939 = arith.index_cast %swap3A_937 : i32 to index
        %swap3A_940 = arith.index_cast %swap3A_938 : i32 to index
        %swap3A_941 = arith.index_cast %add3A_936 : i32 to index
        %swap3A_942 = tpu.vector_load %arg7[%swap3A_939, %swap3A_940, %swap3A_941] {strides = array<i32>} : memref<8x8x512xf32, #tpu.memory_space<vmem>>, vector<16xf32>,
        tpu.vector_store %arg7[%swap3A_939, %swap3A_940, %swap3A_941], %gather3A_931 {strides = array<i32>} : memref<8x8x512xf32, #tpu.memory_space<vmem>>, vector<16xf32>,
        %broadcast_in_dim3A_943 = arith.constant 7 : i32
        %broadcast_in_dim3A_944 = vector.broadcast %broadcast_in_dim3A_943 : i32 to vector<16xi32>
        %broadcast_in_dim3A_945 = arith.constant 0 : i32
        %broadcast_in_dim3A_946 = vector.broadcast %broadcast_in_dim3A_945 : i32 to vector<16xi32>
        %gather3A_947 = tpu.vector_load_idx %arg6[%broadcast_in_dim3A_944, %broadcast_in_dim3A_946, %add3A_49] : memref<8x8x1024xf32, #tpu.memory_space<vmem>>[vector<16xi32>, vector<16xi32>, vector<16xi32>], vector<16xf32>,
        %mul3A_948 = arith.constant 64 : i32
        %mul3A_949 = arith.muli %add3A_11, %mul3A_948 : i32
        %mul3A_950 = arith.constant 16 : i32
        %mul3A_951 = arith.muli %add3A_33, %mul3A_950 : i32
        %add3A_952 = arith.addi %mul3A_949, %mul3A_951 : i32
        %swap3A_953 = arith.constant 7 : i32
        %swap3A_954 = arith.constant 0 : i32
        %swap3A_955 = arith.index_cast %swap3A_953 : i32 to index
        %swap3A_956 = arith.index_cast %swap3A_954 : i32 to index
        %swap3A_957 = arith.index_cast %add3A_952 : i32 to index
        %swap3A_958 = tpu.vector_load %arg7[%swap3A_955, %swap3A_956, %swap3A_957] {strides = array<i32>} : memref<8x8x512xf32, #tpu.memory_space<vmem>>, vector<16xf32>,
        tpu.vector_store %arg7[%swap3A_955, %swap3A_956, %swap3A_957], %gather3A_947 {strides = array<i32>} : memref<8x8x512xf32, #tpu.memory_space<vmem>>, vector<16xf32>,
        %broadcast_in_dim3A_959 = arith.constant 7 : i32
        %broadcast_in_dim3A_960 = vector.broadcast %broadcast_in_dim3A_959 : i32 to vector<16xi32>
        %broadcast_in_dim3A_961 = arith.constant 1 : i32
        %broadcast_in_dim3A_962 = vector.broadcast %broadcast_in_dim3A_961 : i32 to vector<16xi32>
        %gather3A_963 = tpu.vector_load_idx %arg6[%broadcast_in_dim3A_960, %broadcast_in_dim3A_962, %add3A_49] : memref<8x8x1024xf32, #tpu.memory_space<vmem>>[vector<16xi32>, vector<16xi32>, vector<16xi32>], vector<16xf32>,
        %mul3A_964 = arith.constant 64 : i32
        %mul3A_965 = arith.muli %add3A_11, %mul3A_964 : i32
        %mul3A_966 = arith.constant 16 : i32
        %mul3A_967 = arith.muli %add3A_33, %mul3A_966 : i32
        %add3A_968 = arith.addi %mul3A_965, %mul3A_967 : i32
        %swap3A_969 = arith.constant 7 : i32
        %swap3A_970 = arith.constant 1 : i32
        %swap3A_971 = arith.index_cast %swap3A_969 : i32 to index
        %swap3A_972 = arith.index_cast %swap3A_970 : i32 to index
        %swap3A_973 = arith.index_cast %add3A_968 : i32 to index
        %swap3A_974 = tpu.vector_load %arg7[%swap3A_971, %swap3A_972, %swap3A_973] {strides = array<i32>} : memref<8x8x512xf32, #tpu.memory_space<vmem>>, vector<16xf32>,
        tpu.vector_store %arg7[%swap3A_971, %swap3A_972, %swap3A_973], %gather3A_963 {strides = array<i32>} : memref<8x8x512xf32, #tpu.memory_space<vmem>>, vector<16xf32>,
        %broadcast_in_dim3A_975 = arith.constant 7 : i32
        %broadcast_in_dim3A_976 = vector.broadcast %broadcast_in_dim3A_975 : i32 to vector<16xi32>
        %broadcast_in_dim3A_977 = arith.constant 2 : i32
        %broadcast_in_dim3A_978 = vector.broadcast %broadcast_in_dim3A_977 : i32 to vector<16xi32>
        %gather3A_979 = tpu.vector_load_idx %arg6[%broadcast_in_dim3A_976, %broadcast_in_dim3A_978, %add3A_49] : memref<8x8x1024xf32, #tpu.memory_space<vmem>>[vector<16xi32>, vector<16xi32>, vector<16xi32>], vector<16xf32>,
        %mul3A_980 = arith.constant 64 : i32
        %mul3A_981 = arith.muli %add3A_11, %mul3A_980 : i32
        %mul3A_982 = arith.constant 16 : i32
        %mul3A_983 = arith.muli %add3A_33, %mul3A_982 : i32
        %add3A_984 = arith.addi %mul3A_981, %mul3A_983 : i32
        %swap3A_985 = arith.constant 7 : i32
        %swap3A_986 = arith.constant 2 : i32
        %swap3A_987 = arith.index_cast %swap3A_985 : i32 to index
        %swap3A_988 = arith.index_cast %swap3A_986 : i32 to index
        %swap3A_989 = arith.index_cast %add3A_984 : i32 to index
        %swap3A_990 = tpu.vector_load %arg7[%swap3A_987, %swap3A_988, %swap3A_989] {strides = array<i32>} : memref<8x8x512xf32, #tpu.memory_space<vmem>>, vector<16xf32>,
        tpu.vector_store %arg7[%swap3A_987, %swap3A_988, %swap3A_989], %gather3A_979 {strides = array<i32>} : memref<8x8x512xf32, #tpu.memory_space<vmem>>, vector<16xf32>,
        %broadcast_in_dim3A_991 = arith.constant 7 : i32
        %broadcast_in_dim3A_992 = vector.broadcast %broadcast_in_dim3A_991 : i32 to vector<16xi32>
        %broadcast_in_dim3A_993 = arith.constant 3 : i32
        %broadcast_in_dim3A_994 = vector.broadcast %broadcast_in_dim3A_993 : i32 to vector<16xi32>
        %gather3A_995 = tpu.vector_load_idx %arg6[%broadcast_in_dim3A_992, %broadcast_in_dim3A_994, %add3A_49] : memref<8x8x1024xf32, #tpu.memory_space<vmem>>[vector<16xi32>, vector<16xi32>, vector<16xi32>], vector<16xf32>,
        %mul3A_996 = arith.constant 64 : i32
        %mul3A_997 = arith.muli %add3A_11, %mul3A_996 : i32
        %mul3A_998 = arith.constant 16 : i32
        %mul3A_999 = arith.muli %add3A_33, %mul3A_998 : i32
        %add3A_1000 = arith.addi %mul3A_997, %mul3A_999 : i32
        %swap3A_1001 = arith.constant 7 : i32
        %swap3A_1002 = arith.constant 3 : i32
        %swap3A_1003 = arith.index_cast %swap3A_1001 : i32 to index
        %swap3A_1004 = arith.index_cast %swap3A_1002 : i32 to index
        %swap3A_1005 = arith.index_cast %add3A_1000 : i32 to index
        %swap3A_1006 = tpu.vector_load %arg7[%swap3A_1003, %swap3A_1004, %swap3A_1005] {strides = array<i32>} : memref<8x8x512xf32, #tpu.memory_space<vmem>>, vector<16xf32>,
        tpu.vector_store %arg7[%swap3A_1003, %swap3A_1004, %swap3A_1005], %gather3A_995 {strides = array<i32>} : memref<8x8x512xf32, #tpu.memory_space<vmem>>, vector<16xf32>,
        %broadcast_in_dim3A_1007 = arith.constant 7 : i32
        %broadcast_in_dim3A_1008 = vector.broadcast %broadcast_in_dim3A_1007 : i32 to vector<16xi32>
        %broadcast_in_dim3A_1009 = arith.constant 4 : i32
        %broadcast_in_dim3A_1010 = vector.broadcast %broadcast_in_dim3A_1009 : i32 to vector<16xi32>
        %gather3A_1011 = tpu.vector_load_idx %arg6[%broadcast_in_dim3A_1008, %broadcast_in_dim3A_1010, %add3A_49] : memref<8x8x1024xf32, #tpu.memory_space<vmem>>[vector<16xi32>, vector<16xi32>, vector<16xi32>], vector<16xf32>,
        %mul3A_1012 = arith.constant 64 : i32
        %mul3A_1013 = arith.muli %add3A_11, %mul3A_1012 : i32
        %mul3A_1014 = arith.constant 16 : i32
        %mul3A_1015 = arith.muli %add3A_33, %mul3A_1014 : i32
        %add3A_1016 = arith.addi %mul3A_1013, %mul3A_1015 : i32
        %swap3A_1017 = arith.constant 7 : i32
        %swap3A_1018 = arith.constant 4 : i32
        %swap3A_1019 = arith.index_cast %swap3A_1017 : i32 to index
        %swap3A_1020 = arith.index_cast %swap3A_1018 : i32 to index
        %swap3A_1021 = arith.index_cast %add3A_1016 : i32 to index
        %swap3A_1022 = tpu.vector_load %arg7[%swap3A_1019, %swap3A_1020, %swap3A_1021] {strides = array<i32>} : memref<8x8x512xf32, #tpu.memory_space<vmem>>, vector<16xf32>,
        tpu.vector_store %arg7[%swap3A_1019, %swap3A_1020, %swap3A_1021], %gather3A_1011 {strides = array<i32>} : memref<8x8x512xf32, #tpu.memory_space<vmem>>, vector<16xf32>,
        %broadcast_in_dim3A_1023 = arith.constant 7 : i32
        %broadcast_in_dim3A_1024 = vector.broadcast %broadcast_in_dim3A_1023 : i32 to vector<16xi32>
        %broadcast_in_dim3A_1025 = arith.constant 5 : i32
        %broadcast_in_dim3A_1026 = vector.broadcast %broadcast_in_dim3A_1025 : i32 to vector<16xi32>
        %gather3A_1027 = tpu.vector_load_idx %arg6[%broadcast_in_dim3A_1024, %broadcast_in_dim3A_1026, %add3A_49] : memref<8x8x1024xf32, #tpu.memory_space<vmem>>[vector<16xi32>, vector<16xi32>, vector<16xi32>], vector<16xf32>,
        %mul3A_1028 = arith.constant 64 : i32
        %mul3A_1029 = arith.muli %add3A_11, %mul3A_1028 : i32
        %mul3A_1030 = arith.constant 16 : i32
        %mul3A_1031 = arith.muli %add3A_33, %mul3A_1030 : i32
        %add3A_1032 = arith.addi %mul3A_1029, %mul3A_1031 : i32
        %swap3A_1033 = arith.constant 7 : i32
        %swap3A_1034 = arith.constant 5 : i32
        %swap3A_1035 = arith.index_cast %swap3A_1033 : i32 to index
        %swap3A_1036 = arith.index_cast %swap3A_1034 : i32 to index
        %swap3A_1037 = arith.index_cast %add3A_1032 : i32 to index
        %swap3A_1038 = tpu.vector_load %arg7[%swap3A_1035, %swap3A_1036, %swap3A_1037] {strides = array<i32>} : memref<8x8x512xf32, #tpu.memory_space<vmem>>, vector<16xf32>,
        tpu.vector_store %arg7[%swap3A_1035, %swap3A_1036, %swap3A_1037], %gather3A_1027 {strides = array<i32>} : memref<8x8x512xf32, #tpu.memory_space<vmem>>, vector<16xf32>,
        %broadcast_in_dim3A_1039 = arith.constant 7 : i32
        %broadcast_in_dim3A_1040 = vector.broadcast %broadcast_in_dim3A_1039 : i32 to vector<16xi32>
        %broadcast_in_dim3A_1041 = arith.constant 6 : i32
        %broadcast_in_dim3A_1042 = vector.broadcast %broadcast_in_dim3A_1041 : i32 to vector<16xi32>
        %gather3A_1043 = tpu.vector_load_idx %arg6[%broadcast_in_dim3A_1040, %broadcast_in_dim3A_1042, %add3A_49] : memref<8x8x1024xf32, #tpu.memory_space<vmem>>[vector<16xi32>, vector<16xi32>, vector<16xi32>], vector<16xf32>,
        %mul3A_1044 = arith.constant 64 : i32
        %mul3A_1045 = arith.muli %add3A_11, %mul3A_1044 : i32
        %mul3A_1046 = arith.constant 16 : i32
        %mul3A_1047 = arith.muli %add3A_33, %mul3A_1046 : i32
        %add3A_1048 = arith.addi %mul3A_1045, %mul3A_1047 : i32
        %swap3A_1049 = arith.constant 7 : i32
        %swap3A_1050 = arith.constant 6 : i32
        %swap3A_1051 = arith.index_cast %swap3A_1049 : i32 to index
        %swap3A_1052 = arith.index_cast %swap3A_1050 : i32 to index
        %swap3A_1053 = arith.index_cast %add3A_1048 : i32 to index
        %swap3A_1054 = tpu.vector_load %arg7[%swap3A_1051, %swap3A_1052, %swap3A_1053] {strides = array<i32>} : memref<8x8x512xf32, #tpu.memory_space<vmem>>, vector<16xf32>,
        tpu.vector_store %arg7[%swap3A_1051, %swap3A_1052, %swap3A_1053], %gather3A_1043 {strides = array<i32>} : memref<8x8x512xf32, #tpu.memory_space<vmem>>, vector<16xf32>,
        %broadcast_in_dim3A_1055 = arith.constant 7 : i32
        %broadcast_in_dim3A_1056 = vector.broadcast %broadcast_in_dim3A_1055 : i32 to vector<16xi32>
        %broadcast_in_dim3A_1057 = arith.constant 7 : i32
        %broadcast_in_dim3A_1058 = vector.broadcast %broadcast_in_dim3A_1057 : i32 to vector<16xi32>
        %gather3A_1059 = tpu.vector_load_idx %arg6[%broadcast_in_dim3A_1056, %broadcast_in_dim3A_1058, %add3A_49] : memref<8x8x1024xf32, #tpu.memory_space<vmem>>[vector<16xi32>, vector<16xi32>, vector<16xi32>], vector<16xf32>,
        %mul3A_1060 = arith.constant 64 : i32
        %mul3A_1061 = arith.muli %add3A_11, %mul3A_1060 : i32
        %mul3A_1062 = arith.constant 16 : i32
        %mul3A_1063 = arith.muli %add3A_33, %mul3A_1062 : i32
        %add3A_1064 = arith.addi %mul3A_1061, %mul3A_1063 : i32
        %swap3A_1065 = arith.constant 7 : i32
        %swap3A_1066 = arith.constant 7 : i32
        %swap3A_1067 = arith.index_cast %swap3A_1065 : i32 to index
        %swap3A_1068 = arith.index_cast %swap3A_1066 : i32 to index
        %swap3A_1069 = arith.index_cast %add3A_1064 : i32 to index
        %swap3A_1070 = tpu.vector_load %arg7[%swap3A_1067, %swap3A_1068, %swap3A_1069] {strides = array<i32>} : memref<8x8x512xf32, #tpu.memory_space<vmem>>, vector<16xf32>,
        tpu.vector_store %arg7[%swap3A_1067, %swap3A_1068, %swap3A_1069], %gather3A_1059 {strides = array<i32>} : memref<8x8x512xf32, #tpu.memory_space<vmem>>, vector<16xf32>,
      }
      %scan3A_28 = arith.constant 4 : i32
    }
    %scan3A_6 = arith.constant 8 : i32
    "tpu.region"() ({
      %run_scoped3A = tpu.sem_alloc : memref<!tpu.dma_semaphore, #tpu.memory_space<semaphore_mem>>
      %dma_start3A = arith.constant 0 : i32
      %dma_start3A_7 = arith.constant 0 : i32
      %dma_start3A_8 = tpu.memref_slice %arg4[%dma_start3A, %dma_start3A_7, %mul3A_2] : memref<8x8x16384xf32, #tpu.memory_space<hbm>> -> memref<8x8x512xf32, #tpu.memory_space<hbm>>
      %dma_start3A_9 = arith.constant 0 : i32
      %dma_start3A_10 = arith.constant 0 : i32
      %dma_start3A_11 = tpu.memref_slice %arg4[%dma_start3A_9, %dma_start3A_10, %mul3A_2] : memref<8x8x16384xf32, #tpu.memory_space<hbm>> -> memref<8x8x512xf32, #tpu.memory_space<hbm>>
      tpu.enqueue_dma source(%arg7 : memref<8x8x512xf32, #tpu.memory_space<vmem>>) target(%dma_start3A_11 : memref<8x8x512xf32, #tpu.memory_space<hbm>>) target_semaphore(%run_scoped3A : memref<!tpu.dma_semaphore, #tpu.memory_space<semaphore_mem>>)
      %dma_wait3A = arith.constant 0 : i32
      %dma_wait3A_12 = arith.constant 0 : i32
      %dma_wait3A_13 = tpu.memref_slice %arg4[%dma_wait3A, %dma_wait3A_12, %mul3A_2] : memref<8x8x16384xf32, #tpu.memory_space<hbm>> -> memref<8x8x512xf32, #tpu.memory_space<hbm>>
      %dma_wait3A_14 = arith.constant 0 : i32
      %dma_wait3A_15 = arith.constant 0 : i32
      %dma_wait3A_16 = tpu.memref_slice %arg4[%dma_wait3A_14, %dma_wait3A_15, %mul3A_2] : memref<8x8x16384xf32, #tpu.memory_space<hbm>> -> memref<8x8x512xf32, #tpu.memory_space<hbm>>
      tpu.wait_dma2 semaphore(%run_scoped3A : memref<!tpu.dma_semaphore, #tpu.memory_space<semaphore_mem>>) src(%arg7 : memref<8x8x512xf32, #tpu.memory_space<vmem>>) dst(%dma_wait3A_16 : memref<8x8x512xf32, #tpu.memory_space<hbm>>)
      tpu.yield
    }) : () -> ()
    return
  }
}

</mosaic_0001>

<sc_bundles>
// kernel: kernel.3.cloned.1.call-start
scs
__scs_entry_jumppad:
0x0: {  	(pc) =	sbr.rel $0x88, $3  }
0x1: {  	(tag) =	ssettag $0x0;
	lr =	simm.s32 $0x1  }
0x2: {  	[smem:$0x3F9F] =	sst lr;
	_ =	strace $0xD0000000  }
0x3: {  	_ = 	snop  }
0x4: {  	_ = 	snop  }
0x5: {  	_ = 	snop  }
0x6: {  	_ = 	snop  }
0x7: {  	_ = 	snop  }
__scs_overlays_trampoline_lowered:
0x8: {  	[smem:$0x3FAE] =	sst s0  }
0x9: {  	[smem:$0x3FAF] =	sst s1  }
0xa: {  	[smem:$0x3FB0] =	sst s2  }
0xb: {  	[smem:$0x3FB1] =	sst s3  }
0xc: {  	[smem:$0x3FB2] =	sst s4  }
0xd: {  	[smem:$0x3FB3] =	sst s5  }
0xe: {  	[smem:$0x3FB4] =	sst s6  }
0xf: {  	[smem:$0x3FB5] =	sst s7  }
0x10: {  	[smem:$0x3FB6] =	sst s8  }
0x11: {  	[smem:$0x3FB7] =	sst s9;
	s0 =	simm.s32 @!p0 $0x0  }
0x12: {  	s1 =	sld [smem:$0x3F9D];
	s0 =	simm.s32 @p0 $0x1  }
0x13: {  	[smem:$0x3FB8] =	sst s0;
	s0 =	simm.s32 @!p1 $0x0  }
0x14: {  	s2 =	sld [smem:$0x3F9C];
	s0 =	simm.s32 @p1 $0x1  }
0x15: {  	[smem:$0x3FB9] =	sst s0;
	s0 =	simm.s32 @!p2 $0x0  }
0x16: {  	s3 =	sld [smem:$0x3FDB];
	s0 =	simm.s32 @p2 $0x1  }
0x17: {  	s4 =	simm.s32 $0x1BF5;
	[smem:$0x3FBB] =	sst s0  }
0x18: {  	s0 =	sld [smem:$0x3F9E];
	_ =	swait.ge [sflag:s4], $0x0  }
0x19: {  	s7 =	sld [smem:$0x3F9F]  }
0x1a: {  	s8 =	sadd.s32 $0xFFFFE003, lr  }
0x1b: {  	s9 =	sadd.s32 $0xFFFFFEF7, lr;
	s5 =	simm.s32 $0xFFFFFFFF;
	p2 =	slt.u32 s8, $0xFFFFF086  }
0x1c: {  	p1 =	slt.u32 s9, $0xF7A;
	s5 =	simm.s32 @!p2 $0x0  }
0x1d: {  	s5 =	simm.s32 @p1 $0x1;
	p0 =	seq.s32 s7, s2  }
0x1e: {  	s7 =	smul.u32 @!p0 $0xF7A, s2;
	p2 =	seq.s32 @!p0 s5, $0x0  }
0x1f: {  	s9 =	smul.u32 $0xF7A, s1;
	s8 =	simm.s32 @!p0 $0x1BF5;
	p2 =	por !p2, p0  }
0x20: {  	[sflag:s8] =	ssyncset.s32 @!p0 $0xFFFFF086;
	s6 =	sadd.s32 @!p0 s3, s7;
	s7 =	simm.s32 @!p0 $0x108  }
0x21: {  	s3 =	sadd.s32 s3, s9;
	s6 =	sadd.s32 @!p0 $0x88, s6;
	s7 =	simm.s32 @p2 $0x1082  }
0x22: {  	[simem:s7], [sflag:s8] =	dma.local @!p0 [hbm:s6], $0xF7A  }
0x23: {  	s9 =	sor.u32 $0xD0000000, s2;
	s6 =	simm.s32 $0x108;
	_ =	swait.ge @!p0 [sflag:s8], $0x0  }
0x24: {  	s3 =	sadd.s32 $0x88, s3;
	s6 =	simm.s32 @!p1 $0x1082;
	[sflag:s4] =	ssyncset.s32 $0xFFFFF086  }
0x25: {  	[simem:s6], [sflag:s4] =	dma.local [hbm:s3], $0xF7A  }
0x26: {  	[smem:$0x3F9F] =	sst s1;
	(tag) =	ssettag s2;
	_ =	strace s9  }
0x27: {  	s1 =	sld [smem:$0x3FAF]  }
0x28: {  	s2 =	sld [smem:$0x3FB0]  }
0x29: {  	s4 =	sld [smem:$0x3FB2]  }
0x2a: {  	p0 =	seq.s32 s5, $0x0;
	s5 =	sld [smem:$0x3FB3]  }
0x2b: {  	s6 =	sld [smem:$0x3FB4]  }
0x2c: {  	s7 =	sld [smem:$0x3FB5]  }
0x2d: {  	s3 =	simm.s32 $0x108;
	s8 =	sld [smem:$0x3FB6]  }
0x2e: {  	s3 =	simm.s32 @!p0 $0x1082;
	s9 =	sld [smem:$0x3FB7]  }
0x2f: {  	lr =	sadd.s32 s0, s3;
	s0 =	sld [smem:$0x3FAE]  }
0x30: {  	s3 =	sld [smem:$0x3FB1]  }
0x31: {  	[smem:$0x3FBA] =	sst s10  }
0x32: {  	s10 =	sld [smem:$0x3FB8];
	_ =	sdelay $0x3  }
0x33: {  	p0 =	seq.s32 s10, $0x1;
	s10 =	sld [smem:$0x3FBA];
	_ =	sdelay $0x3  }
0x34: {  	[smem:$0x3FBA] =	sst s10  }
0x35: {  	s10 =	sld [smem:$0x3FB9];
	_ =	sdelay $0x3  }
0x36: {  	p1 =	seq.s32 s10, $0x1;
	s10 =	sld [smem:$0x3FBA];
	_ =	sdelay $0x3  }
0x37: {  	[smem:$0x3FBA] =	sst s10  }
0x38: {  	s10 =	sld [smem:$0x3FBB]  }
0x39: {  	_ = 	snop;
	(pc) =	sbr.ind lr, $3  }
0x3a: {  	_ = 	snop  }
0x3b: {  	_ = 	snop  }
0x3c: {  	p2 =	seq.s32 s10, $0x1;
	s10 =	sld [smem:$0x3FBA]  }
0x3d: {  	_ =	shalt  }
0x3e: {  	_ =	shalt  }
0x3f: {  	_ =	shalt  }
0x40: {  	_ =	shalt  }
0x41: {  	_ =	shalt  }
0x42: {  	_ =	shalt  }
0x43: {  	_ =	shalt  }
0x44: {  	_ =	shalt  }
0x45: {  	_ =	shalt  }
0x46: {  	_ =	shalt  }
0x47: {  	_ =	shalt  }
0x48: {  	_ =	shalt  }
0x49: {  	_ =	shalt  }
0x4a: {  	_ =	shalt  }
0x4b: {  	_ =	shalt  }
0x4c: {  	_ =	shalt  }
0x4d: {  	_ =	shalt  }
0x4e: {  	_ =	shalt  }
0x4f: {  	_ =	shalt  }
0x50: {  	_ =	shalt  }
0x51: {  	_ =	shalt  }
0x52: {  	_ =	shalt  }
0x53: {  	_ =	shalt  }
0x54: {  	_ =	shalt  }
0x55: {  	_ =	shalt  }
0x56: {  	_ =	shalt  }
0x57: {  	_ =	shalt  }
0x58: {  	_ =	shalt  }
0x59: {  	_ =	shalt  }
0x5a: {  	_ =	shalt  }
0x5b: {  	_ =	shalt  }
0x5c: {  	_ =	shalt  }
0x5d: {  	_ =	shalt  }
0x5e: {  	_ =	shalt  }
0x5f: {  	_ =	shalt  }
0x60: {  	_ =	shalt  }
0x61: {  	_ =	shalt  }
0x62: {  	_ =	shalt  }
0x63: {  	_ =	shalt  }
0x64: {  	_ =	shalt  }
0x65: {  	_ =	shalt  }
0x66: {  	_ =	shalt  }
0x67: {  	_ =	shalt  }
0x68: {  	_ =	shalt  }
0x69: {  	_ =	shalt  }
0x6a: {  	_ =	shalt  }
0x6b: {  	_ =	shalt  }
0x6c: {  	_ =	shalt  }
0x6d: {  	_ =	shalt  }
0x6e: {  	_ =	shalt  }
0x6f: {  	_ =	shalt  }
0x70: {  	_ =	shalt  }
0x71: {  	_ =	shalt  }
0x72: {  	_ =	shalt  }
0x73: {  	_ =	shalt  }
0x74: {  	_ =	shalt  }
0x75: {  	_ =	shalt  }
0x76: {  	_ =	shalt  }
0x77: {  	_ =	shalt  }
0x78: {  	_ =	shalt  }
0x79: {  	_ =	shalt  }
0x7a: {  	_ =	shalt  }
0x7b: {  	_ =	shalt  }
0x7c: {  	_ =	shalt  }
0x7d: {  	_ =	shalt  }
0x7e: {  	_ =	shalt  }
0x7f: {  	_ =	shalt  }
0x80: {  	_ =	shalt  }
0x81: {  	_ =	shalt  }
0x82: {  	_ =	shalt  }
0x83: {  	_ =	shalt  }
0x84: {  	_ =	shalt  }
0x85: {  	_ =	shalt  }
0x86: {  	_ =	shalt  }
0x87: {  	_ =	shalt  }
.Lfunc_end0:
.L_simem_size_0:
called_computation_lowered:
.L_overlay_start_0:
0x88: {  	s2 =	sld [smem:$0x3FD9]  }
0x89: {  	s3 =	sld [smem:$0x3FFE];
	_ =	sdelay $0x1  }
0x8a: {  	s1 =	srdreg.scid  }
0x8b: {  	s0 =	sand.u32 $0x1, s1  }
0x8c: {  	s18 =	sshll.u32 s0, $0xA;
	s2 =	sadd.s32 s3, s2  }
0x8d: {  	s2 =	sadd.s32 s2, s18  }
0x8e: {  	[smem:$0x3FC6] =	sst s2  }
0x8f: {  	_ = 	snop  }
0x90: {  	s2 =	sld [smem:$0x3FC9]  }
0x91: {  	s19 =	sld [smem:$0x3FC8]  }
0x92: {  	s4 =	sld [smem:$0x3FD0];
	(tm) =	ssettm $0x1  }
0x93: {  	s5 =	sld [smem:$0x3FFB];
	_ =	sdelay $0x3  }
0x94: {  	_ =	strace s5  }
0x95: {  	s5 =	sld [smem:$0x3FFC];
	_ =	sdelay $0x3  }
0x96: {  	_ =	strace s5  }
0x97: {  	s5 =	sld [smem:$0x3FFD];
	_ =	sdelay $0x3  }
0x98: {  	_ =	strace s5  }
0x99: {  	_ =	strace $0x8FFFFFFF  }
0x9a: {  	s20 =	sld [smem:$0x3FDB];
	_ =	sdelay $0x1  }
0x9b: {  	s6 =	simm.s32 $_scs_section_size  }
0x9c: {  	s7 =	simm.s32 $_size__tile_overlayer_lowered;
	s8 =	simm.s32 $_tile_overlayer_lowered  }
0x9d: {  	s23 =	simm.s32 $0x1BFF;
	s22 =	sshll.u32 s8, $0x1;
	s5 =	sadd.s32 s6, s20  }
0x9e: {  	s9 =	simm.s32 $0x0;
	s21 =	sshll.u32 s7, $0x1;
	s7 =	sadd.s32 s22, s5  }
0x9f: {  	[timem:s9], [sflag:s23] =	dma.local [hbm:s7], s21  }
0xa0: {  	_ =	swait.ge [sflag:s23], s21  }
0xa1: {  	s6 =	ssub.s32 $0x0, s21;
	[sflag:s23] =	ssyncset.done $0x0  }
0xa2: {  	[sflag:s23] =	ssyncadd.s32 s6;
	_ =	sdelay $0x1  }
0xa3: {  	s24 =	simm.s32 $0x1B8B  }
0xa4: {  	_ =	swait.ge [sflag:s24], $0x1  }
0xa5: {  	[sflag:s24] =	ssyncset.done $0x0  }
0xa6: {  	s25 =	simm.s32 $0x1B8E;
	[sflag:s24] =	ssyncadd.s32 $0xFFFFFFFF  }
0xa7: {  	s26 =	simm.s32 $execute0_lowered;
	[smem:$0x3FD2] =	sst s25  }
0xa8: {  	s6 =	sshll.u32 s26, $0x1;
	_ =	strace $0x80000046;
	[dreg:$0x1] =	wrdreg $0xFFFFFFFF  }
0xa9: {  	s28 =	simm.s32 $_size_execute0_lowered;
	s5 =	sadd.s32 s5, s6;
	[dreg:$0x0] =	wrdreg $0x0  }
0xaa: {  	s6 =	sshll.u32 s28, $0x1;
	[dreg:$0x2] =	wrdreg s5  }
0xab: {  	[dreg:$0x3] =	wrdreg s6  }
0xac: {  	[dreg:$0x4] =	wrdreg $0xC0  }
0xad: {  	_ =	task [dreg:s9], $0x5FFFF  }
0xae: {  	[dreg:$0x1] =	wrdreg $0xFFFFFFFF  }
0xaf: {  	[dreg:$0x0] =	wrdreg $0x60  }
0xb0: {  	[dreg:$0x2] =	wrdreg s2  }
0xb1: {  	[dreg:$0x3] =	wrdreg s19  }
0xb2: {  	[dreg:$0x4] =	wrdreg s4  }
0xb3: {  	[dreg:$0x5] =	wrdreg $0x9  }
0xb4: {  	_ =	task.clear_ibuf [dreg:s9], $0x6FFFF;
	_ =	strace $0x90000046  }
0xb5: {  	s29 =	simm.s32 $0x9;
	_ =	strace $0x80000048  }
0xb6: {  	_ =	swait.ge [sflag:s29], $0x1  }
0xb7: {  	[sflag:s29] =	ssyncadd.s32 $0xFFFFFFFF  }
0xb8: {  	_ =	strace $0x90000048  }
0xb9: {  	_ =	sfence  }
0xba: {  	s30 =	sld [smem:$0x0];
	_ =	sdelay $0x2  }
0xbb: {  	s31 =	sshll.u32 s1, $0xD;
	s1 =	sshrl.u32 s1, $0x2  }
0xbc: {  	s3 =	sand.u32 $0x4000, s31;
	s1 =	sadd.s32 s1, s30  }
0xbd: {  	s0 =	sor.u32 s3, s0;
	s1 =	sshll.u32 s1, $0x11  }
0xbe: {  	s0 =	sor.u32 s1, s0  }
0xbf: {  	s0 =	sadd.s32 $0x8F2B, s0  }
0xc0: {  	[sflag:s0] =	ssyncadd.remote.s32 $0x1  }
0xc1: {  	_ =	sfence.sel $0xFFFF  }
0xc2: {  	[dreg:$0x0] =	wrdreg $0xFFFFFFFF;
	(pc) =	sbr.abs _section_cstart, $3  }
0xc3: {  	[dreg:$0x1] =	wrdreg $0xFFFFFFFF  }
0xc4: {  	_ =	task.clear_ibuf [dreg:s9], $0x2FFFF;
	_ =	strace $0x9FFFFFFF  }
0xc5: {  	(tm) =	ssettm $0x7FFFFFFF  }
tec
execute0_lowered:
.L_overlay_start_1:
0x0: {  	(tag) =	ssettag $0x1  }
0x1: {  	s4 =	rddreg [dreg:$0x0]  }
0x2: {  	s2 =	rddreg [dreg:$0x1];
	s0 =	srdreg.scid  }
0x3: {  	s5 =	rddreg [dreg:$0x2];
	s1 =	stileid.u32;
	s3 =	simm.s32 $0x0  }
0x4: {  	s10 =	simm.s32 $0x1000;
	s11 =	simm.s32 $0x20000;
	s12 =	simm.s32 $0x10200  }
0x5: {  	s13 =	simm.s32 $0x0;
	s6 =	sand.u32 $0x1, s0;
	s0 =	rddreg [dreg:$0x3]  }
0x6: {  	s7 =	sshll.u32 s1, $0xA;
	[smem:$0x7FF] =	sst s3;
	s8 =	sshll.u32 s6, $0x9  }
0x7: {  	s6 =	ssub.s32 $0x2, s6;
	_ =	strace $0x80000047;
	s7 =	sor.u32 s8, s7  }
0x8: {  	v1 =	vlaneseq.u32;
	s31 =	sshrl.u32 s6, $0x1;
	s8 =	simm.s32 $0x1;
	s9 =	sshrl.u32 s7, $0x3  }
0x9: {  	v0 =	vand.u32 $0x7, v1;
	s6 =	ssub.s32 s6, s31;
	s5 =	sadd.s32 s5, s7;
	s7 =	simm.s32 $0x2  }
0xa: {  	v1 =	vmul.u32 $0x80, v1;
	v0 =	vmul.u32 $0x10, v0;
	s4 =	sadd.s32 s4, s9;
	s6 =	smax.u32 s6, $0x1;
	s9 =	simm.s32 $0x200  }
.LBB2_1:
0xb: {  	[tilespmem:s3], [sflag:$0x2] =	stream.linear.gather [hbm4b:s4+s3], $0x200, $0x38;
	[tilespmem:$0x18200] =	vst v63  }
0xc: {  	s14 =	simm.s32 $0x0;
	_ =	swait.ge [sflag:s7], $0x200  }
0xd: {  	s15 =	simm.s32 $0x0;
	s16 =	simm.s32 $0x0;
	[sflag:s7] =	ssyncset.done $0x0  }
0xe: {  	s17 =	simm.s32 $0x0;
	s18 =	simm.s32 $0x0;
	[sflag:s7] =	ssyncadd.s32 $0xFFFFFE00  }
.LBB2_2:
0xf: {  	s19 =	sshll.u32 s18, $0x6  }
0x10: {  	s20 =	sand.u32 $0x7, s14;
	s22 =	sand.u32 $0x3FFFFFC0, s19  }
0x11: {  	s21 =	simm.s32 $0x200;
	s19 =	sshll.u32 s20, $0x6;
	s20 =	simm.s32 $0x0;
	v2 =	vmov s22  }
.LBB2_3:
0x12: {  	_ =	sdelay $0x1  }
0x13: {  	s22 =	sshll.u32 s20, $0x4  }
0x14: {  	s22 =	sand.u32 $0x3FFFFFF0, s22  }
0x15: {  	v3 =	vld.idx.msk [tilespmem:v2+s22+$0x0 ss:$0x1], $0xffff;
	_ =	sdelay $0x4  }
0x16: {  	v3 =	vshrl.u32 v3, $0x4  }
0x17: {  	(v2sf) =	vpush v3, $0x0;
	_ =	sdelay $0xe  }
0x18: {  	s24 =	spop (v2sf)  }
0x19: {  	s23 =	sshll.u32 s24, $0x7;
	s22 =	sshll.u32 s24, $0x4  }
0x1a: {  	s23 =	sand.u32 $0xFFFFFC00, s23;
	s22 =	sand.u32 $0x70, s22  }
0x1b: {  	s22 =	sor.u32 s22, s23  }
0x1c: {  	s22 =	sshrl.u32 s22, $0x3  }
0x1d: {  	s26 =	sadd.s32 $0x0, s21;
	s22 =	sadd.s32 s2, s22  }
0x1e: {  	[tilespmem:s26], [sflag:$0x1] =	stream.linear.gather [hbm4b:s22+s3], $0x10, $0x38;
	[tilespmem:$0x18200] =	vst v63  }
0x1f: {  	s24 =	sadd.s32 $0x80, s26;
	s25 =	sadd.s32 $0x10, s22  }
0x20: {  	[tilespmem:s24], [sflag:$0x1] =	stream.linear.gather [hbm4b:s25+s3], $0x10, $0x38;
	[tilespmem:$0x18200] =	vst v63  }
0x21: {  	s29 =	sadd.s32 $0x100, s26;
	s31 =	sadd.s32 $0x180, s26;
	s28 =	sadd.s32 $0x20, s22  }
0x22: {  	[tilespmem:s29], [sflag:$0x1] =	stream.linear.gather [hbm4b:s28+s3], $0x10, $0x38;
	[tilespmem:$0x18200] =	vst v63  }
0x23: {  	s23 =	simm.s32 $0x2000;
	s30 =	sadd.s32 $0x30, s22;
	s24 =	sadd.s32 $0x40, s22  }
0x24: {  	[tilespmem:s31], [sflag:$0x1] =	stream.linear.gather [hbm4b:s30+s3], $0x10, $0x38;
	[tilespmem:$0x18200] =	vst v63  }
0x25: {  	s25 =	sadd.s32 $0x200, s26;
	s28 =	sadd.s32 $0x50, s22;
	s29 =	sadd.s32 $0x280, s26  }
0x26: {  	[tilespmem:s25], [sflag:$0x1] =	stream.linear.gather [hbm4b:s24+s3], $0x10, $0x38;
	[tilespmem:$0x18200] =	vst v63  }
0x27: {  	s30 =	sadd.s32 $0x60, s22;
	s31 =	sadd.s32 $0x300, s26;
	s26 =	sadd.s32 $0x380, s26  }
0x28: {  	[tilespmem:s29], [sflag:$0x1] =	stream.linear.gather [hbm4b:s28+s3], $0x10, $0x38;
	[tilespmem:$0x18200] =	vst v63  }
0x29: {  	s24 =	simm.s32 $0x10000;
	s25 =	sadd.s32 $0x70, s22;
	s22 =	sadd.s32 $0xF4280, s22  }
0x2a: {  	[tilespmem:s31], [sflag:$0x1] =	stream.linear.gather [hbm4b:s30+s3], $0x10, $0x38;
	[tilespmem:$0x18200] =	vst v63  }
.LBB2_4:
0x2b: {  	[tilespmem:s26], [sflag:$0x1] =	stream.linear.gather [hbm4b:s25+s3], $0x10, $0x38;
	[tilespmem:$0x18200] =	vst v63  }
0x2c: {  	s25 =	smov.u32 s24  }
0x2d: {  	s28 =	sadd.s32 $0x8000, s24;
	s26 =	sadd.s32 s23, s21;
	s23 =	sshra.s32 s25, $0x2  }
0x2e: {  	[tilespmem:s26], [sflag:$0x1] =	stream.linear.gather [hbm4b:s22+s3], $0x10, $0x38;
	[tilespmem:$0x18200] =	vst v63  }
0x2f: {  	p0 =	sne.s32 s24, $0x38000;
	s24 =	sadd.s32 $0x10, s22;
	s25 =	sadd.s32 $0x80, s26  }
0x30: {  	[tilespmem:s25], [sflag:$0x1] =	stream.linear.gather [hbm4b:s24+s3], $0x10, $0x38;
	[tilespmem:$0x18200] =	vst v63  }
0x31: {  	s24 =	sadd.s32 $0x20, s22;
	s25 =	sadd.s32 $0x100, s26  }
0x32: {  	[tilespmem:s25], [sflag:$0x1] =	stream.linear.gather [hbm4b:s24+s3], $0x10, $0x38;
	[tilespmem:$0x18200] =	vst v63  }
0x33: {  	s24 =	sadd.s32 $0x30, s22;
	s25 =	sadd.s32 $0x180, s26  }
0x34: {  	[tilespmem:s25], [sflag:$0x1] =	stream.linear.gather [hbm4b:s24+s3], $0x10, $0x38;
	[tilespmem:$0x18200] =	vst v63  }
0x35: {  	s24 =	sadd.s32 $0x40, s22;
	s25 =	sadd.s32 $0x200, s26  }
0x36: {  	[tilespmem:s25], [sflag:$0x1] =	stream.linear.gather [hbm4b:s24+s3], $0x10, $0x38;
	[tilespmem:$0x18200] =	vst v63  }
.Ltmp0:
0x37: {  	s24 =	sadd.s32 $0x50, s22;
	s25 =	sadd.s32 $0x280, s26;
	(pc) =	sbr.rel @p0 .LBB2_4-.Ltmp0, $4  }
0x38: {  	[tilespmem:s25], [sflag:$0x1] =	stream.linear.gather [hbm4b:s24+s3], $0x10, $0x38;
	[tilespmem:$0x18200] =	vst v63  }
0x39: {  	s24 =	sadd.s32 $0x60, s22;
	s25 =	sadd.s32 $0x300, s26;
	s26 =	sadd.s32 $0x380, s26  }
0x3a: {  	[tilespmem:s25], [sflag:$0x1] =	stream.linear.gather [hbm4b:s24+s3], $0x10, $0x38;
	[tilespmem:$0x18200] =	vst v63  }
0x3b: {  	s25 =	sadd.s32 $0x70, s22;
	s22 =	sadd.s32 $0xF4280, s22;
	s24 =	smov.u32 s28  }
0x3c: {  	[tilespmem:s26], [sflag:$0x1] =	stream.linear.gather [hbm4b:s25+s3], $0x10, $0x38;
	(v2sf) =	vpush v3, $0x1;
	[tilespmem:$0x18200] =	vst v63  }
0x3d: {  	s23 =	sadd.s32 s23, s21  }
0x3e: {  	[tilespmem:s23], [sflag:$0x1] =	stream.linear.gather [hbm4b:s22+s3], $0x10, $0x38;
	[tilespmem:$0x18200] =	vst v63  }
0x3f: {  	s24 =	sadd.s32 $0x10, s22;
	s29 =	sadd.s32 $0x80, s23  }
0x40: {  	[tilespmem:s29], [sflag:$0x1] =	stream.linear.gather [hbm4b:s24+s3], $0x10, $0x38;
	[tilespmem:$0x18200] =	vst v63  }
0x41: {  	s30 =	sadd.s32 $0x20, s22;
	s31 =	sadd.s32 $0x100, s23  }
0x42: {  	[tilespmem:s31], [sflag:$0x1] =	stream.linear.gather [hbm4b:s30+s3], $0x10, $0x38;
	[tilespmem:$0x18200] =	vst v63  }
0x43: {  	s25 =	sadd.s32 $0x30, s22;
	s26 =	sadd.s32 $0x180, s23  }
0x44: {  	[tilespmem:s26], [sflag:$0x1] =	stream.linear.gather [hbm4b:s25+s3], $0x10, $0x38;
	[tilespmem:$0x18200] =	vst v63  }
0x45: {  	s28 =	sadd.s32 $0x40, s22;
	s29 =	sadd.s32 $0x200, s23  }
0x46: {  	[tilespmem:s29], [sflag:$0x1] =	stream.linear.gather [hbm4b:s28+s3], $0x10, $0x38;
	[tilespmem:$0x18200] =	vst v63  }
0x47: {  	s30 =	sadd.s32 $0x50, s22;
	s31 =	sadd.s32 $0x280, s23  }
0x48: {  	[tilespmem:s31], [sflag:$0x1] =	stream.linear.gather [hbm4b:s30+s3], $0x10, $0x38;
	[tilespmem:$0x18200] =	vst v63  }
0x49: {  	s25 =	sadd.s32 $0x60, s22;
	s26 =	sadd.s32 $0x300, s23  }
0x4a: {  	[tilespmem:s26], [sflag:$0x1] =	stream.linear.gather [hbm4b:s25+s3], $0x10, $0x38;
	[tilespmem:$0x18200] =	vst v63  }
0x4b: {  	s23 =	sadd.s32 $0x380, s23;
	s28 =	sadd.s32 $0x70, s22;
	s29 =	spop (v2sf)  }
0x4c: {  	[tilespmem:s23], [sflag:$0x1] =	stream.linear.gather [hbm4b:s28+s3], $0x10, $0x38;
	[tilespmem:$0x18200] =	vst v63  }
0x4d: {  	s30 =	sshll.u32 s29, $0x7;
	s22 =	sshll.u32 s29, $0x4  }
0x4e: {  	s23 =	sand.u32 $0xFFFFFC00, s30;
	s22 =	sand.u32 $0x70, s22  }
0x4f: {  	s22 =	sor.u32 s22, s23  }
0x50: {  	s26 =	sadd.s32 $0x0, s21;
	s22 =	sshrl.u32 s22, $0x3  }
0x51: {  	s31 =	sadd.s32 $0x10, s26;
	s22 =	sadd.s32 s2, s22  }
0x52: {  	[tilespmem:s31], [sflag:$0x1] =	stream.linear.gather [hbm4b:s22+s3], $0x10, $0x38;
	[tilespmem:$0x18200] =	vst v63  }
0x53: {  	s25 =	sadd.s32 $0x90, s26;
	s24 =	sadd.s32 $0x10, s22  }
0x54: {  	[tilespmem:s25], [sflag:$0x1] =	stream.linear.gather [hbm4b:s24+s3], $0x10, $0x38;
	[tilespmem:$0x18200] =	vst v63  }
0x55: {  	s29 =	sadd.s32 $0x110, s26;
	s23 =	simm.s32 $0x2000;
	s28 =	sadd.s32 $0x20, s22  }
0x56: {  	[tilespmem:s29], [sflag:$0x1] =	stream.linear.gather [hbm4b:s28+s3], $0x10, $0x38;
	[tilespmem:$0x18200] =	vst v63  }
0x57: {  	s30 =	sadd.s32 $0x30, s22;
	s31 =	sadd.s32 $0x190, s26;
	s24 =	sadd.s32 $0x40, s22  }
0x58: {  	[tilespmem:s31], [sflag:$0x1] =	stream.linear.gather [hbm4b:s30+s3], $0x10, $0x38;
	[tilespmem:$0x18200] =	vst v63  }
0x59: {  	s25 =	sadd.s32 $0x210, s26;
	s28 =	sadd.s32 $0x50, s22;
	s29 =	sadd.s32 $0x290, s26  }
0x5a: {  	[tilespmem:s25], [sflag:$0x1] =	stream.linear.gather [hbm4b:s24+s3], $0x10, $0x38;
	[tilespmem:$0x18200] =	vst v63  }
0x5b: {  	s30 =	sadd.s32 $0x60, s22;
	s31 =	sadd.s32 $0x310, s26;
	s26 =	sadd.s32 $0x390, s26  }
0x5c: {  	[tilespmem:s29], [sflag:$0x1] =	stream.linear.gather [hbm4b:s28+s3], $0x10, $0x38;
	[tilespmem:$0x18200] =	vst v63  }
0x5d: {  	s24 =	simm.s32 $0x10000;
	s25 =	sadd.s32 $0x70, s22;
	s22 =	sadd.s32 $0xF4280, s22  }
0x5e: {  	[tilespmem:s31], [sflag:$0x1] =	stream.linear.gather [hbm4b:s30+s3], $0x10, $0x38;
	[tilespmem:$0x18200] =	vst v63  }
.LBB2_6:
0x5f: {  	[tilespmem:s26], [sflag:$0x1] =	stream.linear.gather [hbm4b:s25+s3], $0x10, $0x38;
	[tilespmem:$0x18200] =	vst v63  }
0x60: {  	s25 =	smov.u32 s24  }
0x61: {  	s28 =	sadd.s32 $0x8000, s24;
	s26 =	sadd.s32 s23, s21;
	s23 =	sshra.s32 s25, $0x2  }
0x62: {  	p0 =	sne.s32 s24, $0x38000;
	s24 =	sadd.s32 $0x10, s26  }
0x63: {  	[tilespmem:s24], [sflag:$0x1] =	stream.linear.gather [hbm4b:s22+s3], $0x10, $0x38;
	[tilespmem:$0x18200] =	vst v63  }
0x64: {  	s25 =	sadd.s32 $0x90, s26;
	s24 =	sadd.s32 $0x10, s22  }
0x65: {  	[tilespmem:s25], [sflag:$0x1] =	stream.linear.gather [hbm4b:s24+s3], $0x10, $0x38;
	[tilespmem:$0x18200] =	vst v63  }
0x66: {  	s24 =	sadd.s32 $0x20, s22;
	s25 =	sadd.s32 $0x110, s26  }
0x67: {  	[tilespmem:s25], [sflag:$0x1] =	stream.linear.gather [hbm4b:s24+s3], $0x10, $0x38;
	[tilespmem:$0x18200] =	vst v63  }
0x68: {  	s24 =	sadd.s32 $0x30, s22;
	s25 =	sadd.s32 $0x190, s26  }
0x69: {  	[tilespmem:s25], [sflag:$0x1] =	stream.linear.gather [hbm4b:s24+s3], $0x10, $0x38;
	[tilespmem:$0x18200] =	vst v63  }
0x6a: {  	s24 =	sadd.s32 $0x40, s22;
	s25 =	sadd.s32 $0x210, s26  }
0x6b: {  	[tilespmem:s25], [sflag:$0x1] =	stream.linear.gather [hbm4b:s24+s3], $0x10, $0x38;
	[tilespmem:$0x18200] =	vst v63  }
.Ltmp1:
0x6c: {  	s24 =	sadd.s32 $0x50, s22;
	s25 =	sadd.s32 $0x290, s26;
	(pc) =	sbr.rel @p0 .LBB2_6-.Ltmp1, $4  }
0x6d: {  	[tilespmem:s25], [sflag:$0x1] =	stream.linear.gather [hbm4b:s24+s3], $0x10, $0x38;
	[tilespmem:$0x18200] =	vst v63  }
0x6e: {  	s24 =	sadd.s32 $0x60, s22;
	s25 =	sadd.s32 $0x310, s26;
	s26 =	sadd.s32 $0x390, s26  }
0x6f: {  	[tilespmem:s25], [sflag:$0x1] =	stream.linear.gather [hbm4b:s24+s3], $0x10, $0x38;
	[tilespmem:$0x18200] =	vst v63  }
0x70: {  	s25 =	sadd.s32 $0x70, s22;
	s22 =	sadd.s32 $0xF4280, s22;
	s24 =	smov.u32 s28  }
0x71: {  	[tilespmem:s26], [sflag:$0x1] =	stream.linear.gather [hbm4b:s25+s3], $0x10, $0x38;
	[tilespmem:$0x18200] =	vst v63  }
0x72: {  	s23 =	sadd.s32 s23, s21;
	(v2sf) =	vpush v3, $0x2  }
0x73: {  	s24 =	sadd.s32 $0x10, s23  }
0x74: {  	[tilespmem:s24], [sflag:$0x1] =	stream.linear.gather [hbm4b:s22+s3], $0x10, $0x38;
	[tilespmem:$0x18200] =	vst v63  }
0x75: {  	s28 =	sadd.s32 $0x10, s22;
	s29 =	sadd.s32 $0x90, s23  }
0x76: {  	[tilespmem:s29], [sflag:$0x1] =	stream.linear.gather [hbm4b:s28+s3], $0x10, $0x38;
	[tilespmem:$0x18200] =	vst v63  }
0x77: {  	s30 =	sadd.s32 $0x20, s22;
	s31 =	sadd.s32 $0x110, s23  }
0x78: {  	[tilespmem:s31], [sflag:$0x1] =	stream.linear.gather [hbm4b:s30+s3], $0x10, $0x38;
	[tilespmem:$0x18200] =	vst v63  }
0x79: {  	s25 =	sadd.s32 $0x30, s22;
	s26 =	sadd.s32 $0x190, s23  }
0x7a: {  	[tilespmem:s26], [sflag:$0x1] =	stream.linear.gather [hbm4b:s25+s3], $0x10, $0x38;
	[tilespmem:$0x18200] =	vst v63  }
0x7b: {  	s28 =	sadd.s32 $0x40, s22;
	s29 =	sadd.s32 $0x210, s23  }
0x7c: {  	[tilespmem:s29], [sflag:$0x1] =	stream.linear.gather [hbm4b:s28+s3], $0x10, $0x38;
	[tilespmem:$0x18200] =	vst v63  }
0x7d: {  	s30 =	sadd.s32 $0x50, s22;
	s31 =	sadd.s32 $0x290, s23  }
0x7e: {  	[tilespmem:s31], [sflag:$0x1] =	stream.linear.gather [hbm4b:s30+s3], $0x10, $0x38;
	[tilespmem:$0x18200] =	vst v63  }
0x7f: {  	s25 =	sadd.s32 $0x60, s22;
	s26 =	sadd.s32 $0x310, s23  }
0x80: {  	[tilespmem:s26], [sflag:$0x1] =	stream.linear.gather [hbm4b:s25+s3], $0x10, $0x38;
	[tilespmem:$0x18200] =	vst v63  }
0x81: {  	s23 =	sadd.s32 $0x390, s23;
	s28 =	sadd.s32 $0x70, s22;
	s29 =	spop (v2sf)  }
0x82: {  	[tilespmem:s23], [sflag:$0x1] =	stream.linear.gather [hbm4b:s28+s3], $0x10, $0x38;
	[tilespmem:$0x18200] =	vst v63  }
0x83: {  	s30 =	sshll.u32 s29, $0x7;
	s22 =	sshll.u32 s29, $0x4  }
0x84: {  	s23 =	sand.u32 $0xFFFFFC00, s30;
	s22 =	sand.u32 $0x70, s22  }
0x85: {  	s22 =	sor.u32 s22, s23  }
0x86: {  	s26 =	sadd.s32 $0x0, s21;
	s22 =	sshrl.u32 s22, $0x3  }
0x87: {  	s31 =	sadd.s32 $0x20, s26;
	s22 =	sadd.s32 s2, s22  }
0x88: {  	[tilespmem:s31], [sflag:$0x1] =	stream.linear.gather [hbm4b:s22+s3], $0x10, $0x38;
	[tilespmem:$0x18200] =	vst v63  }
0x89: {  	s25 =	sadd.s32 $0xA0, s26;
	s24 =	sadd.s32 $0x10, s22  }
0x8a: {  	[tilespmem:s25], [sflag:$0x1] =	stream.linear.gather [hbm4b:s24+s3], $0x10, $0x38;
	[tilespmem:$0x18200] =	vst v63  }
0x8b: {  	s29 =	sadd.s32 $0x120, s26;
	s23 =	simm.s32 $0x2000;
	s28 =	sadd.s32 $0x20, s22  }
0x8c: {  	[tilespmem:s29], [sflag:$0x1] =	stream.linear.gather [hbm4b:s28+s3], $0x10, $0x38;
	[tilespmem:$0x18200] =	vst v63  }
0x8d: {  	s30 =	sadd.s32 $0x30, s22;
	s31 =	sadd.s32 $0x1A0, s26;
	s24 =	sadd.s32 $0x40, s22  }
0x8e: {  	[tilespmem:s31], [sflag:$0x1] =	stream.linear.gather [hbm4b:s30+s3], $0x10, $0x38;
	[tilespmem:$0x18200] =	vst v63  }
0x8f: {  	s25 =	sadd.s32 $0x220, s26;
	s28 =	sadd.s32 $0x50, s22;
	s29 =	sadd.s32 $0x2A0, s26  }
0x90: {  	[tilespmem:s25], [sflag:$0x1] =	stream.linear.gather [hbm4b:s24+s3], $0x10, $0x38;
	[tilespmem:$0x18200] =	vst v63  }
0x91: {  	s30 =	sadd.s32 $0x60, s22;
	s31 =	sadd.s32 $0x320, s26;
	s26 =	sadd.s32 $0x3A0, s26  }
0x92: {  	[tilespmem:s29], [sflag:$0x1] =	stream.linear.gather [hbm4b:s28+s3], $0x10, $0x38;
	[tilespmem:$0x18200] =	vst v63  }
0x93: {  	s24 =	simm.s32 $0x10000;
	s25 =	sadd.s32 $0x70, s22;
	s22 =	sadd.s32 $0xF4280, s22  }
0x94: {  	[tilespmem:s31], [sflag:$0x1] =	stream.linear.gather [hbm4b:s30+s3], $0x10, $0x38;
	[tilespmem:$0x18200] =	vst v63  }
.LBB2_8:
0x95: {  	[tilespmem:s26], [sflag:$0x1] =	stream.linear.gather [hbm4b:s25+s3], $0x10, $0x38;
	[tilespmem:$0x18200] =	vst v63  }
0x96: {  	s25 =	smov.u32 s24  }
0x97: {  	s28 =	sadd.s32 $0x8000, s24;
	s26 =	sadd.s32 s23, s21;
	s23 =	sshra.s32 s25, $0x2  }
0x98: {  	p0 =	sne.s32 s24, $0x38000;
	s24 =	sadd.s32 $0x20, s26  }
0x99: {  	[tilespmem:s24], [sflag:$0x1] =	stream.linear.gather [hbm4b:s22+s3], $0x10, $0x38;
	[tilespmem:$0x18200] =	vst v63  }
0x9a: {  	s25 =	sadd.s32 $0xA0, s26;
	s24 =	sadd.s32 $0x10, s22  }
0x9b: {  	[tilespmem:s25], [sflag:$0x1] =	stream.linear.gather [hbm4b:s24+s3], $0x10, $0x38;
	[tilespmem:$0x18200] =	vst v63  }
0x9c: {  	s24 =	sadd.s32 $0x20, s22;
	s25 =	sadd.s32 $0x120, s26  }
0x9d: {  	[tilespmem:s25], [sflag:$0x1] =	stream.linear.gather [hbm4b:s24+s3], $0x10, $0x38;
	[tilespmem:$0x18200] =	vst v63  }
0x9e: {  	s24 =	sadd.s32 $0x30, s22;
	s25 =	sadd.s32 $0x1A0, s26  }
0x9f: {  	[tilespmem:s25], [sflag:$0x1] =	stream.linear.gather [hbm4b:s24+s3], $0x10, $0x38;
	[tilespmem:$0x18200] =	vst v63  }
0xa0: {  	s24 =	sadd.s32 $0x40, s22;
	s25 =	sadd.s32 $0x220, s26  }
0xa1: {  	[tilespmem:s25], [sflag:$0x1] =	stream.linear.gather [hbm4b:s24+s3], $0x10, $0x38;
	[tilespmem:$0x18200] =	vst v63  }
.Ltmp2:
0xa2: {  	s24 =	sadd.s32 $0x50, s22;
	s25 =	sadd.s32 $0x2A0, s26;
	(pc) =	sbr.rel @p0 .LBB2_8-.Ltmp2, $4  }
0xa3: {  	[tilespmem:s25], [sflag:$0x1] =	stream.linear.gather [hbm4b:s24+s3], $0x10, $0x38;
	[tilespmem:$0x18200] =	vst v63  }
0xa4: {  	s24 =	sadd.s32 $0x60, s22;
	s25 =	sadd.s32 $0x320, s26;
	s26 =	sadd.s32 $0x3A0, s26  }
0xa5: {  	[tilespmem:s25], [sflag:$0x1] =	stream.linear.gather [hbm4b:s24+s3], $0x10, $0x38;
	[tilespmem:$0x18200] =	vst v63  }
0xa6: {  	s25 =	sadd.s32 $0x70, s22;
	s22 =	sadd.s32 $0xF4280, s22;
	s24 =	smov.u32 s28  }
0xa7: {  	[tilespmem:s26], [sflag:$0x1] =	stream.linear.gather [hbm4b:s25+s3], $0x10, $0x38;
	[tilespmem:$0x18200] =	vst v63  }
0xa8: {  	s23 =	sadd.s32 s23, s21;
	(v2sf) =	vpush v3, $0x3  }
0xa9: {  	s24 =	sadd.s32 $0x20, s23  }
0xaa: {  	[tilespmem:s24], [sflag:$0x1] =	stream.linear.gather [hbm4b:s22+s3], $0x10, $0x38;
	[tilespmem:$0x18200] =	vst v63  }
0xab: {  	s28 =	sadd.s32 $0x10, s22;
	s29 =	sadd.s32 $0xA0, s23  }
0xac: {  	[tilespmem:s29], [sflag:$0x1] =	stream.linear.gather [hbm4b:s28+s3], $0x10, $0x38;
	[tilespmem:$0x18200] =	vst v63  }
0xad: {  	s30 =	sadd.s32 $0x20, s22;
	s31 =	sadd.s32 $0x120, s23  }
0xae: {  	[tilespmem:s31], [sflag:$0x1] =	stream.linear.gather [hbm4b:s30+s3], $0x10, $0x38;
	[tilespmem:$0x18200] =	vst v63  }
0xaf: {  	s25 =	sadd.s32 $0x30, s22;
	s26 =	sadd.s32 $0x1A0, s23  }
0xb0: {  	[tilespmem:s26], [sflag:$0x1] =	stream.linear.gather [hbm4b:s25+s3], $0x10, $0x38;
	[tilespmem:$0x18200] =	vst v63  }
0xb1: {  	s28 =	sadd.s32 $0x40, s22;
	s29 =	sadd.s32 $0x220, s23  }
0xb2: {  	[tilespmem:s29], [sflag:$0x1] =	stream.linear.gather [hbm4b:s28+s3], $0x10, $0x38;
	[tilespmem:$0x18200] =	vst v63  }
0xb3: {  	s30 =	sadd.s32 $0x50, s22;
	s31 =	sadd.s32 $0x2A0, s23  }
0xb4: {  	[tilespmem:s31], [sflag:$0x1] =	stream.linear.gather [hbm4b:s30+s3], $0x10, $0x38;
	[tilespmem:$0x18200] =	vst v63  }
0xb5: {  	s25 =	sadd.s32 $0x60, s22;
	s26 =	sadd.s32 $0x320, s23  }
0xb6: {  	[tilespmem:s26], [sflag:$0x1] =	stream.linear.gather [hbm4b:s25+s3], $0x10, $0x38;
	[tilespmem:$0x18200] =	vst v63  }
0xb7: {  	s23 =	sadd.s32 $0x3A0, s23;
	s28 =	sadd.s32 $0x70, s22;
	s29 =	spop (v2sf)  }
0xb8: {  	[tilespmem:s23], [sflag:$0x1] =	stream.linear.gather [hbm4b:s28+s3], $0x10, $0x38;
	[tilespmem:$0x18200] =	vst v63  }
0xb9: {  	s30 =	sshll.u32 s29, $0x7;
	s22 =	sshll.u32 s29, $0x4  }
0xba: {  	s23 =	sand.u32 $0xFFFFFC00, s30;
	s22 =	sand.u32 $0x70, s22  }
0xbb: {  	s22 =	sor.u32 s22, s23  }
0xbc: {  	s26 =	sadd.s32 $0x0, s21;
	s22 =	sshrl.u32 s22, $0x3  }
0xbd: {  	s31 =	sadd.s32 $0x30, s26;
	s22 =	sadd.s32 s2, s22  }
0xbe: {  	[tilespmem:s31], [sflag:$0x1] =	stream.linear.gather [hbm4b:s22+s3], $0x10, $0x38;
	[tilespmem:$0x18200] =	vst v63  }
0xbf: {  	s25 =	sadd.s32 $0xB0, s26;
	s24 =	sadd.s32 $0x10, s22  }
0xc0: {  	[tilespmem:s25], [sflag:$0x1] =	stream.linear.gather [hbm4b:s24+s3], $0x10, $0x38;
	[tilespmem:$0x18200] =	vst v63  }
0xc1: {  	s29 =	sadd.s32 $0x130, s26;
	s23 =	simm.s32 $0x2000;
	s28 =	sadd.s32 $0x20, s22  }
0xc2: {  	[tilespmem:s29], [sflag:$0x1] =	stream.linear.gather [hbm4b:s28+s3], $0x10, $0x38;
	[tilespmem:$0x18200] =	vst v63  }
0xc3: {  	s30 =	sadd.s32 $0x30, s22;
	s31 =	sadd.s32 $0x1B0, s26;
	s24 =	sadd.s32 $0x40, s22  }
0xc4: {  	[tilespmem:s31], [sflag:$0x1] =	stream.linear.gather [hbm4b:s30+s3], $0x10, $0x38;
	[tilespmem:$0x18200] =	vst v63  }
0xc5: {  	s25 =	sadd.s32 $0x230, s26;
	s28 =	sadd.s32 $0x50, s22;
	s29 =	sadd.s32 $0x2B0, s26  }
0xc6: {  	[tilespmem:s25], [sflag:$0x1] =	stream.linear.gather [hbm4b:s24+s3], $0x10, $0x38;
	[tilespmem:$0x18200] =	vst v63  }
0xc7: {  	s30 =	sadd.s32 $0x60, s22;
	s31 =	sadd.s32 $0x330, s26;
	s26 =	sadd.s32 $0x3B0, s26  }
0xc8: {  	[tilespmem:s29], [sflag:$0x1] =	stream.linear.gather [hbm4b:s28+s3], $0x10, $0x38;
	[tilespmem:$0x18200] =	vst v63  }
0xc9: {  	s24 =	simm.s32 $0x10000;
	s25 =	sadd.s32 $0x70, s22;
	s22 =	sadd.s32 $0xF4280, s22  }
0xca: {  	[tilespmem:s31], [sflag:$0x1] =	stream.linear.gather [hbm4b:s30+s3], $0x10, $0x38;
	[tilespmem:$0x18200] =	vst v63  }
.LBB2_10:
0xcb: {  	[tilespmem:s26], [sflag:$0x1] =	stream.linear.gather [hbm4b:s25+s3], $0x10, $0x38;
	[tilespmem:$0x18200] =	vst v63  }
0xcc: {  	s25 =	smov.u32 s24  }
0xcd: {  	s28 =	sadd.s32 $0x8000, s24;
	s26 =	sadd.s32 s23, s21;
	s23 =	sshra.s32 s25, $0x2  }
0xce: {  	p0 =	sne.s32 s24, $0x38000;
	s24 =	sadd.s32 $0x30, s26  }
0xcf: {  	[tilespmem:s24], [sflag:$0x1] =	stream.linear.gather [hbm4b:s22+s3], $0x10, $0x38;
	[tilespmem:$0x18200] =	vst v63  }
0xd0: {  	s25 =	sadd.s32 $0xB0, s26;
	s24 =	sadd.s32 $0x10, s22  }
0xd1: {  	[tilespmem:s25], [sflag:$0x1] =	stream.linear.gather [hbm4b:s24+s3], $0x10, $0x38;
	[tilespmem:$0x18200] =	vst v63  }
0xd2: {  	s24 =	sadd.s32 $0x20, s22;
	s25 =	sadd.s32 $0x130, s26  }
0xd3: {  	[tilespmem:s25], [sflag:$0x1] =	stream.linear.gather [hbm4b:s24+s3], $0x10, $0x38;
	[tilespmem:$0x18200] =	vst v63  }
0xd4: {  	s24 =	sadd.s32 $0x30, s22;
	s25 =	sadd.s32 $0x1B0, s26  }
0xd5: {  	[tilespmem:s25], [sflag:$0x1] =	stream.linear.gather [hbm4b:s24+s3], $0x10, $0x38;
	[tilespmem:$0x18200] =	vst v63  }
0xd6: {  	s24 =	sadd.s32 $0x40, s22;
	s25 =	sadd.s32 $0x230, s26  }
0xd7: {  	[tilespmem:s25], [sflag:$0x1] =	stream.linear.gather [hbm4b:s24+s3], $0x10, $0x38;
	[tilespmem:$0x18200] =	vst v63  }
.Ltmp3:
0xd8: {  	s24 =	sadd.s32 $0x50, s22;
	s25 =	sadd.s32 $0x2B0, s26;
	(pc) =	sbr.rel @p0 .LBB2_10-.Ltmp3, $4  }
0xd9: {  	[tilespmem:s25], [sflag:$0x1] =	stream.linear.gather [hbm4b:s24+s3], $0x10, $0x38;
	[tilespmem:$0x18200] =	vst v63  }
0xda: {  	s24 =	sadd.s32 $0x60, s22;
	s25 =	sadd.s32 $0x330, s26;
	s26 =	sadd.s32 $0x3B0, s26  }
0xdb: {  	[tilespmem:s25], [sflag:$0x1] =	stream.linear.gather [hbm4b:s24+s3], $0x10, $0x38;
	[tilespmem:$0x18200] =	vst v63  }
0xdc: {  	s25 =	sadd.s32 $0x70, s22;
	s22 =	sadd.s32 $0xF4280, s22;
	s24 =	smov.u32 s28  }
0xdd: {  	[tilespmem:s26], [sflag:$0x1] =	stream.linear.gather [hbm4b:s25+s3], $0x10, $0x38;
	[tilespmem:$0x18200] =	vst v63  }
0xde: {  	s23 =	sadd.s32 s23, s21;
	(v2sf) =	vpush v3, $0x4  }
0xdf: {  	s24 =	sadd.s32 $0x30, s23  }
0xe0: {  	[tilespmem:s24], [sflag:$0x1] =	stream.linear.gather [hbm4b:s22+s3], $0x10, $0x38;
	[tilespmem:$0x18200] =	vst v63  }
0xe1: {  	s28 =	sadd.s32 $0x10, s22;
	s29 =	sadd.s32 $0xB0, s23  }
0xe2: {  	[tilespmem:s29], [sflag:$0x1] =	stream.linear.gather [hbm4b:s28+s3], $0x10, $0x38;
	[tilespmem:$0x18200] =	vst v63  }
0xe3: {  	s30 =	sadd.s32 $0x20, s22;
	s31 =	sadd.s32 $0x130, s23  }
0xe4: {  	[tilespmem:s31], [sflag:$0x1] =	stream.linear.gather [hbm4b:s30+s3], $0x10, $0x38;
	[tilespmem:$0x18200] =	vst v63  }
0xe5: {  	s25 =	sadd.s32 $0x30, s22;
	s26 =	sadd.s32 $0x1B0, s23  }
0xe6: {  	[tilespmem:s26], [sflag:$0x1] =	stream.linear.gather [hbm4b:s25+s3], $0x10, $0x38;
	[tilespmem:$0x18200] =	vst v63  }
0xe7: {  	s28 =	sadd.s32 $0x40, s22;
	s29 =	sadd.s32 $0x230, s23  }
0xe8: {  	[tilespmem:s29], [sflag:$0x1] =	stream.linear.gather [hbm4b:s28+s3], $0x10, $0x38;
	[tilespmem:$0x18200] =	vst v63  }
0xe9: {  	s30 =	sadd.s32 $0x50, s22;
	s31 =	sadd.s32 $0x2B0, s23  }
0xea: {  	[tilespmem:s31], [sflag:$0x1] =	stream.linear.gather [hbm4b:s30+s3], $0x10, $0x38;
	[tilespmem:$0x18200] =	vst v63  }
0xeb: {  	s25 =	sadd.s32 $0x60, s22;
	s26 =	sadd.s32 $0x330, s23  }
0xec: {  	[tilespmem:s26], [sflag:$0x1] =	stream.linear.gather [hbm4b:s25+s3], $0x10, $0x38;
	[tilespmem:$0x18200] =	vst v63  }
0xed: {  	s23 =	sadd.s32 $0x3B0, s23;
	s28 =	sadd.s32 $0x70, s22;
	s29 =	spop (v2sf)  }
0xee: {  	[tilespmem:s23], [sflag:$0x1] =	stream.linear.gather [hbm4b:s28+s3], $0x10, $0x38;
	[tilespmem:$0x18200] =	vst v63  }
0xef: {  	s30 =	sshll.u32 s29, $0x7;
	s22 =	sshll.u32 s29, $0x4  }
0xf0: {  	s23 =	sand.u32 $0xFFFFFC00, s30;
	s22 =	sand.u32 $0x70, s22  }
0xf1: {  	s22 =	sor.u32 s22, s23  }
0xf2: {  	s26 =	sadd.s32 $0x0, s21;
	s22 =	sshrl.u32 s22, $0x3  }
0xf3: {  	s31 =	sadd.s32 $0x40, s26;
	s22 =	sadd.s32 s2, s22  }
0xf4: {  	[tilespmem:s31], [sflag:$0x1] =	stream.linear.gather [hbm4b:s22+s3], $0x10, $0x38;
	[tilespmem:$0x18200] =	vst v63  }
0xf5: {  	s25 =	sadd.s32 $0xC0, s26;
	s24 =	sadd.s32 $0x10, s22  }
0xf6: {  	[tilespmem:s25], [sflag:$0x1] =	stream.linear.gather [hbm4b:s24+s3], $0x10, $0x38;
	[tilespmem:$0x18200] =	vst v63  }
0xf7: {  	s29 =	sadd.s32 $0x140, s26;
	s23 =	simm.s32 $0x2000;
	s28 =	sadd.s32 $0x20, s22  }
0xf8: {  	[tilespmem:s29], [sflag:$0x1] =	stream.linear.gather [hbm4b:s28+s3], $0x10, $0x38;
	[tilespmem:$0x18200] =	vst v63  }
0xf9: {  	s30 =	sadd.s32 $0x30, s22;
	s31 =	sadd.s32 $0x1C0, s26;
	s24 =	sadd.s32 $0x40, s22  }
0xfa: {  	[tilespmem:s31], [sflag:$0x1] =	stream.linear.gather [hbm4b:s30+s3], $0x10, $0x38;
	[tilespmem:$0x18200] =	vst v63  }
0xfb: {  	s25 =	sadd.s32 $0x240, s26;
	s28 =	sadd.s32 $0x50, s22;
	s29 =	sadd.s32 $0x2C0, s26  }
0xfc: {  	[tilespmem:s25], [sflag:$0x1] =	stream.linear.gather [hbm4b:s24+s3], $0x10, $0x38;
	[tilespmem:$0x18200] =	vst v63  }
0xfd: {  	s30 =	sadd.s32 $0x60, s22;
	s31 =	sadd.s32 $0x340, s26;
	s26 =	sadd.s32 $0x3C0, s26  }
0xfe: {  	[tilespmem:s29], [sflag:$0x1] =	stream.linear.gather [hbm4b:s28+s3], $0x10, $0x38;
	[tilespmem:$0x18200] =	vst v63  }
0xff: {  	s24 =	simm.s32 $0x10000;
	s25 =	sadd.s32 $0x70, s22;
	s22 =	sadd.s32 $0xF4280, s22  }
0x100: {  	[tilespmem:s31], [sflag:$0x1] =	stream.linear.gather [hbm4b:s30+s3], $0x10, $0x38;
	[tilespmem:$0x18200] =	vst v63  }
.LBB2_12:
0x101: {  	[tilespmem:s26], [sflag:$0x1] =	stream.linear.gather [hbm4b:s25+s3], $0x10, $0x38;
	[tilespmem:$0x18200] =	vst v63  }
0x102: {  	s25 =	smov.u32 s24  }
0x103: {  	s28 =	sadd.s32 $0x8000, s24;
	s26 =	sadd.s32 s23, s21;
	s23 =	sshra.s32 s25, $0x2  }
0x104: {  	p0 =	sne.s32 s24, $0x38000;
	s24 =	sadd.s32 $0x40, s26  }
0x105: {  	[tilespmem:s24], [sflag:$0x1] =	stream.linear.gather [hbm4b:s22+s3], $0x10, $0x38;
	[tilespmem:$0x18200] =	vst v63  }
0x106: {  	s25 =	sadd.s32 $0xC0, s26;
	s24 =	sadd.s32 $0x10, s22  }
0x107: {  	[tilespmem:s25], [sflag:$0x1] =	stream.linear.gather [hbm4b:s24+s3], $0x10, $0x38;
	[tilespmem:$0x18200] =	vst v63  }
0x108: {  	s24 =	sadd.s32 $0x20, s22;
	s25 =	sadd.s32 $0x140, s26  }
0x109: {  	[tilespmem:s25], [sflag:$0x1] =	stream.linear.gather [hbm4b:s24+s3], $0x10, $0x38;
	[tilespmem:$0x18200] =	vst v63  }
0x10a: {  	s24 =	sadd.s32 $0x30, s22;
	s25 =	sadd.s32 $0x1C0, s26  }
0x10b: {  	[tilespmem:s25], [sflag:$0x1] =	stream.linear.gather [hbm4b:s24+s3], $0x10, $0x38;
	[tilespmem:$0x18200] =	vst v63  }
0x10c: {  	s24 =	sadd.s32 $0x40, s22;
	s25 =	sadd.s32 $0x240, s26  }
0x10d: {  	[tilespmem:s25], [sflag:$0x1] =	stream.linear.gather [hbm4b:s24+s3], $0x10, $0x38;
	[tilespmem:$0x18200] =	vst v63  }
.Ltmp4:
0x10e: {  	s24 =	sadd.s32 $0x50, s22;
	s25 =	sadd.s32 $0x2C0, s26;
	(pc) =	sbr.rel @p0 .LBB2_12-.Ltmp4, $4  }
0x10f: {  	[tilespmem:s25], [sflag:$0x1] =	stream.linear.gather [hbm4b:s24+s3], $0x10, $0x38;
	[tilespmem:$0x18200] =	vst v63  }
0x110: {  	s24 =	sadd.s32 $0x60, s22;
	s25 =	sadd.s32 $0x340, s26;
	s26 =	sadd.s32 $0x3C0, s26  }
0x111: {  	[tilespmem:s25], [sflag:$0x1] =	stream.linear.gather [hbm4b:s24+s3], $0x10, $0x38;
	[tilespmem:$0x18200] =	vst v63  }
0x112: {  	s25 =	sadd.s32 $0x70, s22;
	s22 =	sadd.s32 $0xF4280, s22;
	s24 =	smov.u32 s28  }
0x113: {  	[tilespmem:s26], [sflag:$0x1] =	stream.linear.gather [hbm4b:s25+s3], $0x10, $0x38;
	[tilespmem:$0x18200] =	vst v63  }
0x114: {  	s23 =	sadd.s32 s23, s21;
	(v2sf) =	vpush v3, $0x5  }
0x115: {  	s24 =	sadd.s32 $0x40, s23  }
0x116: {  	[tilespmem:s24], [sflag:$0x1] =	stream.linear.gather [hbm4b:s22+s3], $0x10, $0x38;
	[tilespmem:$0x18200] =	vst v63  }
0x117: {  	s28 =	sadd.s32 $0x10, s22;
	s29 =	sadd.s32 $0xC0, s23  }
0x118: {  	[tilespmem:s29], [sflag:$0x1] =	stream.linear.gather [hbm4b:s28+s3], $0x10, $0x38;
	[tilespmem:$0x18200] =	vst v63  }
0x119: {  	s30 =	sadd.s32 $0x20, s22;
	s31 =	sadd.s32 $0x140, s23  }
0x11a: {  	[tilespmem:s31], [sflag:$0x1] =	stream.linear.gather [hbm4b:s30+s3], $0x10, $0x38;
	[tilespmem:$0x18200] =	vst v63  }
0x11b: {  	s25 =	sadd.s32 $0x30, s22;
	s26 =	sadd.s32 $0x1C0, s23  }
0x11c: {  	[tilespmem:s26], [sflag:$0x1] =	stream.linear.gather [hbm4b:s25+s3], $0x10, $0x38;
	[tilespmem:$0x18200] =	vst v63  }
0x11d: {  	s28 =	sadd.s32 $0x40, s22;
	s29 =	sadd.s32 $0x240, s23  }
0x11e: {  	[tilespmem:s29], [sflag:$0x1] =	stream.linear.gather [hbm4b:s28+s3], $0x10, $0x38;
	[tilespmem:$0x18200] =	vst v63  }
0x11f: {  	s30 =	sadd.s32 $0x50, s22;
	s31 =	sadd.s32 $0x2C0, s23  }
0x120: {  	[tilespmem:s31], [sflag:$0x1] =	stream.linear.gather [hbm4b:s30+s3], $0x10, $0x38;
	[tilespmem:$0x18200] =	vst v63  }
0x121: {  	s25 =	sadd.s32 $0x60, s22;
	s26 =	sadd.s32 $0x340, s23  }
0x122: {  	[tilespmem:s26], [sflag:$0x1] =	stream.linear.gather [hbm4b:s25+s3], $0x10, $0x38;
	[tilespmem:$0x18200] =	vst v63  }
0x123: {  	s23 =	sadd.s32 $0x3C0, s23;
	s28 =	sadd.s32 $0x70, s22;
	s29 =	spop (v2sf)  }
0x124: {  	[tilespmem:s23], [sflag:$0x1] =	stream.linear.gather [hbm4b:s28+s3], $0x10, $0x38;
	[tilespmem:$0x18200] =	vst v63  }
0x125: {  	s30 =	sshll.u32 s29, $0x7;
	s22 =	sshll.u32 s29, $0x4  }
0x126: {  	s23 =	sand.u32 $0xFFFFFC00, s30;
	s22 =	sand.u32 $0x70, s22  }
0x127: {  	s22 =	sor.u32 s22, s23  }
0x128: {  	s26 =	sadd.s32 $0x0, s21;
	s22 =	sshrl.u32 s22, $0x3  }
0x129: {  	s31 =	sadd.s32 $0x50, s26;
	s22 =	sadd.s32 s2, s22  }
0x12a: {  	[tilespmem:s31], [sflag:$0x1] =	stream.linear.gather [hbm4b:s22+s3], $0x10, $0x38;
	[tilespmem:$0x18200] =	vst v63  }
0x12b: {  	s25 =	sadd.s32 $0xD0, s26;
	s24 =	sadd.s32 $0x10, s22  }
0x12c: {  	[tilespmem:s25], [sflag:$0x1] =	stream.linear.gather [hbm4b:s24+s3], $0x10, $0x38;
	[tilespmem:$0x18200] =	vst v63  }
0x12d: {  	s29 =	sadd.s32 $0x150, s26;
	s23 =	simm.s32 $0x2000;
	s28 =	sadd.s32 $0x20, s22  }
0x12e: {  	[tilespmem:s29], [sflag:$0x1] =	stream.linear.gather [hbm4b:s28+s3], $0x10, $0x38;
	[tilespmem:$0x18200] =	vst v63  }
0x12f: {  	s30 =	sadd.s32 $0x30, s22;
	s31 =	sadd.s32 $0x1D0, s26;
	s24 =	sadd.s32 $0x40, s22  }
0x130: {  	[tilespmem:s31], [sflag:$0x1] =	stream.linear.gather [hbm4b:s30+s3], $0x10, $0x38;
	[tilespmem:$0x18200] =	vst v63  }
0x131: {  	s25 =	sadd.s32 $0x250, s26;
	s28 =	sadd.s32 $0x50, s22;
	s29 =	sadd.s32 $0x2D0, s26  }
0x132: {  	[tilespmem:s25], [sflag:$0x1] =	stream.linear.gather [hbm4b:s24+s3], $0x10, $0x38;
	[tilespmem:$0x18200] =	vst v63  }
0x133: {  	s30 =	sadd.s32 $0x60, s22;
	s31 =	sadd.s32 $0x350, s26;
	s26 =	sadd.s32 $0x3D0, s26  }
0x134: {  	[tilespmem:s29], [sflag:$0x1] =	stream.linear.gather [hbm4b:s28+s3], $0x10, $0x38;
	[tilespmem:$0x18200] =	vst v63  }
0x135: {  	s24 =	simm.s32 $0x10000;
	s25 =	sadd.s32 $0x70, s22;
	s22 =	sadd.s32 $0xF4280, s22  }
0x136: {  	[tilespmem:s31], [sflag:$0x1] =	stream.linear.gather [hbm4b:s30+s3], $0x10, $0x38;
	[tilespmem:$0x18200] =	vst v63  }
.LBB2_14:
0x137: {  	[tilespmem:s26], [sflag:$0x1] =	stream.linear.gather [hbm4b:s25+s3], $0x10, $0x38;
	[tilespmem:$0x18200] =	vst v63  }
0x138: {  	s25 =	smov.u32 s24  }
0x139: {  	s28 =	sadd.s32 $0x8000, s24;
	s26 =	sadd.s32 s23, s21;
	s23 =	sshra.s32 s25, $0x2  }
0x13a: {  	p0 =	sne.s32 s24, $0x38000;
	s24 =	sadd.s32 $0x50, s26  }
0x13b: {  	[tilespmem:s24], [sflag:$0x1] =	stream.linear.gather [hbm4b:s22+s3], $0x10, $0x38;
	[tilespmem:$0x18200] =	vst v63  }
0x13c: {  	s25 =	sadd.s32 $0xD0, s26;
	s24 =	sadd.s32 $0x10, s22  }
0x13d: {  	[tilespmem:s25], [sflag:$0x1] =	stream.linear.gather [hbm4b:s24+s3], $0x10, $0x38;
	[tilespmem:$0x18200] =	vst v63  }
0x13e: {  	s24 =	sadd.s32 $0x20, s22;
	s25 =	sadd.s32 $0x150, s26  }
0x13f: {  	[tilespmem:s25], [sflag:$0x1] =	stream.linear.gather [hbm4b:s24+s3], $0x10, $0x38;
	[tilespmem:$0x18200] =	vst v63  }
0x140: {  	s24 =	sadd.s32 $0x30, s22;
	s25 =	sadd.s32 $0x1D0, s26  }
0x141: {  	[tilespmem:s25], [sflag:$0x1] =	stream.linear.gather [hbm4b:s24+s3], $0x10, $0x38;
	[tilespmem:$0x18200] =	vst v63  }
0x142: {  	s24 =	sadd.s32 $0x40, s22;
	s25 =	sadd.s32 $0x250, s26  }
0x143: {  	[tilespmem:s25], [sflag:$0x1] =	stream.linear.gather [hbm4b:s24+s3], $0x10, $0x38;
	[tilespmem:$0x18200] =	vst v63  }
.Ltmp5:
0x144: {  	s24 =	sadd.s32 $0x50, s22;
	s25 =	sadd.s32 $0x2D0, s26;
	(pc) =	sbr.rel @p0 .LBB2_14-.Ltmp5, $4  }
0x145: {  	[tilespmem:s25], [sflag:$0x1] =	stream.linear.gather [hbm4b:s24+s3], $0x10, $0x38;
	[tilespmem:$0x18200] =	vst v63  }
0x146: {  	s24 =	sadd.s32 $0x60, s22;
	s25 =	sadd.s32 $0x350, s26;
	s26 =	sadd.s32 $0x3D0, s26  }
0x147: {  	[tilespmem:s25], [sflag:$0x1] =	stream.linear.gather [hbm4b:s24+s3], $0x10, $0x38;
	[tilespmem:$0x18200] =	vst v63  }
0x148: {  	s25 =	sadd.s32 $0x70, s22;
	s22 =	sadd.s32 $0xF4280, s22;
	s24 =	smov.u32 s28  }
0x149: {  	[tilespmem:s26], [sflag:$0x1] =	stream.linear.gather [hbm4b:s25+s3], $0x10, $0x38;
	[tilespmem:$0x18200] =	vst v63  }
0x14a: {  	s23 =	sadd.s32 s23, s21;
	(v2sf) =	vpush v3, $0x6  }
0x14b: {  	s24 =	sadd.s32 $0x50, s23  }
0x14c: {  	[tilespmem:s24], [sflag:$0x1] =	stream.linear.gather [hbm4b:s22+s3], $0x10, $0x38;
	[tilespmem:$0x18200] =	vst v63  }
0x14d: {  	s28 =	sadd.s32 $0x10, s22;
	s29 =	sadd.s32 $0xD0, s23  }
0x14e: {  	[tilespmem:s29], [sflag:$0x1] =	stream.linear.gather [hbm4b:s28+s3], $0x10, $0x38;
	[tilespmem:$0x18200] =	vst v63  }
0x14f: {  	s30 =	sadd.s32 $0x20, s22;
	s31 =	sadd.s32 $0x150, s23  }
0x150: {  	[tilespmem:s31], [sflag:$0x1] =	stream.linear.gather [hbm4b:s30+s3], $0x10, $0x38;
	[tilespmem:$0x18200] =	vst v63  }
0x151: {  	s25 =	sadd.s32 $0x30, s22;
	s26 =	sadd.s32 $0x1D0, s23  }
0x152: {  	[tilespmem:s26], [sflag:$0x1] =	stream.linear.gather [hbm4b:s25+s3], $0x10, $0x38;
	[tilespmem:$0x18200] =	vst v63  }
0x153: {  	s28 =	sadd.s32 $0x40, s22;
	s29 =	sadd.s32 $0x250, s23  }
0x154: {  	[tilespmem:s29], [sflag:$0x1] =	stream.linear.gather [hbm4b:s28+s3], $0x10, $0x38;
	[tilespmem:$0x18200] =	vst v63  }
0x155: {  	s30 =	sadd.s32 $0x50, s22;
	s31 =	sadd.s32 $0x2D0, s23  }
0x156: {  	[tilespmem:s31], [sflag:$0x1] =	stream.linear.gather [hbm4b:s30+s3], $0x10, $0x38;
	[tilespmem:$0x18200] =	vst v63  }
0x157: {  	s25 =	sadd.s32 $0x60, s22;
	s26 =	sadd.s32 $0x350, s23  }
0x158: {  	[tilespmem:s26], [sflag:$0x1] =	stream.linear.gather [hbm4b:s25+s3], $0x10, $0x38;
	[tilespmem:$0x18200] =	vst v63  }
0x159: {  	s23 =	sadd.s32 $0x3D0, s23;
	s28 =	sadd.s32 $0x70, s22;
	s29 =	spop (v2sf)  }
0x15a: {  	[tilespmem:s23], [sflag:$0x1] =	stream.linear.gather [hbm4b:s28+s3], $0x10, $0x38;
	[tilespmem:$0x18200] =	vst v63  }
0x15b: {  	s30 =	sshll.u32 s29, $0x7;
	s22 =	sshll.u32 s29, $0x4  }
0x15c: {  	s23 =	sand.u32 $0xFFFFFC00, s30;
	s22 =	sand.u32 $0x70, s22  }
0x15d: {  	s22 =	sor.u32 s22, s23  }
0x15e: {  	s26 =	sadd.s32 $0x0, s21;
	s22 =	sshrl.u32 s22, $0x3  }
0x15f: {  	s31 =	sadd.s32 $0x60, s26;
	s22 =	sadd.s32 s2, s22  }
0x160: {  	[tilespmem:s31], [sflag:$0x1] =	stream.linear.gather [hbm4b:s22+s3], $0x10, $0x38;
	[tilespmem:$0x18200] =	vst v63  }
0x161: {  	s25 =	sadd.s32 $0xE0, s26;
	s24 =	sadd.s32 $0x10, s22  }
0x162: {  	[tilespmem:s25], [sflag:$0x1] =	stream.linear.gather [hbm4b:s24+s3], $0x10, $0x38;
	[tilespmem:$0x18200] =	vst v63  }
0x163: {  	s29 =	sadd.s32 $0x160, s26;
	s23 =	simm.s32 $0x2000;
	s28 =	sadd.s32 $0x20, s22  }
0x164: {  	[tilespmem:s29], [sflag:$0x1] =	stream.linear.gather [hbm4b:s28+s3], $0x10, $0x38;
	[tilespmem:$0x18200] =	vst v63  }
0x165: {  	s30 =	sadd.s32 $0x30, s22;
	s31 =	sadd.s32 $0x1E0, s26;
	s24 =	sadd.s32 $0x40, s22  }
0x166: {  	[tilespmem:s31], [sflag:$0x1] =	stream.linear.gather [hbm4b:s30+s3], $0x10, $0x38;
	[tilespmem:$0x18200] =	vst v63  }
0x167: {  	s25 =	sadd.s32 $0x260, s26;
	s28 =	sadd.s32 $0x50, s22;
	s29 =	sadd.s32 $0x2E0, s26  }
0x168: {  	[tilespmem:s25], [sflag:$0x1] =	stream.linear.gather [hbm4b:s24+s3], $0x10, $0x38;
	[tilespmem:$0x18200] =	vst v63  }
0x169: {  	s30 =	sadd.s32 $0x60, s22;
	s31 =	sadd.s32 $0x360, s26;
	s26 =	sadd.s32 $0x3E0, s26  }
0x16a: {  	[tilespmem:s29], [sflag:$0x1] =	stream.linear.gather [hbm4b:s28+s3], $0x10, $0x38;
	[tilespmem:$0x18200] =	vst v63  }
0x16b: {  	s24 =	simm.s32 $0x10000;
	s25 =	sadd.s32 $0x70, s22;
	s22 =	sadd.s32 $0xF4280, s22  }
0x16c: {  	[tilespmem:s31], [sflag:$0x1] =	stream.linear.gather [hbm4b:s30+s3], $0x10, $0x38;
	[tilespmem:$0x18200] =	vst v63  }
.LBB2_16:
0x16d: {  	[tilespmem:s26], [sflag:$0x1] =	stream.linear.gather [hbm4b:s25+s3], $0x10, $0x38;
	[tilespmem:$0x18200] =	vst v63  }
0x16e: {  	s25 =	smov.u32 s24  }
0x16f: {  	s28 =	sadd.s32 $0x8000, s24;
	s26 =	sadd.s32 s23, s21;
	s23 =	sshra.s32 s25, $0x2  }
0x170: {  	p0 =	sne.s32 s24, $0x38000;
	s24 =	sadd.s32 $0x60, s26  }
0x171: {  	[tilespmem:s24], [sflag:$0x1] =	stream.linear.gather [hbm4b:s22+s3], $0x10, $0x38;
	[tilespmem:$0x18200] =	vst v63  }
0x172: {  	s25 =	sadd.s32 $0xE0, s26;
	s24 =	sadd.s32 $0x10, s22  }
0x173: {  	[tilespmem:s25], [sflag:$0x1] =	stream.linear.gather [hbm4b:s24+s3], $0x10, $0x38;
	[tilespmem:$0x18200] =	vst v63  }
0x174: {  	s24 =	sadd.s32 $0x20, s22;
	s25 =	sadd.s32 $0x160, s26  }
0x175: {  	[tilespmem:s25], [sflag:$0x1] =	stream.linear.gather [hbm4b:s24+s3], $0x10, $0x38;
	[tilespmem:$0x18200] =	vst v63  }
0x176: {  	s24 =	sadd.s32 $0x30, s22;
	s25 =	sadd.s32 $0x1E0, s26  }
0x177: {  	[tilespmem:s25], [sflag:$0x1] =	stream.linear.gather [hbm4b:s24+s3], $0x10, $0x38;
	[tilespmem:$0x18200] =	vst v63  }
0x178: {  	s24 =	sadd.s32 $0x40, s22;
	s25 =	sadd.s32 $0x260, s26  }
0x179: {  	[tilespmem:s25], [sflag:$0x1] =	stream.linear.gather [hbm4b:s24+s3], $0x10, $0x38;
	[tilespmem:$0x18200] =	vst v63  }
.Ltmp6:
0x17a: {  	s24 =	sadd.s32 $0x50, s22;
	s25 =	sadd.s32 $0x2E0, s26;
	(pc) =	sbr.rel @p0 .LBB2_16-.Ltmp6, $4  }
0x17b: {  	[tilespmem:s25], [sflag:$0x1] =	stream.linear.gather [hbm4b:s24+s3], $0x10, $0x38;
	[tilespmem:$0x18200] =	vst v63  }
0x17c: {  	s24 =	sadd.s32 $0x60, s22;
	s25 =	sadd.s32 $0x360, s26;
	s26 =	sadd.s32 $0x3E0, s26  }
0x17d: {  	[tilespmem:s25], [sflag:$0x1] =	stream.linear.gather [hbm4b:s24+s3], $0x10, $0x38;
	[tilespmem:$0x18200] =	vst v63  }
0x17e: {  	s25 =	sadd.s32 $0x70, s22;
	s22 =	sadd.s32 $0xF4280, s22;
	s24 =	smov.u32 s28  }
0x17f: {  	[tilespmem:s26], [sflag:$0x1] =	stream.linear.gather [hbm4b:s25+s3], $0x10, $0x38;
	[tilespmem:$0x18200] =	vst v63  }
0x180: {  	s23 =	sadd.s32 s23, s21;
	(v2sf) =	vpush v3, $0x7  }
0x181: {  	s24 =	sadd.s32 $0x60, s23  }
0x182: {  	[tilespmem:s24], [sflag:$0x1] =	stream.linear.gather [hbm4b:s22+s3], $0x10, $0x38;
	[tilespmem:$0x18200] =	vst v63  }
0x183: {  	s28 =	sadd.s32 $0x10, s22;
	s29 =	sadd.s32 $0xE0, s23  }
0x184: {  	[tilespmem:s29], [sflag:$0x1] =	stream.linear.gather [hbm4b:s28+s3], $0x10, $0x38;
	[tilespmem:$0x18200] =	vst v63  }
0x185: {  	s30 =	sadd.s32 $0x20, s22;
	s31 =	sadd.s32 $0x160, s23  }
0x186: {  	[tilespmem:s31], [sflag:$0x1] =	stream.linear.gather [hbm4b:s30+s3], $0x10, $0x38;
	[tilespmem:$0x18200] =	vst v63  }
0x187: {  	s25 =	sadd.s32 $0x30, s22;
	s26 =	sadd.s32 $0x1E0, s23  }
0x188: {  	[tilespmem:s26], [sflag:$0x1] =	stream.linear.gather [hbm4b:s25+s3], $0x10, $0x38;
	[tilespmem:$0x18200] =	vst v63  }
0x189: {  	s28 =	sadd.s32 $0x40, s22;
	s29 =	sadd.s32 $0x260, s23  }
0x18a: {  	[tilespmem:s29], [sflag:$0x1] =	stream.linear.gather [hbm4b:s28+s3], $0x10, $0x38;
	[tilespmem:$0x18200] =	vst v63  }
0x18b: {  	s30 =	sadd.s32 $0x50, s22;
	s31 =	sadd.s32 $0x2E0, s23  }
0x18c: {  	[tilespmem:s31], [sflag:$0x1] =	stream.linear.gather [hbm4b:s30+s3], $0x10, $0x38;
	[tilespmem:$0x18200] =	vst v63  }
0x18d: {  	s25 =	sadd.s32 $0x60, s22;
	s26 =	sadd.s32 $0x360, s23  }
0x18e: {  	[tilespmem:s26], [sflag:$0x1] =	stream.linear.gather [hbm4b:s25+s3], $0x10, $0x38;
	[tilespmem:$0x18200] =	vst v63  }
0x18f: {  	s23 =	sadd.s32 $0x3E0, s23;
	s28 =	sadd.s32 $0x70, s22;
	s29 =	spop (v2sf)  }
0x190: {  	[tilespmem:s23], [sflag:$0x1] =	stream.linear.gather [hbm4b:s28+s3], $0x10, $0x38;
	[tilespmem:$0x18200] =	vst v63  }
0x191: {  	s30 =	sshll.u32 s29, $0x7;
	s22 =	sshll.u32 s29, $0x4  }
0x192: {  	s23 =	sand.u32 $0xFFFFFC00, s30;
	s22 =	sand.u32 $0x70, s22  }
0x193: {  	s22 =	sor.u32 s22, s23  }
0x194: {  	s26 =	sadd.s32 $0x0, s21;
	s22 =	sshrl.u32 s22, $0x3  }
0x195: {  	s31 =	sadd.s32 $0x70, s26;
	s22 =	sadd.s32 s2, s22  }
0x196: {  	[tilespmem:s31], [sflag:$0x1] =	stream.linear.gather [hbm4b:s22+s3], $0x10, $0x38;
	[tilespmem:$0x18200] =	vst v63  }
0x197: {  	s25 =	sadd.s32 $0xF0, s26;
	s24 =	sadd.s32 $0x10, s22  }
0x198: {  	[tilespmem:s25], [sflag:$0x1] =	stream.linear.gather [hbm4b:s24+s3], $0x10, $0x38;
	[tilespmem:$0x18200] =	vst v63  }
0x199: {  	s29 =	sadd.s32 $0x170, s26;
	s23 =	simm.s32 $0x2000;
	s28 =	sadd.s32 $0x20, s22  }
0x19a: {  	[tilespmem:s29], [sflag:$0x1] =	stream.linear.gather [hbm4b:s28+s3], $0x10, $0x38;
	[tilespmem:$0x18200] =	vst v63  }
0x19b: {  	s30 =	sadd.s32 $0x30, s22;
	s31 =	sadd.s32 $0x1F0, s26;
	s24 =	sadd.s32 $0x40, s22  }
0x19c: {  	[tilespmem:s31], [sflag:$0x1] =	stream.linear.gather [hbm4b:s30+s3], $0x10, $0x38;
	[tilespmem:$0x18200] =	vst v63  }
0x19d: {  	s25 =	sadd.s32 $0x270, s26;
	s28 =	sadd.s32 $0x50, s22;
	s29 =	sadd.s32 $0x2F0, s26  }
0x19e: {  	[tilespmem:s25], [sflag:$0x1] =	stream.linear.gather [hbm4b:s24+s3], $0x10, $0x38;
	[tilespmem:$0x18200] =	vst v63  }
0x19f: {  	s30 =	sadd.s32 $0x60, s22;
	s31 =	sadd.s32 $0x370, s26;
	s26 =	sadd.s32 $0x3F0, s26  }
0x1a0: {  	[tilespmem:s29], [sflag:$0x1] =	stream.linear.gather [hbm4b:s28+s3], $0x10, $0x38;
	[tilespmem:$0x18200] =	vst v63  }
0x1a1: {  	s24 =	simm.s32 $0x10000;
	s25 =	sadd.s32 $0x70, s22;
	s22 =	sadd.s32 $0xF4280, s22  }
0x1a2: {  	[tilespmem:s31], [sflag:$0x1] =	stream.linear.gather [hbm4b:s30+s3], $0x10, $0x38;
	[tilespmem:$0x18200] =	vst v63  }
.LBB2_18:
0x1a3: {  	[tilespmem:s26], [sflag:$0x1] =	stream.linear.gather [hbm4b:s25+s3], $0x10, $0x38;
	[tilespmem:$0x18200] =	vst v63  }
0x1a4: {  	s25 =	smov.u32 s24  }
0x1a5: {  	s28 =	sadd.s32 $0x8000, s24;
	s26 =	sadd.s32 s23, s21;
	s23 =	sshra.s32 s25, $0x2  }
0x1a6: {  	p0 =	sne.s32 s24, $0x38000;
	s24 =	sadd.s32 $0x70, s26  }
0x1a7: {  	[tilespmem:s24], [sflag:$0x1] =	stream.linear.gather [hbm4b:s22+s3], $0x10, $0x38;
	[tilespmem:$0x18200] =	vst v63  }
0x1a8: {  	s25 =	sadd.s32 $0xF0, s26;
	s24 =	sadd.s32 $0x10, s22  }
0x1a9: {  	[tilespmem:s25], [sflag:$0x1] =	stream.linear.gather [hbm4b:s24+s3], $0x10, $0x38;
	[tilespmem:$0x18200] =	vst v63  }
0x1aa: {  	s24 =	sadd.s32 $0x20, s22;
	s25 =	sadd.s32 $0x170, s26  }
0x1ab: {  	[tilespmem:s25], [sflag:$0x1] =	stream.linear.gather [hbm4b:s24+s3], $0x10, $0x38;
	[tilespmem:$0x18200] =	vst v63  }
0x1ac: {  	s24 =	sadd.s32 $0x30, s22;
	s25 =	sadd.s32 $0x1F0, s26  }
0x1ad: {  	[tilespmem:s25], [sflag:$0x1] =	stream.linear.gather [hbm4b:s24+s3], $0x10, $0x38;
	[tilespmem:$0x18200] =	vst v63  }
0x1ae: {  	s24 =	sadd.s32 $0x40, s22;
	s25 =	sadd.s32 $0x270, s26  }
0x1af: {  	[tilespmem:s25], [sflag:$0x1] =	stream.linear.gather [hbm4b:s24+s3], $0x10, $0x38;
	[tilespmem:$0x18200] =	vst v63  }
.Ltmp7:
0x1b0: {  	s24 =	sadd.s32 $0x50, s22;
	s25 =	sadd.s32 $0x2F0, s26;
	(pc) =	sbr.rel @p0 .LBB2_18-.Ltmp7, $4  }
0x1b1: {  	[tilespmem:s25], [sflag:$0x1] =	stream.linear.gather [hbm4b:s24+s3], $0x10, $0x38;
	[tilespmem:$0x18200] =	vst v63  }
0x1b2: {  	s24 =	sadd.s32 $0x60, s22;
	s25 =	sadd.s32 $0x370, s26;
	s26 =	sadd.s32 $0x3F0, s26  }
0x1b3: {  	[tilespmem:s25], [sflag:$0x1] =	stream.linear.gather [hbm4b:s24+s3], $0x10, $0x38;
	[tilespmem:$0x18200] =	vst v63  }
0x1b4: {  	s25 =	sadd.s32 $0x70, s22;
	s22 =	sadd.s32 $0xF4280, s22;
	s24 =	smov.u32 s28  }
0x1b5: {  	[tilespmem:s26], [sflag:$0x1] =	stream.linear.gather [hbm4b:s25+s3], $0x10, $0x38;
	[tilespmem:$0x18200] =	vst v63  }
0x1b6: {  	s23 =	sadd.s32 s23, s21;
	(v2sf) =	vpush v3, $0x8  }
0x1b7: {  	s24 =	sadd.s32 $0x70, s23  }
0x1b8: {  	[tilespmem:s24], [sflag:$0x1] =	stream.linear.gather [hbm4b:s22+s3], $0x10, $0x38;
	[tilespmem:$0x18200] =	vst v63  }
0x1b9: {  	s28 =	sadd.s32 $0x10, s22;
	s29 =	sadd.s32 $0xF0, s23  }
0x1ba: {  	[tilespmem:s29], [sflag:$0x1] =	stream.linear.gather [hbm4b:s28+s3], $0x10, $0x38;
	[tilespmem:$0x18200] =	vst v63  }
0x1bb: {  	s30 =	sadd.s32 $0x20, s22;
	s31 =	sadd.s32 $0x170, s23  }
0x1bc: {  	[tilespmem:s31], [sflag:$0x1] =	stream.linear.gather [hbm4b:s30+s3], $0x10, $0x38;
	[tilespmem:$0x18200] =	vst v63  }
0x1bd: {  	s25 =	sadd.s32 $0x30, s22;
	s26 =	sadd.s32 $0x1F0, s23  }
0x1be: {  	[tilespmem:s26], [sflag:$0x1] =	stream.linear.gather [hbm4b:s25+s3], $0x10, $0x38;
	[tilespmem:$0x18200] =	vst v63  }
0x1bf: {  	s28 =	sadd.s32 $0x40, s22;
	s29 =	sadd.s32 $0x270, s23  }
0x1c0: {  	[tilespmem:s29], [sflag:$0x1] =	stream.linear.gather [hbm4b:s28+s3], $0x10, $0x38;
	[tilespmem:$0x18200] =	vst v63  }
0x1c1: {  	s30 =	sadd.s32 $0x50, s22;
	s31 =	sadd.s32 $0x2F0, s23  }
0x1c2: {  	[tilespmem:s31], [sflag:$0x1] =	stream.linear.gather [hbm4b:s30+s3], $0x10, $0x38;
	[tilespmem:$0x18200] =	vst v63  }
0x1c3: {  	s25 =	sadd.s32 $0x60, s22;
	s26 =	sadd.s32 $0x370, s23  }
0x1c4: {  	[tilespmem:s26], [sflag:$0x1] =	stream.linear.gather [hbm4b:s25+s3], $0x10, $0x38;
	[tilespmem:$0x18200] =	vst v63  }
0x1c5: {  	s23 =	sadd.s32 $0x3F0, s23;
	s28 =	sadd.s32 $0x70, s22;
	s29 =	spop (v2sf)  }
0x1c6: {  	[tilespmem:s23], [sflag:$0x1] =	stream.linear.gather [hbm4b:s28+s3], $0x10, $0x38;
	[tilespmem:$0x18200] =	vst v63  }
0x1c7: {  	s30 =	sshll.u32 s29, $0x7;
	s22 =	sshll.u32 s29, $0x4  }
0x1c8: {  	s23 =	sand.u32 $0xFFFFFC00, s30;
	s22 =	sand.u32 $0x70, s22  }
0x1c9: {  	s22 =	sor.u32 s22, s23  }
0x1ca: {  	s26 =	sadd.s32 $0x0, s21;
	s22 =	sshrl.u32 s22, $0x3  }
0x1cb: {  	s31 =	sadd.s32 $0x400, s26;
	s22 =	sadd.s32 s2, s22  }
0x1cc: {  	[tilespmem:s31], [sflag:$0x1] =	stream.linear.gather [hbm4b:s22+s3], $0x10, $0x38;
	[tilespmem:$0x18200] =	vst v63  }
0x1cd: {  	s25 =	sadd.s32 $0x480, s26;
	s24 =	sadd.s32 $0x10, s22  }
0x1ce: {  	[tilespmem:s25], [sflag:$0x1] =	stream.linear.gather [hbm4b:s24+s3], $0x10, $0x38;
	[tilespmem:$0x18200] =	vst v63  }
0x1cf: {  	s29 =	sadd.s32 $0x500, s26;
	s23 =	simm.s32 $0x2000;
	s28 =	sadd.s32 $0x20, s22  }
0x1d0: {  	[tilespmem:s29], [sflag:$0x1] =	stream.linear.gather [hbm4b:s28+s3], $0x10, $0x38;
	[tilespmem:$0x18200] =	vst v63  }
0x1d1: {  	s30 =	sadd.s32 $0x30, s22;
	s31 =	sadd.s32 $0x580, s26;
	s24 =	sadd.s32 $0x40, s22  }
0x1d2: {  	[tilespmem:s31], [sflag:$0x1] =	stream.linear.gather [hbm4b:s30+s3], $0x10, $0x38;
	[tilespmem:$0x18200] =	vst v63  }
0x1d3: {  	s25 =	sadd.s32 $0x600, s26;
	s28 =	sadd.s32 $0x50, s22;
	s29 =	sadd.s32 $0x680, s26  }
0x1d4: {  	[tilespmem:s25], [sflag:$0x1] =	stream.linear.gather [hbm4b:s24+s3], $0x10, $0x38;
	[tilespmem:$0x18200] =	vst v63  }
0x1d5: {  	s30 =	sadd.s32 $0x60, s22;
	s31 =	sadd.s32 $0x700, s26;
	s26 =	sadd.s32 $0x780, s26  }
0x1d6: {  	[tilespmem:s29], [sflag:$0x1] =	stream.linear.gather [hbm4b:s28+s3], $0x10, $0x38;
	[tilespmem:$0x18200] =	vst v63  }
0x1d7: {  	s24 =	simm.s32 $0x10000;
	s25 =	sadd.s32 $0x70, s22;
	s22 =	sadd.s32 $0xF4280, s22  }
0x1d8: {  	[tilespmem:s31], [sflag:$0x1] =	stream.linear.gather [hbm4b:s30+s3], $0x10, $0x38;
	[tilespmem:$0x18200] =	vst v63  }
.LBB2_20:
0x1d9: {  	[tilespmem:s26], [sflag:$0x1] =	stream.linear.gather [hbm4b:s25+s3], $0x10, $0x38;
	[tilespmem:$0x18200] =	vst v63  }
0x1da: {  	s25 =	smov.u32 s24  }
0x1db: {  	s28 =	sadd.s32 $0x8000, s24;
	s26 =	sadd.s32 s23, s21;
	s23 =	sshra.s32 s25, $0x2  }
0x1dc: {  	p0 =	sne.s32 s24, $0x38000;
	s24 =	sadd.s32 $0x400, s26  }
0x1dd: {  	[tilespmem:s24], [sflag:$0x1] =	stream.linear.gather [hbm4b:s22+s3], $0x10, $0x38;
	[tilespmem:$0x18200] =	vst v63  }
0x1de: {  	s25 =	sadd.s32 $0x480, s26;
	s24 =	sadd.s32 $0x10, s22  }
0x1df: {  	[tilespmem:s25], [sflag:$0x1] =	stream.linear.gather [hbm4b:s24+s3], $0x10, $0x38;
	[tilespmem:$0x18200] =	vst v63  }
0x1e0: {  	s24 =	sadd.s32 $0x20, s22;
	s25 =	sadd.s32 $0x500, s26  }
0x1e1: {  	[tilespmem:s25], [sflag:$0x1] =	stream.linear.gather [hbm4b:s24+s3], $0x10, $0x38;
	[tilespmem:$0x18200] =	vst v63  }
0x1e2: {  	s24 =	sadd.s32 $0x30, s22;
	s25 =	sadd.s32 $0x580, s26  }
0x1e3: {  	[tilespmem:s25], [sflag:$0x1] =	stream.linear.gather [hbm4b:s24+s3], $0x10, $0x38;
	[tilespmem:$0x18200] =	vst v63  }
0x1e4: {  	s24 =	sadd.s32 $0x40, s22;
	s25 =	sadd.s32 $0x600, s26  }
0x1e5: {  	[tilespmem:s25], [sflag:$0x1] =	stream.linear.gather [hbm4b:s24+s3], $0x10, $0x38;
	[tilespmem:$0x18200] =	vst v63  }
.Ltmp8:
0x1e6: {  	s24 =	sadd.s32 $0x50, s22;
	s25 =	sadd.s32 $0x680, s26;
	(pc) =	sbr.rel @p0 .LBB2_20-.Ltmp8, $4  }
0x1e7: {  	[tilespmem:s25], [sflag:$0x1] =	stream.linear.gather [hbm4b:s24+s3], $0x10, $0x38;
	[tilespmem:$0x18200] =	vst v63  }
0x1e8: {  	s24 =	sadd.s32 $0x60, s22;
	s25 =	sadd.s32 $0x700, s26;
	s26 =	sadd.s32 $0x780, s26  }
0x1e9: {  	[tilespmem:s25], [sflag:$0x1] =	stream.linear.gather [hbm4b:s24+s3], $0x10, $0x38;
	[tilespmem:$0x18200] =	vst v63  }
0x1ea: {  	s25 =	sadd.s32 $0x70, s22;
	s22 =	sadd.s32 $0xF4280, s22;
	s24 =	smov.u32 s28  }
0x1eb: {  	[tilespmem:s26], [sflag:$0x1] =	stream.linear.gather [hbm4b:s25+s3], $0x10, $0x38;
	[tilespmem:$0x18200] =	vst v63  }
0x1ec: {  	s23 =	sadd.s32 s23, s21;
	(v2sf) =	vpush v3, $0x9  }
0x1ed: {  	s24 =	sadd.s32 $0x400, s23  }
0x1ee: {  	[tilespmem:s24], [sflag:$0x1] =	stream.linear.gather [hbm4b:s22+s3], $0x10, $0x38;
	[tilespmem:$0x18200] =	vst v63  }
0x1ef: {  	s28 =	sadd.s32 $0x10, s22;
	s29 =	sadd.s32 $0x480, s23  }
0x1f0: {  	[tilespmem:s29], [sflag:$0x1] =	stream.linear.gather [hbm4b:s28+s3], $0x10, $0x38;
	[tilespmem:$0x18200] =	vst v63  }
0x1f1: {  	s30 =	sadd.s32 $0x20, s22;
	s31 =	sadd.s32 $0x500, s23  }
0x1f2: {  	[tilespmem:s31], [sflag:$0x1] =	stream.linear.gather [hbm4b:s30+s3], $0x10, $0x38;
	[tilespmem:$0x18200] =	vst v63  }
0x1f3: {  	s25 =	sadd.s32 $0x30, s22;
	s26 =	sadd.s32 $0x580, s23  }
0x1f4: {  	[tilespmem:s26], [sflag:$0x1] =	stream.linear.gather [hbm4b:s25+s3], $0x10, $0x38;
	[tilespmem:$0x18200] =	vst v63  }
0x1f5: {  	s28 =	sadd.s32 $0x40, s22;
	s29 =	sadd.s32 $0x600, s23  }
0x1f6: {  	[tilespmem:s29], [sflag:$0x1] =	stream.linear.gather [hbm4b:s28+s3], $0x10, $0x38;
	[tilespmem:$0x18200] =	vst v63  }
0x1f7: {  	s30 =	sadd.s32 $0x50, s22;
	s31 =	sadd.s32 $0x680, s23  }
0x1f8: {  	[tilespmem:s31], [sflag:$0x1] =	stream.linear.gather [hbm4b:s30+s3], $0x10, $0x38;
	[tilespmem:$0x18200] =	vst v63  }
0x1f9: {  	s25 =	sadd.s32 $0x60, s22;
	s26 =	sadd.s32 $0x700, s23  }
0x1fa: {  	[tilespmem:s26], [sflag:$0x1] =	stream.linear.gather [hbm4b:s25+s3], $0x10, $0x38;
	[tilespmem:$0x18200] =	vst v63  }
0x1fb: {  	s23 =	sadd.s32 $0x780, s23;
	s28 =	sadd.s32 $0x70, s22;
	s29 =	spop (v2sf)  }
0x1fc: {  	[tilespmem:s23], [sflag:$0x1] =	stream.linear.gather [hbm4b:s28+s3], $0x10, $0x38;
	[tilespmem:$0x18200] =	vst v63  }
0x1fd: {  	s30 =	sshll.u32 s29, $0x7;
	s22 =	sshll.u32 s29, $0x4  }
0x1fe: {  	s23 =	sand.u32 $0xFFFFFC00, s30;
	s22 =	sand.u32 $0x70, s22  }
0x1ff: {  	s22 =	sor.u32 s22, s23  }
0x200: {  	s26 =	sadd.s32 $0x0, s21;
	s22 =	sshrl.u32 s22, $0x3  }
0x201: {  	s31 =	sadd.s32 $0x410, s26;
	s22 =	sadd.s32 s2, s22  }
0x202: {  	[tilespmem:s31], [sflag:$0x1] =	stream.linear.gather [hbm4b:s22+s3], $0x10, $0x38;
	[tilespmem:$0x18200] =	vst v63  }
0x203: {  	s25 =	sadd.s32 $0x490, s26;
	s24 =	sadd.s32 $0x10, s22  }
0x204: {  	[tilespmem:s25], [sflag:$0x1] =	stream.linear.gather [hbm4b:s24+s3], $0x10, $0x38;
	[tilespmem:$0x18200] =	vst v63  }
0x205: {  	s29 =	sadd.s32 $0x510, s26;
	s23 =	simm.s32 $0x2000;
	s28 =	sadd.s32 $0x20, s22  }
0x206: {  	[tilespmem:s29], [sflag:$0x1] =	stream.linear.gather [hbm4b:s28+s3], $0x10, $0x38;
	[tilespmem:$0x18200] =	vst v63  }
0x207: {  	s30 =	sadd.s32 $0x30, s22;
	s31 =	sadd.s32 $0x590, s26;
	s24 =	sadd.s32 $0x40, s22  }
0x208: {  	[tilespmem:s31], [sflag:$0x1] =	stream.linear.gather [hbm4b:s30+s3], $0x10, $0x38;
	[tilespmem:$0x18200] =	vst v63  }
0x209: {  	s25 =	sadd.s32 $0x610, s26;
	s28 =	sadd.s32 $0x50, s22;
	s29 =	sadd.s32 $0x690, s26  }
0x20a: {  	[tilespmem:s25], [sflag:$0x1] =	stream.linear.gather [hbm4b:s24+s3], $0x10, $0x38;
	[tilespmem:$0x18200] =	vst v63  }
0x20b: {  	s30 =	sadd.s32 $0x60, s22;
	s31 =	sadd.s32 $0x710, s26;
	s26 =	sadd.s32 $0x790, s26  }
0x20c: {  	[tilespmem:s29], [sflag:$0x1] =	stream.linear.gather [hbm4b:s28+s3], $0x10, $0x38;
	[tilespmem:$0x18200] =	vst v63  }
0x20d: {  	s24 =	simm.s32 $0x10000;
	s25 =	sadd.s32 $0x70, s22;
	s22 =	sadd.s32 $0xF4280, s22  }
0x20e: {  	[tilespmem:s31], [sflag:$0x1] =	stream.linear.gather [hbm4b:s30+s3], $0x10, $0x38;
	[tilespmem:$0x18200] =	vst v63  }
.LBB2_22:
0x20f: {  	[tilespmem:s26], [sflag:$0x1] =	stream.linear.gather [hbm4b:s25+s3], $0x10, $0x38;
	[tilespmem:$0x18200] =	vst v63  }
0x210: {  	s25 =	smov.u32 s24  }
0x211: {  	s28 =	sadd.s32 $0x8000, s24;
	s26 =	sadd.s32 s23, s21;
	s23 =	sshra.s32 s25, $0x2  }
0x212: {  	p0 =	sne.s32 s24, $0x38000;
	s24 =	sadd.s32 $0x410, s26  }
0x213: {  	[tilespmem:s24], [sflag:$0x1] =	stream.linear.gather [hbm4b:s22+s3], $0x10, $0x38;
	[tilespmem:$0x18200] =	vst v63  }
0x214: {  	s25 =	sadd.s32 $0x490, s26;
	s24 =	sadd.s32 $0x10, s22  }
0x215: {  	[tilespmem:s25], [sflag:$0x1] =	stream.linear.gather [hbm4b:s24+s3], $0x10, $0x38;
	[tilespmem:$0x18200] =	vst v63  }
0x216: {  	s24 =	sadd.s32 $0x20, s22;
	s25 =	sadd.s32 $0x510, s26  }
0x217: {  	[tilespmem:s25], [sflag:$0x1] =	stream.linear.gather [hbm4b:s24+s3], $0x10, $0x38;
	[tilespmem:$0x18200] =	vst v63  }
0x218: {  	s24 =	sadd.s32 $0x30, s22;
	s25 =	sadd.s32 $0x590, s26  }
0x219: {  	[tilespmem:s25], [sflag:$0x1] =	stream.linear.gather [hbm4b:s24+s3], $0x10, $0x38;
	[tilespmem:$0x18200] =	vst v63  }
0x21a: {  	s24 =	sadd.s32 $0x40, s22;
	s25 =	sadd.s32 $0x610, s26  }
0x21b: {  	[tilespmem:s25], [sflag:$0x1] =	stream.linear.gather [hbm4b:s24+s3], $0x10, $0x38;
	[tilespmem:$0x18200] =	vst v63  }
.Ltmp9:
0x21c: {  	s24 =	sadd.s32 $0x50, s22;
	s25 =	sadd.s32 $0x690, s26;
	(pc) =	sbr.rel @p0 .LBB2_22-.Ltmp9, $4  }
0x21d: {  	[tilespmem:s25], [sflag:$0x1] =	stream.linear.gather [hbm4b:s24+s3], $0x10, $0x38;
	[tilespmem:$0x18200] =	vst v63  }
0x21e: {  	s24 =	sadd.s32 $0x60, s22;
	s25 =	sadd.s32 $0x710, s26;
	s26 =	sadd.s32 $0x790, s26  }
0x21f: {  	[tilespmem:s25], [sflag:$0x1] =	stream.linear.gather [hbm4b:s24+s3], $0x10, $0x38;
	[tilespmem:$0x18200] =	vst v63  }
0x220: {  	s25 =	sadd.s32 $0x70, s22;
	s22 =	sadd.s32 $0xF4280, s22;
	s24 =	smov.u32 s28  }
0x221: {  	[tilespmem:s26], [sflag:$0x1] =	stream.linear.gather [hbm4b:s25+s3], $0x10, $0x38;
	[tilespmem:$0x18200] =	vst v63  }
0x222: {  	s23 =	sadd.s32 s23, s21;
	(v2sf) =	vpush v3, $0xA  }
0x223: {  	s24 =	sadd.s32 $0x410, s23  }
0x224: {  	[tilespmem:s24], [sflag:$0x1] =	stream.linear.gather [hbm4b:s22+s3], $0x10, $0x38;
	[tilespmem:$0x18200] =	vst v63  }
0x225: {  	s28 =	sadd.s32 $0x10, s22;
	s29 =	sadd.s32 $0x490, s23  }
0x226: {  	[tilespmem:s29], [sflag:$0x1] =	stream.linear.gather [hbm4b:s28+s3], $0x10, $0x38;
	[tilespmem:$0x18200] =	vst v63  }
0x227: {  	s30 =	sadd.s32 $0x20, s22;
	s31 =	sadd.s32 $0x510, s23  }
0x228: {  	[tilespmem:s31], [sflag:$0x1] =	stream.linear.gather [hbm4b:s30+s3], $0x10, $0x38;
	[tilespmem:$0x18200] =	vst v63  }
0x229: {  	s25 =	sadd.s32 $0x30, s22;
	s26 =	sadd.s32 $0x590, s23  }
0x22a: {  	[tilespmem:s26], [sflag:$0x1] =	stream.linear.gather [hbm4b:s25+s3], $0x10, $0x38;
	[tilespmem:$0x18200] =	vst v63  }
0x22b: {  	s28 =	sadd.s32 $0x40, s22;
	s29 =	sadd.s32 $0x610, s23  }
0x22c: {  	[tilespmem:s29], [sflag:$0x1] =	stream.linear.gather [hbm4b:s28+s3], $0x10, $0x38;
	[tilespmem:$0x18200] =	vst v63  }
0x22d: {  	s30 =	sadd.s32 $0x50, s22;
	s31 =	sadd.s32 $0x690, s23  }
0x22e: {  	[tilespmem:s31], [sflag:$0x1] =	stream.linear.gather [hbm4b:s30+s3], $0x10, $0x38;
	[tilespmem:$0x18200] =	vst v63  }
0x22f: {  	s25 =	sadd.s32 $0x60, s22;
	s26 =	sadd.s32 $0x710, s23  }
0x230: {  	[tilespmem:s26], [sflag:$0x1] =	stream.linear.gather [hbm4b:s25+s3], $0x10, $0x38;
	[tilespmem:$0x18200] =	vst v63  }
0x231: {  	s23 =	sadd.s32 $0x790, s23;
	s28 =	sadd.s32 $0x70, s22;
	s29 =	spop (v2sf)  }
0x232: {  	[tilespmem:s23], [sflag:$0x1] =	stream.linear.gather [hbm4b:s28+s3], $0x10, $0x38;
	[tilespmem:$0x18200] =	vst v63  }
0x233: {  	s30 =	sshll.u32 s29, $0x7;
	s22 =	sshll.u32 s29, $0x4  }
0x234: {  	s23 =	sand.u32 $0xFFFFFC00, s30;
	s22 =	sand.u32 $0x70, s22  }
0x235: {  	s22 =	sor.u32 s22, s23  }
0x236: {  	s26 =	sadd.s32 $0x0, s21;
	s22 =	sshrl.u32 s22, $0x3  }
0x237: {  	s31 =	sadd.s32 $0x420, s26;
	s22 =	sadd.s32 s2, s22  }
0x238: {  	[tilespmem:s31], [sflag:$0x1] =	stream.linear.gather [hbm4b:s22+s3], $0x10, $0x38;
	[tilespmem:$0x18200] =	vst v63  }
0x239: {  	s25 =	sadd.s32 $0x4A0, s26;
	s24 =	sadd.s32 $0x10, s22  }
0x23a: {  	[tilespmem:s25], [sflag:$0x1] =	stream.linear.gather [hbm4b:s24+s3], $0x10, $0x38;
	[tilespmem:$0x18200] =	vst v63  }
0x23b: {  	s29 =	sadd.s32 $0x520, s26;
	s23 =	simm.s32 $0x2000;
	s28 =	sadd.s32 $0x20, s22  }
0x23c: {  	[tilespmem:s29], [sflag:$0x1] =	stream.linear.gather [hbm4b:s28+s3], $0x10, $0x38;
	[tilespmem:$0x18200] =	vst v63  }
0x23d: {  	s30 =	sadd.s32 $0x30, s22;
	s31 =	sadd.s32 $0x5A0, s26;
	s24 =	sadd.s32 $0x40, s22  }
0x23e: {  	[tilespmem:s31], [sflag:$0x1] =	stream.linear.gather [hbm4b:s30+s3], $0x10, $0x38;
	[tilespmem:$0x18200] =	vst v63  }
0x23f: {  	s25 =	sadd.s32 $0x620, s26;
	s28 =	sadd.s32 $0x50, s22;
	s29 =	sadd.s32 $0x6A0, s26  }
0x240: {  	[tilespmem:s25], [sflag:$0x1] =	stream.linear.gather [hbm4b:s24+s3], $0x10, $0x38;
	[tilespmem:$0x18200] =	vst v63  }
0x241: {  	s30 =	sadd.s32 $0x60, s22;
	s31 =	sadd.s32 $0x720, s26;
	s26 =	sadd.s32 $0x7A0, s26  }
0x242: {  	[tilespmem:s29], [sflag:$0x1] =	stream.linear.gather [hbm4b:s28+s3], $0x10, $0x38;
	[tilespmem:$0x18200] =	vst v63  }
0x243: {  	s24 =	simm.s32 $0x10000;
	s25 =	sadd.s32 $0x70, s22;
	s22 =	sadd.s32 $0xF4280, s22  }
0x244: {  	[tilespmem:s31], [sflag:$0x1] =	stream.linear.gather [hbm4b:s30+s3], $0x10, $0x38;
	[tilespmem:$0x18200] =	vst v63  }
.LBB2_24:
0x245: {  	[tilespmem:s26], [sflag:$0x1] =	stream.linear.gather [hbm4b:s25+s3], $0x10, $0x38;
	[tilespmem:$0x18200] =	vst v63  }
0x246: {  	s25 =	smov.u32 s24  }
0x247: {  	s28 =	sadd.s32 $0x8000, s24;
	s26 =	sadd.s32 s23, s21;
	s23 =	sshra.s32 s25, $0x2  }
0x248: {  	p0 =	sne.s32 s24, $0x38000;
	s24 =	sadd.s32 $0x420, s26  }
0x249: {  	[tilespmem:s24], [sflag:$0x1] =	stream.linear.gather [hbm4b:s22+s3], $0x10, $0x38;
	[tilespmem:$0x18200] =	vst v63  }
0x24a: {  	s25 =	sadd.s32 $0x4A0, s26;
	s24 =	sadd.s32 $0x10, s22  }
0x24b: {  	[tilespmem:s25], [sflag:$0x1] =	stream.linear.gather [hbm4b:s24+s3], $0x10, $0x38;
	[tilespmem:$0x18200] =	vst v63  }
0x24c: {  	s24 =	sadd.s32 $0x20, s22;
	s25 =	sadd.s32 $0x520, s26  }
0x24d: {  	[tilespmem:s25], [sflag:$0x1] =	stream.linear.gather [hbm4b:s24+s3], $0x10, $0x38;
	[tilespmem:$0x18200] =	vst v63  }
0x24e: {  	s24 =	sadd.s32 $0x30, s22;
	s25 =	sadd.s32 $0x5A0, s26  }
0x24f: {  	[tilespmem:s25], [sflag:$0x1] =	stream.linear.gather [hbm4b:s24+s3], $0x10, $0x38;
	[tilespmem:$0x18200] =	vst v63  }
0x250: {  	s24 =	sadd.s32 $0x40, s22;
	s25 =	sadd.s32 $0x620, s26  }
0x251: {  	[tilespmem:s25], [sflag:$0x1] =	stream.linear.gather [hbm4b:s24+s3], $0x10, $0x38;
	[tilespmem:$0x18200] =	vst v63  }
.Ltmp10:
0x252: {  	s24 =	sadd.s32 $0x50, s22;
	s25 =	sadd.s32 $0x6A0, s26;
	(pc) =	sbr.rel @p0 .LBB2_24-.Ltmp10, $4  }
0x253: {  	[tilespmem:s25], [sflag:$0x1] =	stream.linear.gather [hbm4b:s24+s3], $0x10, $0x38;
	[tilespmem:$0x18200] =	vst v63  }
0x254: {  	s24 =	sadd.s32 $0x60, s22;
	s25 =	sadd.s32 $0x720, s26;
	s26 =	sadd.s32 $0x7A0, s26  }
0x255: {  	[tilespmem:s25], [sflag:$0x1] =	stream.linear.gather [hbm4b:s24+s3], $0x10, $0x38;
	[tilespmem:$0x18200] =	vst v63  }
0x256: {  	s25 =	sadd.s32 $0x70, s22;
	s22 =	sadd.s32 $0xF4280, s22;
	s24 =	smov.u32 s28  }
0x257: {  	[tilespmem:s26], [sflag:$0x1] =	stream.linear.gather [hbm4b:s25+s3], $0x10, $0x38;
	[tilespmem:$0x18200] =	vst v63  }
0x258: {  	s23 =	sadd.s32 s23, s21;
	(v2sf) =	vpush v3, $0xB  }
0x259: {  	s24 =	sadd.s32 $0x420, s23  }
0x25a: {  	[tilespmem:s24], [sflag:$0x1] =	stream.linear.gather [hbm4b:s22+s3], $0x10, $0x38;
	[tilespmem:$0x18200] =	vst v63  }
0x25b: {  	s28 =	sadd.s32 $0x10, s22;
	s29 =	sadd.s32 $0x4A0, s23  }
0x25c: {  	[tilespmem:s29], [sflag:$0x1] =	stream.linear.gather [hbm4b:s28+s3], $0x10, $0x38;
	[tilespmem:$0x18200] =	vst v63  }
0x25d: {  	s30 =	sadd.s32 $0x20, s22;
	s31 =	sadd.s32 $0x520, s23  }
0x25e: {  	[tilespmem:s31], [sflag:$0x1] =	stream.linear.gather [hbm4b:s30+s3], $0x10, $0x38;
	[tilespmem:$0x18200] =	vst v63  }
0x25f: {  	s25 =	sadd.s32 $0x30, s22;
	s26 =	sadd.s32 $0x5A0, s23  }
0x260: {  	[tilespmem:s26], [sflag:$0x1] =	stream.linear.gather [hbm4b:s25+s3], $0x10, $0x38;
	[tilespmem:$0x18200] =	vst v63  }
0x261: {  	s28 =	sadd.s32 $0x40, s22;
	s29 =	sadd.s32 $0x620, s23  }
0x262: {  	[tilespmem:s29], [sflag:$0x1] =	stream.linear.gather [hbm4b:s28+s3], $0x10, $0x38;
	[tilespmem:$0x18200] =	vst v63  }
0x263: {  	s30 =	sadd.s32 $0x50, s22;
	s31 =	sadd.s32 $0x6A0, s23  }
0x264: {  	[tilespmem:s31], [sflag:$0x1] =	stream.linear.gather [hbm4b:s30+s3], $0x10, $0x38;
	[tilespmem:$0x18200] =	vst v63  }
0x265: {  	s25 =	sadd.s32 $0x60, s22;
	s26 =	sadd.s32 $0x720, s23  }
0x266: {  	[tilespmem:s26], [sflag:$0x1] =	stream.linear.gather [hbm4b:s25+s3], $0x10, $0x38;
	[tilespmem:$0x18200] =	vst v63  }
0x267: {  	s23 =	sadd.s32 $0x7A0, s23;
	s28 =	sadd.s32 $0x70, s22;
	s29 =	spop (v2sf)  }
0x268: {  	[tilespmem:s23], [sflag:$0x1] =	stream.linear.gather [hbm4b:s28+s3], $0x10, $0x38;
	[tilespmem:$0x18200] =	vst v63  }
0x269: {  	s30 =	sshll.u32 s29, $0x7;
	s22 =	sshll.u32 s29, $0x4  }
0x26a: {  	s23 =	sand.u32 $0xFFFFFC00, s30;
	s22 =	sand.u32 $0x70, s22  }
0x26b: {  	s22 =	sor.u32 s22, s23  }
0x26c: {  	s26 =	sadd.s32 $0x0, s21;
	s22 =	sshrl.u32 s22, $0x3  }
0x26d: {  	s31 =	sadd.s32 $0x430, s26;
	s22 =	sadd.s32 s2, s22  }
0x26e: {  	[tilespmem:s31], [sflag:$0x1] =	stream.linear.gather [hbm4b:s22+s3], $0x10, $0x38;
	[tilespmem:$0x18200] =	vst v63  }
0x26f: {  	s25 =	sadd.s32 $0x4B0, s26;
	s24 =	sadd.s32 $0x10, s22  }
0x270: {  	[tilespmem:s25], [sflag:$0x1] =	stream.linear.gather [hbm4b:s24+s3], $0x10, $0x38;
	[tilespmem:$0x18200] =	vst v63  }
0x271: {  	s29 =	sadd.s32 $0x530, s26;
	s23 =	simm.s32 $0x2000;
	s28 =	sadd.s32 $0x20, s22  }
0x272: {  	[tilespmem:s29], [sflag:$0x1] =	stream.linear.gather [hbm4b:s28+s3], $0x10, $0x38;
	[tilespmem:$0x18200] =	vst v63  }
0x273: {  	s30 =	sadd.s32 $0x30, s22;
	s31 =	sadd.s32 $0x5B0, s26;
	s24 =	sadd.s32 $0x40, s22  }
0x274: {  	[tilespmem:s31], [sflag:$0x1] =	stream.linear.gather [hbm4b:s30+s3], $0x10, $0x38;
	[tilespmem:$0x18200] =	vst v63  }
0x275: {  	s25 =	sadd.s32 $0x630, s26;
	s28 =	sadd.s32 $0x50, s22;
	s29 =	sadd.s32 $0x6B0, s26  }
0x276: {  	[tilespmem:s25], [sflag:$0x1] =	stream.linear.gather [hbm4b:s24+s3], $0x10, $0x38;
	[tilespmem:$0x18200] =	vst v63  }
0x277: {  	s30 =	sadd.s32 $0x60, s22;
	s31 =	sadd.s32 $0x730, s26;
	s26 =	sadd.s32 $0x7B0, s26  }
0x278: {  	[tilespmem:s29], [sflag:$0x1] =	stream.linear.gather [hbm4b:s28+s3], $0x10, $0x38;
	[tilespmem:$0x18200] =	vst v63  }
0x279: {  	s24 =	simm.s32 $0x10000;
	s25 =	sadd.s32 $0x70, s22;
	s22 =	sadd.s32 $0xF4280, s22  }
0x27a: {  	[tilespmem:s31], [sflag:$0x1] =	stream.linear.gather [hbm4b:s30+s3], $0x10, $0x38;
	[tilespmem:$0x18200] =	vst v63  }
.LBB2_26:
0x27b: {  	[tilespmem:s26], [sflag:$0x1] =	stream.linear.gather [hbm4b:s25+s3], $0x10, $0x38;
	[tilespmem:$0x18200] =	vst v63  }
0x27c: {  	s25 =	smov.u32 s24  }
0x27d: {  	s28 =	sadd.s32 $0x8000, s24;
	s26 =	sadd.s32 s23, s21;
	s23 =	sshra.s32 s25, $0x2  }
0x27e: {  	p0 =	sne.s32 s24, $0x38000;
	s24 =	sadd.s32 $0x430, s26  }
0x27f: {  	[tilespmem:s24], [sflag:$0x1] =	stream.linear.gather [hbm4b:s22+s3], $0x10, $0x38;
	[tilespmem:$0x18200] =	vst v63  }
0x280: {  	s25 =	sadd.s32 $0x4B0, s26;
	s24 =	sadd.s32 $0x10, s22  }
0x281: {  	[tilespmem:s25], [sflag:$0x1] =	stream.linear.gather [hbm4b:s24+s3], $0x10, $0x38;
	[tilespmem:$0x18200] =	vst v63  }
0x282: {  	s24 =	sadd.s32 $0x20, s22;
	s25 =	sadd.s32 $0x530, s26  }
0x283: {  	[tilespmem:s25], [sflag:$0x1] =	stream.linear.gather [hbm4b:s24+s3], $0x10, $0x38;
	[tilespmem:$0x18200] =	vst v63  }
0x284: {  	s24 =	sadd.s32 $0x30, s22;
	s25 =	sadd.s32 $0x5B0, s26  }
0x285: {  	[tilespmem:s25], [sflag:$0x1] =	stream.linear.gather [hbm4b:s24+s3], $0x10, $0x38;
	[tilespmem:$0x18200] =	vst v63  }
0x286: {  	s24 =	sadd.s32 $0x40, s22;
	s25 =	sadd.s32 $0x630, s26  }
0x287: {  	[tilespmem:s25], [sflag:$0x1] =	stream.linear.gather [hbm4b:s24+s3], $0x10, $0x38;
	[tilespmem:$0x18200] =	vst v63  }
.Ltmp11:
0x288: {  	s24 =	sadd.s32 $0x50, s22;
	s25 =	sadd.s32 $0x6B0, s26;
	(pc) =	sbr.rel @p0 .LBB2_26-.Ltmp11, $4  }
0x289: {  	[tilespmem:s25], [sflag:$0x1] =	stream.linear.gather [hbm4b:s24+s3], $0x10, $0x38;
	[tilespmem:$0x18200] =	vst v63  }
0x28a: {  	s24 =	sadd.s32 $0x60, s22;
	s25 =	sadd.s32 $0x730, s26;
	s26 =	sadd.s32 $0x7B0, s26  }
0x28b: {  	[tilespmem:s25], [sflag:$0x1] =	stream.linear.gather [hbm4b:s24+s3], $0x10, $0x38;
	[tilespmem:$0x18200] =	vst v63  }
0x28c: {  	s25 =	sadd.s32 $0x70, s22;
	s22 =	sadd.s32 $0xF4280, s22;
	s24 =	smov.u32 s28  }
0x28d: {  	[tilespmem:s26], [sflag:$0x1] =	stream.linear.gather [hbm4b:s25+s3], $0x10, $0x38;
	[tilespmem:$0x18200] =	vst v63  }
0x28e: {  	s23 =	sadd.s32 s23, s21;
	(v2sf) =	vpush v3, $0xC  }
0x28f: {  	s24 =	sadd.s32 $0x430, s23  }
0x290: {  	[tilespmem:s24], [sflag:$0x1] =	stream.linear.gather [hbm4b:s22+s3], $0x10, $0x38;
	[tilespmem:$0x18200] =	vst v63  }
0x291: {  	s28 =	sadd.s32 $0x10, s22;
	s29 =	sadd.s32 $0x4B0, s23  }
0x292: {  	[tilespmem:s29], [sflag:$0x1] =	stream.linear.gather [hbm4b:s28+s3], $0x10, $0x38;
	[tilespmem:$0x18200] =	vst v63  }
0x293: {  	s30 =	sadd.s32 $0x20, s22;
	s31 =	sadd.s32 $0x530, s23  }
0x294: {  	[tilespmem:s31], [sflag:$0x1] =	stream.linear.gather [hbm4b:s30+s3], $0x10, $0x38;
	[tilespmem:$0x18200] =	vst v63  }
0x295: {  	s25 =	sadd.s32 $0x30, s22;
	s26 =	sadd.s32 $0x5B0, s23  }
0x296: {  	[tilespmem:s26], [sflag:$0x1] =	stream.linear.gather [hbm4b:s25+s3], $0x10, $0x38;
	[tilespmem:$0x18200] =	vst v63  }
0x297: {  	s28 =	sadd.s32 $0x40, s22;
	s29 =	sadd.s32 $0x630, s23  }
0x298: {  	[tilespmem:s29], [sflag:$0x1] =	stream.linear.gather [hbm4b:s28+s3], $0x10, $0x38;
	[tilespmem:$0x18200] =	vst v63  }
0x299: {  	s30 =	sadd.s32 $0x50, s22;
	s31 =	sadd.s32 $0x6B0, s23  }
0x29a: {  	[tilespmem:s31], [sflag:$0x1] =	stream.linear.gather [hbm4b:s30+s3], $0x10, $0x38;
	[tilespmem:$0x18200] =	vst v63  }
0x29b: {  	s25 =	sadd.s32 $0x60, s22;
	s26 =	sadd.s32 $0x730, s23  }
0x29c: {  	[tilespmem:s26], [sflag:$0x1] =	stream.linear.gather [hbm4b:s25+s3], $0x10, $0x38;
	[tilespmem:$0x18200] =	vst v63  }
0x29d: {  	s23 =	sadd.s32 $0x7B0, s23;
	s28 =	sadd.s32 $0x70, s22;
	s29 =	spop (v2sf)  }
0x29e: {  	[tilespmem:s23], [sflag:$0x1] =	stream.linear.gather [hbm4b:s28+s3], $0x10, $0x38;
	[tilespmem:$0x18200] =	vst v63  }
0x29f: {  	s30 =	sshll.u32 s29, $0x7;
	s22 =	sshll.u32 s29, $0x4  }
0x2a0: {  	s23 =	sand.u32 $0xFFFFFC00, s30;
	s22 =	sand.u32 $0x70, s22  }
0x2a1: {  	s22 =	sor.u32 s22, s23  }
0x2a2: {  	s26 =	sadd.s32 $0x0, s21;
	s22 =	sshrl.u32 s22, $0x3  }
0x2a3: {  	s31 =	sadd.s32 $0x440, s26;
	s22 =	sadd.s32 s2, s22  }
0x2a4: {  	[tilespmem:s31], [sflag:$0x1] =	stream.linear.gather [hbm4b:s22+s3], $0x10, $0x38;
	[tilespmem:$0x18200] =	vst v63  }
0x2a5: {  	s25 =	sadd.s32 $0x4C0, s26;
	s24 =	sadd.s32 $0x10, s22  }
0x2a6: {  	[tilespmem:s25], [sflag:$0x1] =	stream.linear.gather [hbm4b:s24+s3], $0x10, $0x38;
	[tilespmem:$0x18200] =	vst v63  }
0x2a7: {  	s29 =	sadd.s32 $0x540, s26;
	s23 =	simm.s32 $0x2000;
	s28 =	sadd.s32 $0x20, s22  }
0x2a8: {  	[tilespmem:s29], [sflag:$0x1] =	stream.linear.gather [hbm4b:s28+s3], $0x10, $0x38;
	[tilespmem:$0x18200] =	vst v63  }
0x2a9: {  	s30 =	sadd.s32 $0x30, s22;
	s31 =	sadd.s32 $0x5C0, s26;
	s24 =	sadd.s32 $0x40, s22  }
0x2aa: {  	[tilespmem:s31], [sflag:$0x1] =	stream.linear.gather [hbm4b:s30+s3], $0x10, $0x38;
	[tilespmem:$0x18200] =	vst v63  }
0x2ab: {  	s25 =	sadd.s32 $0x640, s26;
	s28 =	sadd.s32 $0x50, s22;
	s29 =	sadd.s32 $0x6C0, s26  }
0x2ac: {  	[tilespmem:s25], [sflag:$0x1] =	stream.linear.gather [hbm4b:s24+s3], $0x10, $0x38;
	[tilespmem:$0x18200] =	vst v63  }
0x2ad: {  	s30 =	sadd.s32 $0x60, s22;
	s31 =	sadd.s32 $0x740, s26;
	s26 =	sadd.s32 $0x7C0, s26  }
0x2ae: {  	[tilespmem:s29], [sflag:$0x1] =	stream.linear.gather [hbm4b:s28+s3], $0x10, $0x38;
	[tilespmem:$0x18200] =	vst v63  }
0x2af: {  	s24 =	simm.s32 $0x10000;
	s25 =	sadd.s32 $0x70, s22;
	s22 =	sadd.s32 $0xF4280, s22  }
0x2b0: {  	[tilespmem:s31], [sflag:$0x1] =	stream.linear.gather [hbm4b:s30+s3], $0x10, $0x38;
	[tilespmem:$0x18200] =	vst v63  }
.LBB2_28:
0x2b1: {  	[tilespmem:s26], [sflag:$0x1] =	stream.linear.gather [hbm4b:s25+s3], $0x10, $0x38;
	[tilespmem:$0x18200] =	vst v63  }
0x2b2: {  	s25 =	smov.u32 s24  }
0x2b3: {  	s28 =	sadd.s32 $0x8000, s24;
	s26 =	sadd.s32 s23, s21;
	s23 =	sshra.s32 s25, $0x2  }
0x2b4: {  	p0 =	sne.s32 s24, $0x38000;
	s24 =	sadd.s32 $0x440, s26  }
0x2b5: {  	[tilespmem:s24], [sflag:$0x1] =	stream.linear.gather [hbm4b:s22+s3], $0x10, $0x38;
	[tilespmem:$0x18200] =	vst v63  }
0x2b6: {  	s25 =	sadd.s32 $0x4C0, s26;
	s24 =	sadd.s32 $0x10, s22  }
0x2b7: {  	[tilespmem:s25], [sflag:$0x1] =	stream.linear.gather [hbm4b:s24+s3], $0x10, $0x38;
	[tilespmem:$0x18200] =	vst v63  }
0x2b8: {  	s24 =	sadd.s32 $0x20, s22;
	s25 =	sadd.s32 $0x540, s26  }
0x2b9: {  	[tilespmem:s25], [sflag:$0x1] =	stream.linear.gather [hbm4b:s24+s3], $0x10, $0x38;
	[tilespmem:$0x18200] =	vst v63  }
0x2ba: {  	s24 =	sadd.s32 $0x30, s22;
	s25 =	sadd.s32 $0x5C0, s26  }
0x2bb: {  	[tilespmem:s25], [sflag:$0x1] =	stream.linear.gather [hbm4b:s24+s3], $0x10, $0x38;
	[tilespmem:$0x18200] =	vst v63  }
0x2bc: {  	s24 =	sadd.s32 $0x40, s22;
	s25 =	sadd.s32 $0x640, s26  }
0x2bd: {  	[tilespmem:s25], [sflag:$0x1] =	stream.linear.gather [hbm4b:s24+s3], $0x10, $0x38;
	[tilespmem:$0x18200] =	vst v63  }
.Ltmp12:
0x2be: {  	s24 =	sadd.s32 $0x50, s22;
	s25 =	sadd.s32 $0x6C0, s26;
	(pc) =	sbr.rel @p0 .LBB2_28-.Ltmp12, $4  }
0x2bf: {  	[tilespmem:s25], [sflag:$0x1] =	stream.linear.gather [hbm4b:s24+s3], $0x10, $0x38;
	[tilespmem:$0x18200] =	vst v63  }
0x2c0: {  	s24 =	sadd.s32 $0x60, s22;
	s25 =	sadd.s32 $0x740, s26;
	s26 =	sadd.s32 $0x7C0, s26  }
0x2c1: {  	[tilespmem:s25], [sflag:$0x1] =	stream.linear.gather [hbm4b:s24+s3], $0x10, $0x38;
	[tilespmem:$0x18200] =	vst v63  }
0x2c2: {  	s25 =	sadd.s32 $0x70, s22;
	s22 =	sadd.s32 $0xF4280, s22;
	s24 =	smov.u32 s28  }
0x2c3: {  	[tilespmem:s26], [sflag:$0x1] =	stream.linear.gather [hbm4b:s25+s3], $0x10, $0x38;
	[tilespmem:$0x18200] =	vst v63  }
0x2c4: {  	s23 =	sadd.s32 s23, s21;
	(v2sf) =	vpush v3, $0xD  }
0x2c5: {  	s24 =	sadd.s32 $0x440, s23  }
0x2c6: {  	[tilespmem:s24], [sflag:$0x1] =	stream.linear.gather [hbm4b:s22+s3], $0x10, $0x38;
	[tilespmem:$0x18200] =	vst v63  }
0x2c7: {  	s28 =	sadd.s32 $0x10, s22;
	s29 =	sadd.s32 $0x4C0, s23  }
0x2c8: {  	[tilespmem:s29], [sflag:$0x1] =	stream.linear.gather [hbm4b:s28+s3], $0x10, $0x38;
	[tilespmem:$0x18200] =	vst v63  }
0x2c9: {  	s30 =	sadd.s32 $0x20, s22;
	s31 =	sadd.s32 $0x540, s23  }
0x2ca: {  	[tilespmem:s31], [sflag:$0x1] =	stream.linear.gather [hbm4b:s30+s3], $0x10, $0x38;
	[tilespmem:$0x18200] =	vst v63  }
0x2cb: {  	s25 =	sadd.s32 $0x30, s22;
	s26 =	sadd.s32 $0x5C0, s23  }
0x2cc: {  	[tilespmem:s26], [sflag:$0x1] =	stream.linear.gather [hbm4b:s25+s3], $0x10, $0x38;
	[tilespmem:$0x18200] =	vst v63  }
0x2cd: {  	s28 =	sadd.s32 $0x40, s22;
	s29 =	sadd.s32 $0x640, s23  }
0x2ce: {  	[tilespmem:s29], [sflag:$0x1] =	stream.linear.gather [hbm4b:s28+s3], $0x10, $0x38;
	[tilespmem:$0x18200] =	vst v63  }
0x2cf: {  	s30 =	sadd.s32 $0x50, s22;
	s31 =	sadd.s32 $0x6C0, s23  }
0x2d0: {  	[tilespmem:s31], [sflag:$0x1] =	stream.linear.gather [hbm4b:s30+s3], $0x10, $0x38;
	[tilespmem:$0x18200] =	vst v63  }
0x2d1: {  	s25 =	sadd.s32 $0x60, s22;
	s26 =	sadd.s32 $0x740, s23  }
0x2d2: {  	[tilespmem:s26], [sflag:$0x1] =	stream.linear.gather [hbm4b:s25+s3], $0x10, $0x38;
	[tilespmem:$0x18200] =	vst v63  }
0x2d3: {  	s23 =	sadd.s32 $0x7C0, s23;
	s28 =	sadd.s32 $0x70, s22;
	s29 =	spop (v2sf)  }
0x2d4: {  	[tilespmem:s23], [sflag:$0x1] =	stream.linear.gather [hbm4b:s28+s3], $0x10, $0x38;
	[tilespmem:$0x18200] =	vst v63  }
0x2d5: {  	s30 =	sshll.u32 s29, $0x7;
	s22 =	sshll.u32 s29, $0x4  }
0x2d6: {  	s23 =	sand.u32 $0xFFFFFC00, s30;
	s22 =	sand.u32 $0x70, s22  }
0x2d7: {  	s22 =	sor.u32 s22, s23  }
0x2d8: {  	s26 =	sadd.s32 $0x0, s21;
	s22 =	sshrl.u32 s22, $0x3  }
0x2d9: {  	s31 =	sadd.s32 $0x450, s26;
	s22 =	sadd.s32 s2, s22  }
0x2da: {  	[tilespmem:s31], [sflag:$0x1] =	stream.linear.gather [hbm4b:s22+s3], $0x10, $0x38;
	[tilespmem:$0x18200] =	vst v63  }
0x2db: {  	s25 =	sadd.s32 $0x4D0, s26;
	s24 =	sadd.s32 $0x10, s22  }
0x2dc: {  	[tilespmem:s25], [sflag:$0x1] =	stream.linear.gather [hbm4b:s24+s3], $0x10, $0x38;
	[tilespmem:$0x18200] =	vst v63  }
0x2dd: {  	s29 =	sadd.s32 $0x550, s26;
	s23 =	simm.s32 $0x2000;
	s28 =	sadd.s32 $0x20, s22  }
0x2de: {  	[tilespmem:s29], [sflag:$0x1] =	stream.linear.gather [hbm4b:s28+s3], $0x10, $0x38;
	[tilespmem:$0x18200] =	vst v63  }
0x2df: {  	s30 =	sadd.s32 $0x30, s22;
	s31 =	sadd.s32 $0x5D0, s26;
	s24 =	sadd.s32 $0x40, s22  }
0x2e0: {  	[tilespmem:s31], [sflag:$0x1] =	stream.linear.gather [hbm4b:s30+s3], $0x10, $0x38;
	[tilespmem:$0x18200] =	vst v63  }
0x2e1: {  	s25 =	sadd.s32 $0x650, s26;
	s28 =	sadd.s32 $0x50, s22;
	s29 =	sadd.s32 $0x6D0, s26  }
0x2e2: {  	[tilespmem:s25], [sflag:$0x1] =	stream.linear.gather [hbm4b:s24+s3], $0x10, $0x38;
	[tilespmem:$0x18200] =	vst v63  }
0x2e3: {  	s30 =	sadd.s32 $0x60, s22;
	s31 =	sadd.s32 $0x750, s26;
	s26 =	sadd.s32 $0x7D0, s26  }
0x2e4: {  	[tilespmem:s29], [sflag:$0x1] =	stream.linear.gather [hbm4b:s28+s3], $0x10, $0x38;
	[tilespmem:$0x18200] =	vst v63  }
0x2e5: {  	s24 =	simm.s32 $0x10000;
	s25 =	sadd.s32 $0x70, s22;
	s22 =	sadd.s32 $0xF4280, s22  }
0x2e6: {  	[tilespmem:s31], [sflag:$0x1] =	stream.linear.gather [hbm4b:s30+s3], $0x10, $0x38;
	[tilespmem:$0x18200] =	vst v63  }
.LBB2_30:
0x2e7: {  	[tilespmem:s26], [sflag:$0x1] =	stream.linear.gather [hbm4b:s25+s3], $0x10, $0x38;
	[tilespmem:$0x18200] =	vst v63  }
0x2e8: {  	s25 =	smov.u32 s24  }
0x2e9: {  	s28 =	sadd.s32 $0x8000, s24;
	s26 =	sadd.s32 s23, s21;
	s23 =	sshra.s32 s25, $0x2  }
0x2ea: {  	p0 =	sne.s32 s24, $0x38000;
	s24 =	sadd.s32 $0x450, s26  }
0x2eb: {  	[tilespmem:s24], [sflag:$0x1] =	stream.linear.gather [hbm4b:s22+s3], $0x10, $0x38;
	[tilespmem:$0x18200] =	vst v63  }
0x2ec: {  	s25 =	sadd.s32 $0x4D0, s26;
	s24 =	sadd.s32 $0x10, s22  }
0x2ed: {  	[tilespmem:s25], [sflag:$0x1] =	stream.linear.gather [hbm4b:s24+s3], $0x10, $0x38;
	[tilespmem:$0x18200] =	vst v63  }
0x2ee: {  	s24 =	sadd.s32 $0x20, s22;
	s25 =	sadd.s32 $0x550, s26  }
0x2ef: {  	[tilespmem:s25], [sflag:$0x1] =	stream.linear.gather [hbm4b:s24+s3], $0x10, $0x38;
	[tilespmem:$0x18200] =	vst v63  }
0x2f0: {  	s24 =	sadd.s32 $0x30, s22;
	s25 =	sadd.s32 $0x5D0, s26  }
0x2f1: {  	[tilespmem:s25], [sflag:$0x1] =	stream.linear.gather [hbm4b:s24+s3], $0x10, $0x38;
	[tilespmem:$0x18200] =	vst v63  }
0x2f2: {  	s24 =	sadd.s32 $0x40, s22;
	s25 =	sadd.s32 $0x650, s26  }
0x2f3: {  	[tilespmem:s25], [sflag:$0x1] =	stream.linear.gather [hbm4b:s24+s3], $0x10, $0x38;
	[tilespmem:$0x18200] =	vst v63  }
.Ltmp13:
0x2f4: {  	s24 =	sadd.s32 $0x50, s22;
	s25 =	sadd.s32 $0x6D0, s26;
	(pc) =	sbr.rel @p0 .LBB2_30-.Ltmp13, $4  }
0x2f5: {  	[tilespmem:s25], [sflag:$0x1] =	stream.linear.gather [hbm4b:s24+s3], $0x10, $0x38;
	[tilespmem:$0x18200] =	vst v63  }
0x2f6: {  	s24 =	sadd.s32 $0x60, s22;
	s25 =	sadd.s32 $0x750, s26;
	s26 =	sadd.s32 $0x7D0, s26  }
0x2f7: {  	[tilespmem:s25], [sflag:$0x1] =	stream.linear.gather [hbm4b:s24+s3], $0x10, $0x38;
	[tilespmem:$0x18200] =	vst v63  }
0x2f8: {  	s25 =	sadd.s32 $0x70, s22;
	s22 =	sadd.s32 $0xF4280, s22;
	s24 =	smov.u32 s28  }
0x2f9: {  	[tilespmem:s26], [sflag:$0x1] =	stream.linear.gather [hbm4b:s25+s3], $0x10, $0x38;
	[tilespmem:$0x18200] =	vst v63  }
0x2fa: {  	s23 =	sadd.s32 s23, s21;
	(v2sf) =	vpush v3, $0xE  }
0x2fb: {  	s24 =	sadd.s32 $0x450, s23  }
0x2fc: {  	[tilespmem:s24], [sflag:$0x1] =	stream.linear.gather [hbm4b:s22+s3], $0x10, $0x38;
	[tilespmem:$0x18200] =	vst v63  }
0x2fd: {  	s28 =	sadd.s32 $0x10, s22;
	s29 =	sadd.s32 $0x4D0, s23  }
0x2fe: {  	[tilespmem:s29], [sflag:$0x1] =	stream.linear.gather [hbm4b:s28+s3], $0x10, $0x38;
	[tilespmem:$0x18200] =	vst v63  }
0x2ff: {  	s30 =	sadd.s32 $0x20, s22;
	s31 =	sadd.s32 $0x550, s23  }
0x300: {  	[tilespmem:s31], [sflag:$0x1] =	stream.linear.gather [hbm4b:s30+s3], $0x10, $0x38;
	[tilespmem:$0x18200] =	vst v63  }
0x301: {  	s25 =	sadd.s32 $0x30, s22;
	s26 =	sadd.s32 $0x5D0, s23  }
0x302: {  	[tilespmem:s26], [sflag:$0x1] =	stream.linear.gather [hbm4b:s25+s3], $0x10, $0x38;
	[tilespmem:$0x18200] =	vst v63  }
0x303: {  	s28 =	sadd.s32 $0x40, s22;
	s29 =	sadd.s32 $0x650, s23  }
0x304: {  	[tilespmem:s29], [sflag:$0x1] =	stream.linear.gather [hbm4b:s28+s3], $0x10, $0x38;
	[tilespmem:$0x18200] =	vst v63  }
0x305: {  	s30 =	sadd.s32 $0x50, s22;
	s31 =	sadd.s32 $0x6D0, s23  }
0x306: {  	[tilespmem:s31], [sflag:$0x1] =	stream.linear.gather [hbm4b:s30+s3], $0x10, $0x38;
	[tilespmem:$0x18200] =	vst v63  }
0x307: {  	s25 =	sadd.s32 $0x60, s22;
	s26 =	sadd.s32 $0x750, s23  }
0x308: {  	[tilespmem:s26], [sflag:$0x1] =	stream.linear.gather [hbm4b:s25+s3], $0x10, $0x38;
	[tilespmem:$0x18200] =	vst v63  }
0x309: {  	s23 =	sadd.s32 $0x7D0, s23;
	s28 =	sadd.s32 $0x70, s22;
	s29 =	spop (v2sf)  }
0x30a: {  	[tilespmem:s23], [sflag:$0x1] =	stream.linear.gather [hbm4b:s28+s3], $0x10, $0x38;
	[tilespmem:$0x18200] =	vst v63  }
0x30b: {  	s30 =	sshll.u32 s29, $0x7;
	s22 =	sshll.u32 s29, $0x4  }
0x30c: {  	s23 =	sand.u32 $0xFFFFFC00, s30;
	s22 =	sand.u32 $0x70, s22  }
0x30d: {  	s22 =	sor.u32 s22, s23  }
0x30e: {  	s26 =	sadd.s32 $0x0, s21;
	s22 =	sshrl.u32 s22, $0x3  }
0x30f: {  	s31 =	sadd.s32 $0x460, s26;
	s22 =	sadd.s32 s2, s22  }
0x310: {  	[tilespmem:s31], [sflag:$0x1] =	stream.linear.gather [hbm4b:s22+s3], $0x10, $0x38;
	[tilespmem:$0x18200] =	vst v63  }
0x311: {  	s25 =	sadd.s32 $0x4E0, s26;
	s24 =	sadd.s32 $0x10, s22  }
0x312: {  	[tilespmem:s25], [sflag:$0x1] =	stream.linear.gather [hbm4b:s24+s3], $0x10, $0x38;
	[tilespmem:$0x18200] =	vst v63  }
0x313: {  	s29 =	sadd.s32 $0x560, s26;
	s23 =	simm.s32 $0x2000;
	s28 =	sadd.s32 $0x20, s22  }
0x314: {  	[tilespmem:s29], [sflag:$0x1] =	stream.linear.gather [hbm4b:s28+s3], $0x10, $0x38;
	[tilespmem:$0x18200] =	vst v63  }
0x315: {  	s30 =	sadd.s32 $0x30, s22;
	s31 =	sadd.s32 $0x5E0, s26;
	s24 =	sadd.s32 $0x40, s22  }
0x316: {  	[tilespmem:s31], [sflag:$0x1] =	stream.linear.gather [hbm4b:s30+s3], $0x10, $0x38;
	[tilespmem:$0x18200] =	vst v63  }
0x317: {  	s25 =	sadd.s32 $0x660, s26;
	s28 =	sadd.s32 $0x50, s22;
	s29 =	sadd.s32 $0x6E0, s26  }
0x318: {  	[tilespmem:s25], [sflag:$0x1] =	stream.linear.gather [hbm4b:s24+s3], $0x10, $0x38;
	[tilespmem:$0x18200] =	vst v63  }
0x319: {  	s30 =	sadd.s32 $0x60, s22;
	s31 =	sadd.s32 $0x760, s26;
	s26 =	sadd.s32 $0x7E0, s26  }
0x31a: {  	[tilespmem:s29], [sflag:$0x1] =	stream.linear.gather [hbm4b:s28+s3], $0x10, $0x38;
	[tilespmem:$0x18200] =	vst v63  }
0x31b: {  	s24 =	simm.s32 $0x10000;
	s25 =	sadd.s32 $0x70, s22;
	s22 =	sadd.s32 $0xF4280, s22  }
0x31c: {  	[tilespmem:s31], [sflag:$0x1] =	stream.linear.gather [hbm4b:s30+s3], $0x10, $0x38;
	[tilespmem:$0x18200] =	vst v63  }
.LBB2_32:
0x31d: {  	[tilespmem:s26], [sflag:$0x1] =	stream.linear.gather [hbm4b:s25+s3], $0x10, $0x38;
	[tilespmem:$0x18200] =	vst v63  }
0x31e: {  	s25 =	smov.u32 s24  }
0x31f: {  	s28 =	sadd.s32 $0x8000, s24;
	s26 =	sadd.s32 s23, s21;
	s23 =	sshra.s32 s25, $0x2  }
0x320: {  	p0 =	sne.s32 s24, $0x38000;
	s24 =	sadd.s32 $0x460, s26  }
0x321: {  	[tilespmem:s24], [sflag:$0x1] =	stream.linear.gather [hbm4b:s22+s3], $0x10, $0x38;
	[tilespmem:$0x18200] =	vst v63  }
0x322: {  	s25 =	sadd.s32 $0x4E0, s26;
	s24 =	sadd.s32 $0x10, s22  }
0x323: {  	[tilespmem:s25], [sflag:$0x1] =	stream.linear.gather [hbm4b:s24+s3], $0x10, $0x38;
	[tilespmem:$0x18200] =	vst v63  }
0x324: {  	s24 =	sadd.s32 $0x20, s22;
	s25 =	sadd.s32 $0x560, s26  }
0x325: {  	[tilespmem:s25], [sflag:$0x1] =	stream.linear.gather [hbm4b:s24+s3], $0x10, $0x38;
	[tilespmem:$0x18200] =	vst v63  }
0x326: {  	s24 =	sadd.s32 $0x30, s22;
	s25 =	sadd.s32 $0x5E0, s26  }
0x327: {  	[tilespmem:s25], [sflag:$0x1] =	stream.linear.gather [hbm4b:s24+s3], $0x10, $0x38;
	[tilespmem:$0x18200] =	vst v63  }
0x328: {  	s24 =	sadd.s32 $0x40, s22;
	s25 =	sadd.s32 $0x660, s26  }
0x329: {  	[tilespmem:s25], [sflag:$0x1] =	stream.linear.gather [hbm4b:s24+s3], $0x10, $0x38;
	[tilespmem:$0x18200] =	vst v63  }
.Ltmp14:
0x32a: {  	s24 =	sadd.s32 $0x50, s22;
	s25 =	sadd.s32 $0x6E0, s26;
	(pc) =	sbr.rel @p0 .LBB2_32-.Ltmp14, $4  }
0x32b: {  	[tilespmem:s25], [sflag:$0x1] =	stream.linear.gather [hbm4b:s24+s3], $0x10, $0x38;
	[tilespmem:$0x18200] =	vst v63  }
0x32c: {  	s24 =	sadd.s32 $0x60, s22;
	s25 =	sadd.s32 $0x760, s26;
	s26 =	sadd.s32 $0x7E0, s26  }
0x32d: {  	[tilespmem:s25], [sflag:$0x1] =	stream.linear.gather [hbm4b:s24+s3], $0x10, $0x38;
	[tilespmem:$0x18200] =	vst v63  }
0x32e: {  	s25 =	sadd.s32 $0x70, s22;
	s22 =	sadd.s32 $0xF4280, s22;
	s24 =	smov.u32 s28  }
0x32f: {  	[tilespmem:s26], [sflag:$0x1] =	stream.linear.gather [hbm4b:s25+s3], $0x10, $0x38;
	[tilespmem:$0x18200] =	vst v63  }
0x330: {  	s23 =	sadd.s32 s23, s21;
	(v2sf) =	vpush v3, $0xF  }
0x331: {  	s24 =	sadd.s32 $0x460, s23  }
0x332: {  	[tilespmem:s24], [sflag:$0x1] =	stream.linear.gather [hbm4b:s22+s3], $0x10, $0x38;
	[tilespmem:$0x18200] =	vst v63  }
0x333: {  	s28 =	sadd.s32 $0x10, s22;
	s29 =	sadd.s32 $0x4E0, s23  }
0x334: {  	[tilespmem:s29], [sflag:$0x1] =	stream.linear.gather [hbm4b:s28+s3], $0x10, $0x38;
	[tilespmem:$0x18200] =	vst v63  }
0x335: {  	s30 =	sadd.s32 $0x20, s22;
	s31 =	sadd.s32 $0x560, s23  }
0x336: {  	[tilespmem:s31], [sflag:$0x1] =	stream.linear.gather [hbm4b:s30+s3], $0x10, $0x38;
	[tilespmem:$0x18200] =	vst v63  }
0x337: {  	s25 =	sadd.s32 $0x30, s22;
	s26 =	sadd.s32 $0x5E0, s23  }
0x338: {  	[tilespmem:s26], [sflag:$0x1] =	stream.linear.gather [hbm4b:s25+s3], $0x10, $0x38;
	[tilespmem:$0x18200] =	vst v63  }
0x339: {  	s28 =	sadd.s32 $0x40, s22;
	s29 =	sadd.s32 $0x660, s23  }
0x33a: {  	[tilespmem:s29], [sflag:$0x1] =	stream.linear.gather [hbm4b:s28+s3], $0x10, $0x38;
	[tilespmem:$0x18200] =	vst v63  }
0x33b: {  	s30 =	sadd.s32 $0x50, s22;
	s31 =	sadd.s32 $0x6E0, s23  }
0x33c: {  	[tilespmem:s31], [sflag:$0x1] =	stream.linear.gather [hbm4b:s30+s3], $0x10, $0x38;
	[tilespmem:$0x18200] =	vst v63  }
0x33d: {  	s25 =	sadd.s32 $0x60, s22;
	s26 =	sadd.s32 $0x760, s23  }
0x33e: {  	[tilespmem:s26], [sflag:$0x1] =	stream.linear.gather [hbm4b:s25+s3], $0x10, $0x38;
	[tilespmem:$0x18200] =	vst v63  }
0x33f: {  	s23 =	sadd.s32 $0x7E0, s23;
	s28 =	sadd.s32 $0x70, s22;
	s29 =	spop (v2sf)  }
0x340: {  	[tilespmem:s23], [sflag:$0x1] =	stream.linear.gather [hbm4b:s28+s3], $0x10, $0x38;
	[tilespmem:$0x18200] =	vst v63  }
0x341: {  	s30 =	sshll.u32 s29, $0x7;
	s22 =	sshll.u32 s29, $0x4  }
0x342: {  	s23 =	sand.u32 $0xFFFFFC00, s30;
	s22 =	sand.u32 $0x70, s22  }
0x343: {  	s22 =	sor.u32 s22, s23  }
0x344: {  	s26 =	sadd.s32 $0x0, s21;
	s22 =	sshrl.u32 s22, $0x3  }
0x345: {  	s31 =	sadd.s32 $0x470, s26;
	s22 =	sadd.s32 s2, s22  }
0x346: {  	[tilespmem:s31], [sflag:$0x1] =	stream.linear.gather [hbm4b:s22+s3], $0x10, $0x38;
	[tilespmem:$0x18200] =	vst v63  }
0x347: {  	s25 =	sadd.s32 $0x4F0, s26;
	s24 =	sadd.s32 $0x10, s22  }
0x348: {  	[tilespmem:s25], [sflag:$0x1] =	stream.linear.gather [hbm4b:s24+s3], $0x10, $0x38;
	[tilespmem:$0x18200] =	vst v63  }
0x349: {  	s29 =	sadd.s32 $0x570, s26;
	s23 =	simm.s32 $0x2000;
	s28 =	sadd.s32 $0x20, s22  }
0x34a: {  	[tilespmem:s29], [sflag:$0x1] =	stream.linear.gather [hbm4b:s28+s3], $0x10, $0x38;
	[tilespmem:$0x18200] =	vst v63  }
0x34b: {  	s30 =	sadd.s32 $0x30, s22;
	s31 =	sadd.s32 $0x5F0, s26;
	s24 =	sadd.s32 $0x40, s22  }
0x34c: {  	[tilespmem:s31], [sflag:$0x1] =	stream.linear.gather [hbm4b:s30+s3], $0x10, $0x38;
	[tilespmem:$0x18200] =	vst v63  }
0x34d: {  	s25 =	sadd.s32 $0x670, s26;
	s28 =	sadd.s32 $0x50, s22;
	s29 =	sadd.s32 $0x6F0, s26  }
0x34e: {  	[tilespmem:s25], [sflag:$0x1] =	stream.linear.gather [hbm4b:s24+s3], $0x10, $0x38;
	[tilespmem:$0x18200] =	vst v63  }
0x34f: {  	s30 =	sadd.s32 $0x60, s22;
	s31 =	sadd.s32 $0x770, s26;
	s26 =	sadd.s32 $0x7F0, s26  }
0x350: {  	[tilespmem:s29], [sflag:$0x1] =	stream.linear.gather [hbm4b:s28+s3], $0x10, $0x38;
	[tilespmem:$0x18200] =	vst v63  }
0x351: {  	s24 =	simm.s32 $0x10000;
	s25 =	sadd.s32 $0x70, s22;
	s22 =	sadd.s32 $0xF4280, s22  }
0x352: {  	[tilespmem:s31], [sflag:$0x1] =	stream.linear.gather [hbm4b:s30+s3], $0x10, $0x38;
	[tilespmem:$0x18200] =	vst v63  }
.LBB2_34:
0x353: {  	[tilespmem:s26], [sflag:$0x1] =	stream.linear.gather [hbm4b:s25+s3], $0x10, $0x38;
	[tilespmem:$0x18200] =	vst v63  }
0x354: {  	s25 =	smov.u32 s24  }
0x355: {  	s28 =	sadd.s32 $0x8000, s24;
	s26 =	sadd.s32 s23, s21;
	s23 =	sshra.s32 s25, $0x2  }
0x356: {  	p0 =	sne.s32 s24, $0x38000;
	s24 =	sadd.s32 $0x470, s26  }
0x357: {  	[tilespmem:s24], [sflag:$0x1] =	stream.linear.gather [hbm4b:s22+s3], $0x10, $0x38;
	[tilespmem:$0x18200] =	vst v63  }
0x358: {  	s25 =	sadd.s32 $0x4F0, s26;
	s24 =	sadd.s32 $0x10, s22  }
0x359: {  	[tilespmem:s25], [sflag:$0x1] =	stream.linear.gather [hbm4b:s24+s3], $0x10, $0x38;
	[tilespmem:$0x18200] =	vst v63  }
0x35a: {  	s24 =	sadd.s32 $0x20, s22;
	s25 =	sadd.s32 $0x570, s26  }
0x35b: {  	[tilespmem:s25], [sflag:$0x1] =	stream.linear.gather [hbm4b:s24+s3], $0x10, $0x38;
	[tilespmem:$0x18200] =	vst v63  }
0x35c: {  	s24 =	sadd.s32 $0x30, s22;
	s25 =	sadd.s32 $0x5F0, s26  }
0x35d: {  	[tilespmem:s25], [sflag:$0x1] =	stream.linear.gather [hbm4b:s24+s3], $0x10, $0x38;
	[tilespmem:$0x18200] =	vst v63  }
0x35e: {  	s24 =	sadd.s32 $0x40, s22;
	s25 =	sadd.s32 $0x670, s26  }
0x35f: {  	[tilespmem:s25], [sflag:$0x1] =	stream.linear.gather [hbm4b:s24+s3], $0x10, $0x38;
	[tilespmem:$0x18200] =	vst v63  }
.Ltmp15:
0x360: {  	s24 =	sadd.s32 $0x50, s22;
	s25 =	sadd.s32 $0x6F0, s26;
	(pc) =	sbr.rel @p0 .LBB2_34-.Ltmp15, $4  }
0x361: {  	[tilespmem:s25], [sflag:$0x1] =	stream.linear.gather [hbm4b:s24+s3], $0x10, $0x38;
	[tilespmem:$0x18200] =	vst v63  }
0x362: {  	s24 =	sadd.s32 $0x60, s22;
	s25 =	sadd.s32 $0x770, s26;
	s26 =	sadd.s32 $0x7F0, s26  }
0x363: {  	[tilespmem:s25], [sflag:$0x1] =	stream.linear.gather [hbm4b:s24+s3], $0x10, $0x38;
	[tilespmem:$0x18200] =	vst v63  }
0x364: {  	s25 =	sadd.s32 $0x70, s22;
	s22 =	sadd.s32 $0xF4280, s22;
	s24 =	smov.u32 s28  }
0x365: {  	[tilespmem:s26], [sflag:$0x1] =	stream.linear.gather [hbm4b:s25+s3], $0x10, $0x38;
	[tilespmem:$0x18200] =	vst v63  }
0x366: {  	s23 =	sadd.s32 s23, s21  }
0x367: {  	s24 =	sadd.s32 $0x470, s23  }
0x368: {  	[tilespmem:s24], [sflag:$0x1] =	stream.linear.gather [hbm4b:s22+s3], $0x10, $0x38;
	[tilespmem:$0x18200] =	vst v63  }
0x369: {  	s30 =	sadd.s32 $0x10, s22;
	s31 =	sadd.s32 $0x4F0, s23  }
0x36a: {  	[tilespmem:s31], [sflag:$0x1] =	stream.linear.gather [hbm4b:s30+s3], $0x10, $0x38;
	[tilespmem:$0x18200] =	vst v63  }
0x36b: {  	s25 =	sadd.s32 $0x20, s22;
	s26 =	sadd.s32 $0x570, s23  }
0x36c: {  	[tilespmem:s26], [sflag:$0x1] =	stream.linear.gather [hbm4b:s25+s3], $0x10, $0x38;
	[tilespmem:$0x18200] =	vst v63  }
0x36d: {  	s28 =	sadd.s32 $0x30, s22;
	s29 =	sadd.s32 $0x5F0, s23  }
0x36e: {  	[tilespmem:s29], [sflag:$0x1] =	stream.linear.gather [hbm4b:s28+s3], $0x10, $0x38;
	[tilespmem:$0x18200] =	vst v63  }
0x36f: {  	s20 =	sadd.s32 $0x1, s20;
	s30 =	sadd.s32 $0x40, s22;
	s31 =	sadd.s32 $0x670, s23  }
0x370: {  	[tilespmem:s31], [sflag:$0x1] =	stream.linear.gather [hbm4b:s30+s3], $0x10, $0x38;
	[tilespmem:$0x18200] =	vst v63  }
0x371: {  	p0 =	sne.s32 s20, $0x4;
	s26 =	sadd.s32 $0x50, s22;
	s28 =	sadd.s32 $0x6F0, s23  }
0x372: {  	[tilespmem:s28], [sflag:$0x1] =	stream.linear.gather [hbm4b:s26+s3], $0x10, $0x38;
	[tilespmem:$0x18200] =	vst v63  }
.Ltmp16:
0x373: {  	_ = 	snop;
	(pc) =	sbr.rel @p0 .LBB2_3-.Ltmp16, $4  }
0x374: {  	s29 =	sadd.s32 $0x60, s22;
	s30 =	sadd.s32 $0x770, s23  }
0x375: {  	[tilespmem:s30], [sflag:$0x1] =	stream.linear.gather [hbm4b:s29+s3], $0x10, $0x38;
	[tilespmem:$0x18200] =	vst v63  }
0x376: {  	s21 =	sadd.s32 $0x800, s21;
	s31 =	sadd.s32 $0x70, s22;
	s23 =	sadd.s32 $0x7F0, s23  }
0x377: {  	[tilespmem:s23], [sflag:$0x1] =	stream.linear.gather [hbm4b:s31+s3], $0x10, $0x38;
	[tilespmem:$0x18200] =	vst v63  }
0x378: {  	v2 =	vmov s15  }
0x379: {  	_ =	swait.ge [sflag:s8], $0x10000;
	s19 =	sshrl.u32 s19, $0x2  }
0x37a: {  	s20 =	simm.s32 $0x0;
	s21 =	smov.u32 s16;
	[sflag:s8] =	ssyncset.done $0x0  }
0x37b: {  	s22 =	simm.s32 $0x0;
	s19 =	sor.u32 $0x10200, s19;
	[sflag:s8] =	ssyncadd.s32 $0xFFFF0000  }
.LBB2_37:
0x37c: {  	s23 =	sshra.s32 s22, $0x2  }
0x37d: {  	v3 =	vld.idx.msk [tilespmem:v2+s23+$0x0 ss:$0x1], $0xffff;
	_ =	sdelay $0x2  }
0x37e: {  	v4 =	vmov s20  }
0x37f: {  	v4 =	vshll.u32 v4, $0x7  }
0x380: {  	v4 =	vor.u32 v1, v4;
	v3 =	vand.u32 $0xF, v3  }
0x381: {  	v5 =	vor.u32 v0, v3;
	v3 =	vand.u32 $0x1C00, v4  }
0x382: {  	v3 =	vor.u32 v3, v5;
	_ =	sdelay $0x4  }
0x383: {  	v6 =	vld.idx.msk [tilespmem:v3+s9+$0x0], $0xffff  }
0x384: {  	v7 =	vor.u32 $0x80, v3  }
0x385: {  	s24 =	sand.u32 $0x3FFFFC00, s21  }
0x386: {  	s24 =	sadd.s32 s24, s19  }
0x387: {  	s23 =	sadd.s32 s23, s24  }
0x388: {  	[tilespmem:s23+$0x0] =	vst v6  }
0x389: {  	v6 =	vld.idx.msk [tilespmem:v7+s9+$0x0], $0xffff  }
0x38a: {  	v59 =	vor.u32 $0x100, v3;
	_ =	sdelay $0x3  }
0x38b: {  	[tilespmem:s23+$0x80] =	vst v6  }
0x38c: {  	v6 =	vld.idx.msk [tilespmem:v59+s9+$0x0], $0xffff  }
0x38d: {  	v60 =	vor.u32 $0x180, v3;
	_ =	sdelay $0x3  }
0x38e: {  	[tilespmem:s23+$0x100] =	vst v6  }
0x38f: {  	v6 =	vld.idx.msk [tilespmem:v60+s9+$0x0], $0xffff  }
0x390: {  	v61 =	vor.u32 $0x200, v3;
	_ =	sdelay $0x3  }
0x391: {  	[tilespmem:s23+$0x180] =	vst v6  }
0x392: {  	v6 =	vld.idx.msk [tilespmem:v61+s9+$0x0], $0xffff  }
0x393: {  	v62 =	vor.u32 $0x280, v3;
	_ =	sdelay $0x3  }
0x394: {  	[tilespmem:s23+$0x200] =	vst v6  }
0x395: {  	v6 =	vld.idx.msk [tilespmem:v62+s9+$0x0], $0xffff  }
0x396: {  	v63 =	vor.u32 $0x300, v3;
	_ =	sdelay $0x3  }
0x397: {  	[tilespmem:s23+$0x280] =	vst v6  }
0x398: {  	v4 =	vor.u32 v5, v4;
	v6 =	vld.idx.msk [tilespmem:v63+s9+$0x0], $0xffff  }
0x399: {  	v4 =	vor.u32 $0x380, v4;
	_ =	sdelay $0x3  }
0x39a: {  	[tilespmem:s23+$0x300] =	vst v6  }
0x39b: {  	v4 =	vld.idx.msk [tilespmem:v4+s9+$0x0], $0xffff  }
0x39c: {  	v9 =	vor.u32 $0x2000, v3  }
0x39d: {  	s31 =	sadd.s32 s20, s17  }
0x39e: {  	s24 =	sor.u32 s21, s31  }
0x39f: {  	s24 =	sor.u32 $0x380, s24  }
0x3a0: {  	[tilespmem:s24+$0x10200] =	vst v4  }
0x3a1: {  	v4 =	vld.idx.msk [tilespmem:v9+s9+$0x0], $0xffff  }
0x3a2: {  	v10 =	vor.u32 $0x2080, v3;
	_ =	sdelay $0x3  }
0x3a3: {  	[tilespmem:s23+$0x1000] =	vst v4  }
0x3a4: {  	v4 =	vld.idx.msk [tilespmem:v10+s9+$0x0], $0xffff  }
0x3a5: {  	v11 =	vor.u32 $0x2100, v3;
	_ =	sdelay $0x3  }
0x3a6: {  	[tilespmem:s23+$0x1080] =	vst v4  }
0x3a7: {  	v4 =	vld.idx.msk [tilespmem:v11+s9+$0x0], $0xffff  }
0x3a8: {  	v12 =	vor.u32 $0x2180, v3;
	_ =	sdelay $0x3  }
0x3a9: {  	[tilespmem:s23+$0x1100] =	vst v4  }
0x3aa: {  	v4 =	vld.idx.msk [tilespmem:v12+s9+$0x0], $0xffff  }
0x3ab: {  	v13 =	vor.u32 $0x2200, v3;
	_ =	sdelay $0x3  }
0x3ac: {  	[tilespmem:s23+$0x1180] =	vst v4  }
0x3ad: {  	v4 =	vld.idx.msk [tilespmem:v13+s9+$0x0], $0xffff  }
0x3ae: {  	v14 =	vor.u32 $0x2280, v3;
	_ =	sdelay $0x3  }
0x3af: {  	[tilespmem:s23+$0x1200] =	vst v4  }
0x3b0: {  	v4 =	vld.idx.msk [tilespmem:v14+s9+$0x0], $0xffff  }
0x3b1: {  	v15 =	vor.u32 $0x2300, v3;
	_ =	sdelay $0x3  }
0x3b2: {  	[tilespmem:s23+$0x1280] =	vst v4  }
0x3b3: {  	v4 =	vld.idx.msk [tilespmem:v15+s9+$0x0], $0xffff  }
0x3b4: {  	v16 =	vor.u32 $0x2380, v3;
	_ =	sdelay $0x3  }
0x3b5: {  	[tilespmem:s23+$0x1300] =	vst v4  }
0x3b6: {  	v4 =	vld.idx.msk [tilespmem:v16+s9+$0x0], $0xffff  }
0x3b7: {  	v17 =	vor.u32 $0x4000, v3;
	_ =	sdelay $0x3  }
0x3b8: {  	[tilespmem:s23+$0x1380] =	vst v4  }
0x3b9: {  	v4 =	vld.idx.msk [tilespmem:v17+s9+$0x0], $0xffff  }
0x3ba: {  	v18 =	vor.u32 $0x4080, v3;
	_ =	sdelay $0x3  }
0x3bb: {  	[tilespmem:s23+$0x2000] =	vst v4  }
0x3bc: {  	v4 =	vld.idx.msk [tilespmem:v18+s9+$0x0], $0xffff  }
0x3bd: {  	v19 =	vor.u32 $0x4100, v3;
	_ =	sdelay $0x3  }
0x3be: {  	[tilespmem:s23+$0x2080] =	vst v4  }
0x3bf: {  	v4 =	vld.idx.msk [tilespmem:v19+s9+$0x0], $0xffff  }
0x3c0: {  	v20 =	vor.u32 $0x4180, v3;
	_ =	sdelay $0x3  }
0x3c1: {  	[tilespmem:s23+$0x2100] =	vst v4  }
0x3c2: {  	v4 =	vld.idx.msk [tilespmem:v20+s9+$0x0], $0xffff  }
0x3c3: {  	v21 =	vor.u32 $0x4200, v3;
	_ =	sdelay $0x3  }
0x3c4: {  	[tilespmem:s23+$0x2180] =	vst v4  }
0x3c5: {  	v4 =	vld.idx.msk [tilespmem:v21+s9+$0x0], $0xffff  }
0x3c6: {  	v22 =	vor.u32 $0x4280, v3;
	_ =	sdelay $0x3  }
0x3c7: {  	[tilespmem:s23+$0x2200] =	vst v4  }
0x3c8: {  	v4 =	vld.idx.msk [tilespmem:v22+s9+$0x0], $0xffff  }
0x3c9: {  	v23 =	vor.u32 $0x4300, v3;
	_ =	sdelay $0x3  }
0x3ca: {  	[tilespmem:s23+$0x2280] =	vst v4  }
0x3cb: {  	v4 =	vld.idx.msk [tilespmem:v23+s9+$0x0], $0xffff  }
0x3cc: {  	v24 =	vor.u32 $0x4380, v3;
	_ =	sdelay $0x3  }
0x3cd: {  	[tilespmem:s23+$0x2300] =	vst v4  }
0x3ce: {  	v4 =	vld.idx.msk [tilespmem:v24+s9+$0x0], $0xffff  }
0x3cf: {  	v25 =	vor.u32 $0x6000, v3;
	_ =	sdelay $0x3  }
0x3d0: {  	[tilespmem:s23+$0x2380] =	vst v4  }
0x3d1: {  	v4 =	vld.idx.msk [tilespmem:v25+s9+$0x0], $0xffff  }
0x3d2: {  	v26 =	vor.u32 $0x6080, v3;
	_ =	sdelay $0x3  }
0x3d3: {  	[tilespmem:s23+$0x3000] =	vst v4  }
0x3d4: {  	v4 =	vld.idx.msk [tilespmem:v26+s9+$0x0], $0xffff  }
0x3d5: {  	v27 =	vor.u32 $0x6100, v3;
	_ =	sdelay $0x3  }
0x3d6: {  	[tilespmem:s23+$0x3080] =	vst v4  }
0x3d7: {  	v4 =	vld.idx.msk [tilespmem:v27+s9+$0x0], $0xffff  }
0x3d8: {  	v28 =	vor.u32 $0x6180, v3;
	_ =	sdelay $0x3  }
0x3d9: {  	[tilespmem:s23+$0x3100] =	vst v4  }
0x3da: {  	v4 =	vld.idx.msk [tilespmem:v28+s9+$0x0], $0xffff  }
0x3db: {  	v29 =	vor.u32 $0x6200, v3;
	_ =	sdelay $0x3  }
0x3dc: {  	[tilespmem:s23+$0x3180] =	vst v4  }
0x3dd: {  	v4 =	vld.idx.msk [tilespmem:v29+s9+$0x0], $0xffff  }
0x3de: {  	v30 =	vor.u32 $0x6280, v3;
	_ =	sdelay $0x3  }
0x3df: {  	[tilespmem:s23+$0x3200] =	vst v4  }
0x3e0: {  	v4 =	vld.idx.msk [tilespmem:v30+s9+$0x0], $0xffff  }
0x3e1: {  	v31 =	vor.u32 $0x6300, v3;
	_ =	sdelay $0x3  }
0x3e2: {  	[tilespmem:s23+$0x3280] =	vst v4  }
0x3e3: {  	v4 =	vld.idx.msk [tilespmem:v31+s9+$0x0], $0xffff  }
0x3e4: {  	v32 =	vor.u32 $0x6380, v3;
	_ =	sdelay $0x3  }
0x3e5: {  	[tilespmem:s23+$0x3300] =	vst v4  }
0x3e6: {  	v4 =	vld.idx.msk [tilespmem:v32+s9+$0x0], $0xffff  }
0x3e7: {  	v33 =	vor.u32 $0x8000, v3;
	_ =	sdelay $0x3  }
0x3e8: {  	[tilespmem:s23+$0x3380] =	vst v4  }
0x3e9: {  	v4 =	vld.idx.msk [tilespmem:v33+s9+$0x0], $0xffff  }
0x3ea: {  	v34 =	vor.u32 $0x8080, v3;
	_ =	sdelay $0x3  }
0x3eb: {  	[tilespmem:s23+$0x4000] =	vst v4  }
0x3ec: {  	v4 =	vld.idx.msk [tilespmem:v34+s9+$0x0], $0xffff  }
0x3ed: {  	v35 =	vor.u32 $0x8100, v3;
	_ =	sdelay $0x3  }
0x3ee: {  	[tilespmem:s23+$0x4080] =	vst v4  }
0x3ef: {  	v4 =	vld.idx.msk [tilespmem:v35+s9+$0x0], $0xffff  }
0x3f0: {  	v36 =	vor.u32 $0x8180, v3;
	_ =	sdelay $0x3  }
0x3f1: {  	[tilespmem:s23+$0x4100] =	vst v4  }
0x3f2: {  	v4 =	vld.idx.msk [tilespmem:v36+s9+$0x0], $0xffff  }
0x3f3: {  	v37 =	vor.u32 $0x8200, v3;
	_ =	sdelay $0x3  }
0x3f4: {  	[tilespmem:s23+$0x4180] =	vst v4  }
0x3f5: {  	v4 =	vld.idx.msk [tilespmem:v37+s9+$0x0], $0xffff  }
0x3f6: {  	v38 =	vor.u32 $0x8280, v3;
	_ =	sdelay $0x3  }
0x3f7: {  	[tilespmem:s23+$0x4200] =	vst v4  }
0x3f8: {  	v4 =	vld.idx.msk [tilespmem:v38+s9+$0x0], $0xffff  }
0x3f9: {  	v39 =	vor.u32 $0x8300, v3;
	_ =	sdelay $0x3  }
0x3fa: {  	[tilespmem:s23+$0x4280] =	vst v4  }
0x3fb: {  	v4 =	vld.idx.msk [tilespmem:v39+s9+$0x0], $0xffff  }
0x3fc: {  	v40 =	vor.u32 $0x8380, v3;
	_ =	sdelay $0x3  }
0x3fd: {  	[tilespmem:s23+$0x4300] =	vst v4  }
0x3fe: {  	v4 =	vld.idx.msk [tilespmem:v40+s9+$0x0], $0xffff  }
0x3ff: {  	v41 =	vor.u32 $0xA000, v3;
	_ =	sdelay $0x3  }
0x400: {  	[tilespmem:s23+$0x4380] =	vst v4  }
0x401: {  	v4 =	vld.idx.msk [tilespmem:v41+s9+$0x0], $0xffff  }
0x402: {  	v42 =	vor.u32 $0xA080, v3;
	_ =	sdelay $0x3  }
0x403: {  	[tilespmem:s23+$0x5000] =	vst v4  }
0x404: {  	v4 =	vld.idx.msk [tilespmem:v42+s9+$0x0], $0xffff  }
0x405: {  	v43 =	vor.u32 $0xA100, v3;
	_ =	sdelay $0x3  }
0x406: {  	[tilespmem:s23+$0x5080] =	vst v4  }
0x407: {  	v4 =	vld.idx.msk [tilespmem:v43+s9+$0x0], $0xffff  }
0x408: {  	v44 =	vor.u32 $0xA180, v3;
	_ =	sdelay $0x3  }
0x409: {  	[tilespmem:s23+$0x5100] =	vst v4  }
0x40a: {  	v4 =	vld.idx.msk [tilespmem:v44+s9+$0x0], $0xffff  }
0x40b: {  	v45 =	vor.u32 $0xA200, v3;
	_ =	sdelay $0x3  }
0x40c: {  	[tilespmem:s23+$0x5180] =	vst v4  }
0x40d: {  	v4 =	vld.idx.msk [tilespmem:v45+s9+$0x0], $0xffff  }
0x40e: {  	v46 =	vor.u32 $0xA280, v3;
	_ =	sdelay $0x3  }
0x40f: {  	[tilespmem:s23+$0x5200] =	vst v4  }
0x410: {  	v4 =	vld.idx.msk [tilespmem:v46+s9+$0x0], $0xffff  }
0x411: {  	v47 =	vor.u32 $0xA300, v3;
	_ =	sdelay $0x3  }
0x412: {  	[tilespmem:s23+$0x5280] =	vst v4  }
0x413: {  	v4 =	vld.idx.msk [tilespmem:v47+s9+$0x0], $0xffff  }
0x414: {  	v48 =	vor.u32 $0xA380, v3;
	_ =	sdelay $0x3  }
0x415: {  	[tilespmem:s23+$0x5300] =	vst v4  }
0x416: {  	v4 =	vld.idx.msk [tilespmem:v48+s9+$0x0], $0xffff  }
0x417: {  	v49 =	vor.u32 $0xC000, v3;
	_ =	sdelay $0x3  }
0x418: {  	[tilespmem:s23+$0x5380] =	vst v4  }
0x419: {  	v4 =	vld.idx.msk [tilespmem:v49+s9+$0x0], $0xffff  }
0x41a: {  	v50 =	vor.u32 $0xC080, v3;
	_ =	sdelay $0x3  }
0x41b: {  	[tilespmem:s23+$0x6000] =	vst v4  }
0x41c: {  	v4 =	vld.idx.msk [tilespmem:v50+s9+$0x0], $0xffff  }
0x41d: {  	v51 =	vor.u32 $0xC100, v3;
	_ =	sdelay $0x3  }
0x41e: {  	[tilespmem:s23+$0x6080] =	vst v4  }
0x41f: {  	v4 =	vld.idx.msk [tilespmem:v51+s9+$0x0], $0xffff  }
0x420: {  	v52 =	vor.u32 $0xC180, v3;
	_ =	sdelay $0x3  }
0x421: {  	[tilespmem:s23+$0x6100] =	vst v4  }
0x422: {  	v4 =	vld.idx.msk [tilespmem:v52+s9+$0x0], $0xffff  }
0x423: {  	v53 =	vor.u32 $0xC200, v3;
	_ =	sdelay $0x3  }
0x424: {  	[tilespmem:s23+$0x6180] =	vst v4  }
0x425: {  	v4 =	vld.idx.msk [tilespmem:v53+s9+$0x0], $0xffff  }
0x426: {  	v54 =	vor.u32 $0xC280, v3;
	_ =	sdelay $0x3  }
0x427: {  	[tilespmem:s23+$0x6200] =	vst v4  }
0x428: {  	v4 =	vld.idx.msk [tilespmem:v54+s9+$0x0], $0xffff  }
0x429: {  	v55 =	vor.u32 $0xC300, v3;
	_ =	sdelay $0x3  }
0x42a: {  	[tilespmem:s23+$0x6280] =	vst v4  }
0x42b: {  	v4 =	vld.idx.msk [tilespmem:v55+s9+$0x0], $0xffff  }
0x42c: {  	v56 =	vor.u32 $0xC380, v3;
	_ =	sdelay $0x3  }
0x42d: {  	[tilespmem:s23+$0x6300] =	vst v4  }
0x42e: {  	v4 =	vld.idx.msk [tilespmem:v56+s9+$0x0], $0xffff  }
0x42f: {  	v57 =	vor.u32 $0xE000, v3;
	_ =	sdelay $0x3  }
0x430: {  	[tilespmem:s23+$0x6380] =	vst v4  }
0x431: {  	v4 =	vld.idx.msk [tilespmem:v57+s9+$0x0], $0xffff  }
0x432: {  	v58 =	vor.u32 $0xE080, v3;
	_ =	sdelay $0x3  }
0x433: {  	[tilespmem:s23+$0x7000] =	vst v4  }
0x434: {  	v4 =	vld.idx.msk [tilespmem:v58+s9+$0x0], $0xffff  }
0x435: {  	v59 =	vor.u32 $0xE100, v3;
	_ =	sdelay $0x3  }
0x436: {  	[tilespmem:s23+$0x7080] =	vst v4  }
0x437: {  	v4 =	vld.idx.msk [tilespmem:v59+s9+$0x0], $0xffff  }
0x438: {  	v60 =	vor.u32 $0xE180, v3;
	_ =	sdelay $0x3  }
0x439: {  	[tilespmem:s23+$0x7100] =	vst v4  }
0x43a: {  	v4 =	vld.idx.msk [tilespmem:v60+s9+$0x0], $0xffff  }
0x43b: {  	v61 =	vor.u32 $0xE200, v3;
	_ =	sdelay $0x3  }
0x43c: {  	[tilespmem:s23+$0x7180] =	vst v4  }
0x43d: {  	v4 =	vld.idx.msk [tilespmem:v61+s9+$0x0], $0xffff  }
0x43e: {  	v62 =	vor.u32 $0xE280, v3;
	_ =	sdelay $0x3  }
0x43f: {  	[tilespmem:s23+$0x7200] =	vst v4  }
0x440: {  	v4 =	vld.idx.msk [tilespmem:v62+s9+$0x0], $0xffff  }
0x441: {  	v63 =	vor.u32 $0xE300, v3;
	_ =	sdelay $0x3  }
0x442: {  	[tilespmem:s23+$0x7280] =	vst v4  }
0x443: {  	v4 =	vld.idx.msk [tilespmem:v63+s9+$0x0], $0xffff  }
0x444: {  	v3 =	vor.u32 $0xE380, v3;
	_ =	sdelay $0x3  }
0x445: {  	[tilespmem:s23+$0x7300] =	vst v4  }
0x446: {  	p0 =	sne.s32 s22, $0xC0;
	v3 =	vld.idx.msk [tilespmem:v3+s9+$0x0], $0xffff  }
.Ltmp17:
0x447: {  	_ = 	snop;
	(pc) =	sbr.rel @p0 .LBB2_37-.Ltmp17, $2  }
0x448: {  	_ =	sdelay $0x2  }
0x449: {  	s20 =	sadd.s32 $0x10, s20;
	s22 =	sadd.s32 $0x40, s22;
	s21 =	sadd.s32 $0x80, s21;
	[tilespmem:s23+$0x7380] =	vst v3  }
0x44a: {  	s18 =	sadd.s32 $0x1, s18  }
0x44b: {  	p0 =	sne.s32 s18, $0x8  }
.Ltmp18:
0x44c: {  	_ = 	snop;
	(pc) =	sbr.rel @p0 .LBB2_2-.Ltmp18, $3  }
0x44d: {  	_ =	sdelay $0x1  }
0x44e: {  	s17 =	sadd.s32 $0x40, s17  }
0x44f: {  	s16 =	sadd.s32 $0x200, s16;
	s15 =	sadd.s32 $0x40, s15;
	s14 =	sadd.s32 $0x4, s14  }
0x450: {  	s13 =	sadd.s32 $0x1, s13  }
0x451: {  	p0 =	sne.s32 s13, s6  }
.Ltmp19:
0x452: {  	_ = 	snop;
	(pc) =	sbr.rel @p0 .LBB2_1-.Ltmp19, $4  }
0x453: {  	[hbm4b:s5+s10] =	stream.strided.scatter [tilespmem:s12], [sflag:$0x2], $0x8000, s11, s10, $0x38;
	[tilespmem:$0x18200] =	vst v63  }
0x454: {  	_ =	swait.ge [sflag:s7], $0x8000  }
0x455: {  	[sflag:s7] =	ssyncset.done $0x0  }
0x456: {  	[sflag:s7] =	ssyncadd.s32 $0xFFFF8000  }
0x457: {  	_ =	sfence.sel $0x180000  }
0x458: {  	[bflag:$0x0] =	sbarrier.arrive $0xFFFF  }
0x459: {  	p0 =	sne.s32 s1, $0x0;
	_ =	strace $0x90000047  }
0x45a: {  	s0 =	sadd.s32 @!p0 $0x100000, s0;
	[bflag:$0x2] =	sbarrier.arrive $0xFFFF  }
0x45b: {  	[sflag:s0] =	ssyncadd.tile.s32 @!p0 $0x1;
	_ =	shalt  }
.Lfunc_end2:
_tile_overlayer_lowered:
.L_overlay_start_2:
0x45c: {  	(tag) =	ssettag $0x2  }
0x45d: {  	s0 =	rddreg [dreg:$0x0];
	s2 =	stileid.u32  }
0x45e: {  	s1 =	rddreg [dreg:$0x1];
	p0 =	sne.s32 s2, $0x0  }
0x45f: {  	s3 =	rddreg [dreg:$0x2];
	[bflag:$0x3] =	sbarrier.arrive $0xFFFF;
	s2 =	simm.s32 @!p0 $0x1C02  }
0x460: {  	[timem:s3], [sflag:s2] =	dma.local @!p0 [hbm:s0], s1  }
0x461: {  	s0 =	simm.s32 @!p0 $0x2  }
0x462: {  	_ =	swait.ge @!p0 [sflag:s0], s1  }
0x463: {  	s1 =	ssub.s32 @!p0 $0x0, s1;
	[sflag:s0] =	ssyncset.done @!p0 $0x0  }
0x464: {  	[sflag:s0] =	ssyncadd.s32 @!p0 s1  }
0x465: {  	[bflag:$0x3] =	sbarrier.arrive $0xFFFF  }
0x466: {  	_ =	shalt  }

</sc_bundles>
